<compile_context>
chip_gen: v7x
topology: tpu7x:2x2x1
jax: 0.10.2.dev20260603
libtpu: 0.0.44.dev20260713+nightly
codegen_flags: <defaults>
</compile_context>

<pallas_src>
import jax
import jax.numpy as jnp
from jax import lax
from jax.experimental import pallas as pl
from jax.experimental.pallas import tpu as pltpu
from jax.experimental.pallas import tpu_sc as plsc

H = 1024
W = 1024
N = 2000000
HW = H * W
NC = 2
NS = 16
L = 16

Q = N // NS
CHUNK = 1024
GROUPS = CHUNK // L
NBATCH = CHUNK // 128
NCH = -(-Q // CHUNK)
LAST_S = Q - CHUNK

RPT = HW // NS
ZLEN = 4096


NCH2 = NCH + (NCH % 2)


def _scatter_body(points_hbm, cost_hbm, grids_hbm,
                  acc, pts_v0, pts_v1, cost_v0, cost_v1,
                  vals_v0, vals_v1, idx_v0, idx_v1, zsrc,
                  sem_z, sem_ld0, sem_ld1, sem_sc0, sem_sc1):
    pts_b = (pts_v0, pts_v1)
    cost_b = (cost_v0, cost_v1)
    vals_b = (vals_v0, vals_v1)
    idx_b = (idx_v0, idx_v1)
    cid = lax.axis_index("c")
    sid = lax.axis_index("s")
    iota = lax.iota(jnp.int32, L)
    fzero = jnp.zeros((L,), jnp.float32)

    @plsc.parallel_loop(0, ZLEN // L, unroll=8)
    def z_body(g):
        zsrc[pl.ds(g * L, L)] = fzero
    base0 = sid * RPT
    zdescs = []
    for k in range(RPT // ZLEN):
        zdescs.append(pltpu.async_copy(
            zsrc, acc.at[pl.ds(base0 + k * ZLEN, ZLEN)], sem_z))

    for vv, iv in ((vals_v0, idx_v0), (vals_v1, idx_v1)):
        @plsc.parallel_loop(0, NBATCH * 8, unroll=8)
        def s_body(t, vv=vv, iv=iv):
            vv[t >> 3, pl.ds((t & 7) * L, L)] = fzero
            iv[t >> 3, pl.ds((t & 7) * L, L)] = t * L + iota

    for d in zdescs:
        d.wait()
    plsc.subcore_barrier()

    pbase = sid * Q
    is_sum = (jnp.zeros((L,), jnp.int32) + cid) == 0
    ld_sems = (sem_ld0, sem_ld1)
    sc_sems = (sem_sc0, sem_sc1)

    def issue_loads(c, b, sem):
        s = jnp.minimum(c * CHUNK, LAST_S)
        pltpu.async_copy(points_hbm.at[pl.ds(pbase + s, CHUNK)],
                         pts_b[b].at[pl.ds(0, CHUNK)], sem)
        pltpu.async_copy(points_hbm.at[pl.ds(N + pbase + s, CHUNK)],
                         pts_b[b].at[pl.ds(CHUNK, CHUNK)], sem)
        pltpu.async_copy(cost_hbm.at[pl.ds(pbase + s, CHUNK)],
                         cost_b[b], sem)

    def wait_loads(b, sem):
        pltpu.make_async_copy(points_hbm.at[pl.ds(0, CHUNK)],
                              pts_b[b].at[pl.ds(0, CHUNK)], sem).wait()
        pltpu.make_async_copy(points_hbm.at[pl.ds(0, CHUNK)],
                              pts_b[b].at[pl.ds(CHUNK, CHUNK)], sem).wait()
        pltpu.make_async_copy(cost_hbm.at[pl.ds(0, CHUNK)],
                              cost_b[b], sem).wait()

    def issue_scatters(b, sem):
        for j in range(NBATCH):
            pltpu.async_copy(vals_b[b].at[j],
                             acc.at[idx_b[b].at[j]], sem, add=True)

    def drain_scatters(b, sem):
        for j in range(NBATCH):
            pltpu.make_async_copy(vals_b[b].at[j],
                                  acc.at[idx_b[b].at[j]], sem).wait()

    issue_loads(0, 0, sem_ld0)
    issue_loads(1, 1, sem_ld1)
    issue_scatters(0, sem_sc0)
    issue_scatters(1, sem_sc1)

    def step(c, b):
        wait_loads(b, ld_sems[b])
        drain_scatters(b, sc_sems[b])
        s = jnp.minimum(c * CHUNK, LAST_S)
        thr = c * CHUNK - s

        @plsc.parallel_loop(0, GROUPS, unroll=8)
        def g_body(g):
            pos = g * L + iota
            x = pts_b[b][pl.ds(g * L, L)]
            y = pts_b[b][pl.ds(CHUNK + g * L, L)]
            cst = cost_b[b][pl.ds(g * L, L)]
            ix = (x + 0.5).astype(jnp.int32)
            iy = (y + 0.5).astype(jnp.int32)
            lin = (iy << 10) + ix
            m = (ix < W) & (iy < H) & (pos >= thr)
            lidx = lin & (HW - 1)
            val = jnp.where(is_sum, cst, 1.0)
            cv = jnp.where(m, val, 0.0)
            vals_b[b][g >> 3, pl.ds((g & 7) * L, L)] = cv
            idx_b[b][g >> 3, pl.ds((g & 7) * L, L)] = lidx

        issue_scatters(b, sc_sems[b])
        issue_loads(c + 2, b, ld_sems[b])

    def chunk_body(k2, carry):
        step(2 * k2, 0)
        step(2 * k2 + 1, 1)
        return carry
    lax.fori_loop(0, NCH2 // 2, chunk_body, 0)

    drain_scatters(0, sem_sc0)
    drain_scatters(1, sem_sc1)
    wait_loads(0, sem_ld0)
    wait_loads(1, sem_ld1)

    plsc.subcore_barrier()

    pltpu.sync_copy(acc.at[pl.ds(sid * RPT, RPT)],
                    grids_hbm.at[pl.ds(cid * HW + sid * RPT, RPT)])


_mesh = plsc.VectorSubcoreMesh(core_axis_name="c", subcore_axis_name="s",
                               num_cores=NC, num_subcores=NS)

_scatter_call = pl.kernel(
    _scatter_body,
    out_type=jax.ShapeDtypeStruct((NC * HW,), jnp.float32),
    mesh=_mesh,
    compiler_params=pltpu.CompilerParams(needs_layout_passes=False,
                                         use_tc_tiling_on_sc=True),
    scratch_types=(
        pltpu.VMEM_SHARED((HW,), jnp.float32),
        pltpu.VMEM((2 * CHUNK,), jnp.float32),
        pltpu.VMEM((2 * CHUNK,), jnp.float32),
        pltpu.VMEM((CHUNK,), jnp.float32),
        pltpu.VMEM((CHUNK,), jnp.float32),
        pltpu.VMEM((NBATCH, 128), jnp.float32),
        pltpu.VMEM((NBATCH, 128), jnp.float32),
        pltpu.VMEM((NBATCH, 128), jnp.int32),
        pltpu.VMEM((NBATCH, 128), jnp.int32),
        pltpu.VMEM((ZLEN,), jnp.float32),
        pltpu.SemaphoreType.DMA,
        pltpu.SemaphoreType.DMA,
        pltpu.SemaphoreType.DMA,
        pltpu.SemaphoreType.DMA,
        pltpu.SemaphoreType.DMA,
    ),
)

BR = 128


def _finalize_body(sum_ref, cnt_ref, dflt_ref, map_ref, mask_ref):
    sm = sum_ref[...]
    cn = cnt_ref[...]
    mean = sm / jnp.maximum(cn, 1.0)
    map_ref[...] = jnp.where(cn > 0.0, mean, dflt_ref[0, 0])
    mask_ref[...] = cn


_finalize_call = pl.pallas_call(
    _finalize_body,
    grid=(H // BR,),
    in_specs=[pl.BlockSpec((BR, W), lambda i: (i, 0)),
              pl.BlockSpec((BR, W), lambda i: (i, 0)),
              pl.BlockSpec((1, 1), lambda i: (0, 0))],
    out_specs=[pl.BlockSpec((BR, W), lambda i: (i, 0)),
               pl.BlockSpec((BR, W), lambda i: (i, 0))],
    out_shape=(jax.ShapeDtypeStruct((H, W), jnp.float32),
               jax.ShapeDtypeStruct((H, W), jnp.float32)),
)


@jax.jit
def kernel(points, cost, default_cost):
    pts_flat = points.T.reshape(-1)
    grids = _scatter_call(pts_flat, cost).reshape(NC, H, W)
    cost_map, cost_mask = _finalize_call(
        grids[0], grids[1],
        default_cost.astype(jnp.float32).reshape(1, 1))
    return cost_map, cost_mask

# --- scband reference (transcript-rebuilt; emitter-appended) ---
"""Pipeline reference for scband-cost-map-layer-88734024335487 (READ-ONLY COPY).

The authoritative reference and input builder live on the scoring server;
editing this copy changes nothing except your own understanding.
"""

import jax, jax.numpy as jnp
import numpy as np

H = 1024
W = 1024
N = 2000000
HALF_CENTOR = True
REDUCE_METHOD = 'MEAN'


def setup_inputs(seed: int = 0) -> dict:
    key = jax.random.key(seed)
    k1, k2 = jax.random.split(key, 2)
    # point coordinates in grid units, uniform over the [0,W)x[0,H) map
    points = jax.random.uniform(k1, (N, 2), dtype=jnp.float32) * jnp.array([W, H], dtype=jnp.float32)
    cost = jax.random.normal(k2, (N,), dtype=jnp.float32)
    # learned parameter: default_cost scalar (add_weight('default_cost', 1, zeros))
    default_cost = jnp.zeros((1,), dtype=jnp.float32)
    return {"points": points, "cost": cost, "default_cost": default_cost}


def cost_aggregate(points, cost, half_centor=True):
    xy = points + (0.5 if half_centor else 0.0)
    ix = jnp.floor(xy[:, 0]).astype(jnp.int32)
    iy = jnp.floor(xy[:, 1]).astype(jnp.int32)
    valid = (ix >= 0) & (ix < W) & (iy >= 0) & (iy < H)
    lin = jnp.where(valid, iy * W + ix, 0)
    lin = jax.lax.stop_gradient(lin)
    w = valid.astype(cost.dtype)
    count = jnp.zeros((H * W,), dtype=cost.dtype).at[lin].add(w)
    csum = jnp.zeros((H * W,), dtype=cost.dtype).at[lin].add(cost * w)
    mean = csum / jnp.maximum(count, 1.0)
    return mean.reshape(H, W), count.reshape(H, W)


def reference(points, cost, default_cost):
    agg, cost_mask = cost_aggregate(points, cost, half_centor=HALF_CENTOR)
    # reduce_method == 'MEAN': cells with at least one point keep the mean,
    # empty cells are filled with the learned default_cost
    cost_map = jnp.where(cost_mask > 0, agg, default_cost[0])
    return (cost_map, cost_mask)

if __name__ == "__main__":
    import jax
    _d = setup_inputs()
    print(jax.jit(kernel)(*tuple(_d.values())))

</pallas_src>

<mosaic_0001>
#map = affine_map<(d0, d1) -> (0)>
module attributes {stable_mosaic.version = 14 : i64} {
  func.func @_scatter_body(%arg0: i32, %arg1: i32, %arg2: memref<4000000xf32, #tpu.memory_space<hbm>>, %arg3: memref<2000000xf32, #tpu.memory_space<hbm>>, %arg4: memref<2097152xf32, #tpu.memory_space<hbm>>, %arg5: memref<1048576xf32, #tpu.memory_space<vmem_shared>>, %arg6: memref<2048xf32, #tpu.memory_space<vmem>>, %arg7: memref<2048xf32, #tpu.memory_space<vmem>>, %arg8: memref<1024xf32, #tpu.memory_space<vmem>>, %arg9: memref<1024xf32, #tpu.memory_space<vmem>>, %arg10: memref<8x128xf32, #tpu.memory_space<vmem>>, %arg11: memref<8x128xf32, #tpu.memory_space<vmem>>, %arg12: memref<8x128xi32, #tpu.memory_space<vmem>>, %arg13: memref<8x128xi32, #tpu.memory_space<vmem>>, %arg14: memref<4096xf32, #tpu.memory_space<vmem>>, %arg15: memref<!tpu.dma_semaphore, #tpu.memory_space<semaphore_mem>>, %arg16: memref<!tpu.dma_semaphore, #tpu.memory_space<semaphore_mem>>, %arg17: memref<!tpu.dma_semaphore, #tpu.memory_space<semaphore_mem>>, %arg18: memref<!tpu.dma_semaphore, #tpu.memory_space<semaphore_mem>>, %arg19: memref<!tpu.dma_semaphore, #tpu.memory_space<semaphore_mem>>) attributes {dimension_semantics = [#tpu.dimension_semantics<core_parallel>, #tpu.dimension_semantics<subcore_parallel>], iteration_bounds = array<i64: 2, 16>, scalar_prefetch = 0 : i64, scratch_operands = 15 : i64, tpu.core_type = #tpu.core_type<sc_vector_subcore>, window_params = [{transform_indices = #map}, {transform_indices = #map}, {transform_indices = #map}]} {
    %iota3A = tpu.iota {dimensions = array<i32: 0>} : vector<16xi32>
    %broadcast_in_dim3A = arith.constant 0.000000e+00 : f32
    %broadcast_in_dim3A_0 = vector.broadcast %broadcast_in_dim3A : f32 to vector<16xf32>
    %parallel_loop3A = arith.constant 0 : i32
    %parallel_loop3A_1 = arith.constant 256 : i32
    %parallel_loop3A_2 = arith.constant 1 : i32
    scf.for %parallel_loop3A_527 = %parallel_loop3A to %parallel_loop3A_1 step %parallel_loop3A_2  : i32 {
      %parallel_loop3A_528 = arith.constant 16 : i32
      %parallel_loop3A_529 = arith.muli %parallel_loop3A_527, %parallel_loop3A_528 : i32
      %parallel_loop3A_530 = arith.index_cast %parallel_loop3A_529 : i32 to index
      %parallel_loop3A_531 = tpu.vector_load %arg14[%parallel_loop3A_530] {strides = array<i32>} : memref<4096xf32, #tpu.memory_space<vmem>>, vector<16xf32>,
      tpu.vector_store %arg14[%parallel_loop3A_530], %broadcast_in_dim3A_0 {strides = array<i32>} : memref<4096xf32, #tpu.memory_space<vmem>>, vector<16xf32>,
    } {sc.loop_unroll_factor = 8 : i64, sc.parallel_access}
    %mul3A = arith.constant 65536 : i32
    %mul3A_3 = arith.muli %arg1, %mul3A : i32
    %add3A = arith.constant 0 : i32
    %add3A_4 = arith.addi %mul3A_3, %add3A : i32
    %dma_start3A = tpu.memref_slice %arg5[%add3A_4] : memref<1048576xf32, #tpu.memory_space<vmem_shared>> -> memref<4096xf32, #tpu.memory_space<vmem_shared>>
    %dma_start3A_5 = tpu.memref_slice %arg5[%add3A_4] : memref<1048576xf32, #tpu.memory_space<vmem_shared>> -> memref<4096xf32, #tpu.memory_space<vmem_shared>>
    tpu.enqueue_dma source(%arg14 : memref<4096xf32, #tpu.memory_space<vmem>>) target(%dma_start3A_5 : memref<4096xf32, #tpu.memory_space<vmem_shared>>) target_semaphore(%arg15 : memref<!tpu.dma_semaphore, #tpu.memory_space<semaphore_mem>>)
    %add3A_6 = arith.constant 4096 : i32
    %add3A_7 = arith.addi %mul3A_3, %add3A_6 : i32
    %dma_start3A_8 = tpu.memref_slice %arg5[%add3A_7] : memref<1048576xf32, #tpu.memory_space<vmem_shared>> -> memref<4096xf32, #tpu.memory_space<vmem_shared>>
    %dma_start3A_9 = tpu.memref_slice %arg5[%add3A_7] : memref<1048576xf32, #tpu.memory_space<vmem_shared>> -> memref<4096xf32, #tpu.memory_space<vmem_shared>>
    tpu.enqueue_dma source(%arg14 : memref<4096xf32, #tpu.memory_space<vmem>>) target(%dma_start3A_9 : memref<4096xf32, #tpu.memory_space<vmem_shared>>) target_semaphore(%arg15 : memref<!tpu.dma_semaphore, #tpu.memory_space<semaphore_mem>>)
    %add3A_10 = arith.constant 8192 : i32
    %add3A_11 = arith.addi %mul3A_3, %add3A_10 : i32
    %dma_start3A_12 = tpu.memref_slice %arg5[%add3A_11] : memref<1048576xf32, #tpu.memory_space<vmem_shared>> -> memref<4096xf32, #tpu.memory_space<vmem_shared>>
    %dma_start3A_13 = tpu.memref_slice %arg5[%add3A_11] : memref<1048576xf32, #tpu.memory_space<vmem_shared>> -> memref<4096xf32, #tpu.memory_space<vmem_shared>>
    tpu.enqueue_dma source(%arg14 : memref<4096xf32, #tpu.memory_space<vmem>>) target(%dma_start3A_13 : memref<4096xf32, #tpu.memory_space<vmem_shared>>) target_semaphore(%arg15 : memref<!tpu.dma_semaphore, #tpu.memory_space<semaphore_mem>>)
    %add3A_14 = arith.constant 12288 : i32
    %add3A_15 = arith.addi %mul3A_3, %add3A_14 : i32
    %dma_start3A_16 = tpu.memref_slice %arg5[%add3A_15] : memref<1048576xf32, #tpu.memory_space<vmem_shared>> -> memref<4096xf32, #tpu.memory_space<vmem_shared>>
    %dma_start3A_17 = tpu.memref_slice %arg5[%add3A_15] : memref<1048576xf32, #tpu.memory_space<vmem_shared>> -> memref<4096xf32, #tpu.memory_space<vmem_shared>>
    tpu.enqueue_dma source(%arg14 : memref<4096xf32, #tpu.memory_space<vmem>>) target(%dma_start3A_17 : memref<4096xf32, #tpu.memory_space<vmem_shared>>) target_semaphore(%arg15 : memref<!tpu.dma_semaphore, #tpu.memory_space<semaphore_mem>>)
    %add3A_18 = arith.constant 16384 : i32
    %add3A_19 = arith.addi %mul3A_3, %add3A_18 : i32
    %dma_start3A_20 = tpu.memref_slice %arg5[%add3A_19] : memref<1048576xf32, #tpu.memory_space<vmem_shared>> -> memref<4096xf32, #tpu.memory_space<vmem_shared>>
    %dma_start3A_21 = tpu.memref_slice %arg5[%add3A_19] : memref<1048576xf32, #tpu.memory_space<vmem_shared>> -> memref<4096xf32, #tpu.memory_space<vmem_shared>>
    tpu.enqueue_dma source(%arg14 : memref<4096xf32, #tpu.memory_space<vmem>>) target(%dma_start3A_21 : memref<4096xf32, #tpu.memory_space<vmem_shared>>) target_semaphore(%arg15 : memref<!tpu.dma_semaphore, #tpu.memory_space<semaphore_mem>>)
    %add3A_22 = arith.constant 20480 : i32
    %add3A_23 = arith.addi %mul3A_3, %add3A_22 : i32
    %dma_start3A_24 = tpu.memref_slice %arg5[%add3A_23] : memref<1048576xf32, #tpu.memory_space<vmem_shared>> -> memref<4096xf32, #tpu.memory_space<vmem_shared>>
    %dma_start3A_25 = tpu.memref_slice %arg5[%add3A_23] : memref<1048576xf32, #tpu.memory_space<vmem_shared>> -> memref<4096xf32, #tpu.memory_space<vmem_shared>>
    tpu.enqueue_dma source(%arg14 : memref<4096xf32, #tpu.memory_space<vmem>>) target(%dma_start3A_25 : memref<4096xf32, #tpu.memory_space<vmem_shared>>) target_semaphore(%arg15 : memref<!tpu.dma_semaphore, #tpu.memory_space<semaphore_mem>>)
    %add3A_26 = arith.constant 24576 : i32
    %add3A_27 = arith.addi %mul3A_3, %add3A_26 : i32
    %dma_start3A_28 = tpu.memref_slice %arg5[%add3A_27] : memref<1048576xf32, #tpu.memory_space<vmem_shared>> -> memref<4096xf32, #tpu.memory_space<vmem_shared>>
    %dma_start3A_29 = tpu.memref_slice %arg5[%add3A_27] : memref<1048576xf32, #tpu.memory_space<vmem_shared>> -> memref<4096xf32, #tpu.memory_space<vmem_shared>>
    tpu.enqueue_dma source(%arg14 : memref<4096xf32, #tpu.memory_space<vmem>>) target(%dma_start3A_29 : memref<4096xf32, #tpu.memory_space<vmem_shared>>) target_semaphore(%arg15 : memref<!tpu.dma_semaphore, #tpu.memory_space<semaphore_mem>>)
    %add3A_30 = arith.constant 28672 : i32
    %add3A_31 = arith.addi %mul3A_3, %add3A_30 : i32
    %dma_start3A_32 = tpu.memref_slice %arg5[%add3A_31] : memref<1048576xf32, #tpu.memory_space<vmem_shared>> -> memref<4096xf32, #tpu.memory_space<vmem_shared>>
    %dma_start3A_33 = tpu.memref_slice %arg5[%add3A_31] : memref<1048576xf32, #tpu.memory_space<vmem_shared>> -> memref<4096xf32, #tpu.memory_space<vmem_shared>>
    tpu.enqueue_dma source(%arg14 : memref<4096xf32, #tpu.memory_space<vmem>>) target(%dma_start3A_33 : memref<4096xf32, #tpu.memory_space<vmem_shared>>) target_semaphore(%arg15 : memref<!tpu.dma_semaphore, #tpu.memory_space<semaphore_mem>>)
    %add3A_34 = arith.constant 32768 : i32
    %add3A_35 = arith.addi %mul3A_3, %add3A_34 : i32
    %dma_start3A_36 = tpu.memref_slice %arg5[%add3A_35] : memref<1048576xf32, #tpu.memory_space<vmem_shared>> -> memref<4096xf32, #tpu.memory_space<vmem_shared>>
    %dma_start3A_37 = tpu.memref_slice %arg5[%add3A_35] : memref<1048576xf32, #tpu.memory_space<vmem_shared>> -> memref<4096xf32, #tpu.memory_space<vmem_shared>>
    tpu.enqueue_dma source(%arg14 : memref<4096xf32, #tpu.memory_space<vmem>>) target(%dma_start3A_37 : memref<4096xf32, #tpu.memory_space<vmem_shared>>) target_semaphore(%arg15 : memref<!tpu.dma_semaphore, #tpu.memory_space<semaphore_mem>>)
    %add3A_38 = arith.constant 36864 : i32
    %add3A_39 = arith.addi %mul3A_3, %add3A_38 : i32
    %dma_start3A_40 = tpu.memref_slice %arg5[%add3A_39] : memref<1048576xf32, #tpu.memory_space<vmem_shared>> -> memref<4096xf32, #tpu.memory_space<vmem_shared>>
    %dma_start3A_41 = tpu.memref_slice %arg5[%add3A_39] : memref<1048576xf32, #tpu.memory_space<vmem_shared>> -> memref<4096xf32, #tpu.memory_space<vmem_shared>>
    tpu.enqueue_dma source(%arg14 : memref<4096xf32, #tpu.memory_space<vmem>>) target(%dma_start3A_41 : memref<4096xf32, #tpu.memory_space<vmem_shared>>) target_semaphore(%arg15 : memref<!tpu.dma_semaphore, #tpu.memory_space<semaphore_mem>>)
    %add3A_42 = arith.constant 40960 : i32
    %add3A_43 = arith.addi %mul3A_3, %add3A_42 : i32
    %dma_start3A_44 = tpu.memref_slice %arg5[%add3A_43] : memref<1048576xf32, #tpu.memory_space<vmem_shared>> -> memref<4096xf32, #tpu.memory_space<vmem_shared>>
    %dma_start3A_45 = tpu.memref_slice %arg5[%add3A_43] : memref<1048576xf32, #tpu.memory_space<vmem_shared>> -> memref<4096xf32, #tpu.memory_space<vmem_shared>>
    tpu.enqueue_dma source(%arg14 : memref<4096xf32, #tpu.memory_space<vmem>>) target(%dma_start3A_45 : memref<4096xf32, #tpu.memory_space<vmem_shared>>) target_semaphore(%arg15 : memref<!tpu.dma_semaphore, #tpu.memory_space<semaphore_mem>>)
    %add3A_46 = arith.constant 45056 : i32
    %add3A_47 = arith.addi %mul3A_3, %add3A_46 : i32
    %dma_start3A_48 = tpu.memref_slice %arg5[%add3A_47] : memref<1048576xf32, #tpu.memory_space<vmem_shared>> -> memref<4096xf32, #tpu.memory_space<vmem_shared>>
    %dma_start3A_49 = tpu.memref_slice %arg5[%add3A_47] : memref<1048576xf32, #tpu.memory_space<vmem_shared>> -> memref<4096xf32, #tpu.memory_space<vmem_shared>>
    tpu.enqueue_dma source(%arg14 : memref<4096xf32, #tpu.memory_space<vmem>>) target(%dma_start3A_49 : memref<4096xf32, #tpu.memory_space<vmem_shared>>) target_semaphore(%arg15 : memref<!tpu.dma_semaphore, #tpu.memory_space<semaphore_mem>>)
    %add3A_50 = arith.constant 49152 : i32
    %add3A_51 = arith.addi %mul3A_3, %add3A_50 : i32
    %dma_start3A_52 = tpu.memref_slice %arg5[%add3A_51] : memref<1048576xf32, #tpu.memory_space<vmem_shared>> -> memref<4096xf32, #tpu.memory_space<vmem_shared>>
    %dma_start3A_53 = tpu.memref_slice %arg5[%add3A_51] : memref<1048576xf32, #tpu.memory_space<vmem_shared>> -> memref<4096xf32, #tpu.memory_space<vmem_shared>>
    tpu.enqueue_dma source(%arg14 : memref<4096xf32, #tpu.memory_space<vmem>>) target(%dma_start3A_53 : memref<4096xf32, #tpu.memory_space<vmem_shared>>) target_semaphore(%arg15 : memref<!tpu.dma_semaphore, #tpu.memory_space<semaphore_mem>>)
    %add3A_54 = arith.constant 53248 : i32
    %add3A_55 = arith.addi %mul3A_3, %add3A_54 : i32
    %dma_start3A_56 = tpu.memref_slice %arg5[%add3A_55] : memref<1048576xf32, #tpu.memory_space<vmem_shared>> -> memref<4096xf32, #tpu.memory_space<vmem_shared>>
    %dma_start3A_57 = tpu.memref_slice %arg5[%add3A_55] : memref<1048576xf32, #tpu.memory_space<vmem_shared>> -> memref<4096xf32, #tpu.memory_space<vmem_shared>>
    tpu.enqueue_dma source(%arg14 : memref<4096xf32, #tpu.memory_space<vmem>>) target(%dma_start3A_57 : memref<4096xf32, #tpu.memory_space<vmem_shared>>) target_semaphore(%arg15 : memref<!tpu.dma_semaphore, #tpu.memory_space<semaphore_mem>>)
    %add3A_58 = arith.constant 57344 : i32
    %add3A_59 = arith.addi %mul3A_3, %add3A_58 : i32
    %dma_start3A_60 = tpu.memref_slice %arg5[%add3A_59] : memref<1048576xf32, #tpu.memory_space<vmem_shared>> -> memref<4096xf32, #tpu.memory_space<vmem_shared>>
    %dma_start3A_61 = tpu.memref_slice %arg5[%add3A_59] : memref<1048576xf32, #tpu.memory_space<vmem_shared>> -> memref<4096xf32, #tpu.memory_space<vmem_shared>>
    tpu.enqueue_dma source(%arg14 : memref<4096xf32, #tpu.memory_space<vmem>>) target(%dma_start3A_61 : memref<4096xf32, #tpu.memory_space<vmem_shared>>) target_semaphore(%arg15 : memref<!tpu.dma_semaphore, #tpu.memory_space<semaphore_mem>>)
    %add3A_62 = arith.constant 61440 : i32
    %add3A_63 = arith.addi %mul3A_3, %add3A_62 : i32
    %dma_start3A_64 = tpu.memref_slice %arg5[%add3A_63] : memref<1048576xf32, #tpu.memory_space<vmem_shared>> -> memref<4096xf32, #tpu.memory_space<vmem_shared>>
    %dma_start3A_65 = tpu.memref_slice %arg5[%add3A_63] : memref<1048576xf32, #tpu.memory_space<vmem_shared>> -> memref<4096xf32, #tpu.memory_space<vmem_shared>>
    tpu.enqueue_dma source(%arg14 : memref<4096xf32, #tpu.memory_space<vmem>>) target(%dma_start3A_65 : memref<4096xf32, #tpu.memory_space<vmem_shared>>) target_semaphore(%arg15 : memref<!tpu.dma_semaphore, #tpu.memory_space<semaphore_mem>>)
    %parallel_loop3A_66 = arith.constant 0 : i32
    %parallel_loop3A_67 = arith.constant 64 : i32
    %parallel_loop3A_68 = arith.constant 1 : i32
    scf.for %parallel_loop3A_527 = %parallel_loop3A_66 to %parallel_loop3A_67 step %parallel_loop3A_68  : i32 {
      %parallel_loop3A_528 = arith.constant 3 : i32
      %parallel_loop3A_529 = arith.shrsi %parallel_loop3A_527, %parallel_loop3A_528 : i32
      %parallel_loop3A_530 = arith.constant 7 : i32
      %parallel_loop3A_531 = arith.andi %parallel_loop3A_527, %parallel_loop3A_530 : i32
      %parallel_loop3A_532 = arith.constant 16 : i32
      %parallel_loop3A_533 = arith.muli %parallel_loop3A_531, %parallel_loop3A_532 : i32
      %parallel_loop3A_534 = arith.index_cast %parallel_loop3A_529 : i32 to index
      %parallel_loop3A_535 = arith.index_cast %parallel_loop3A_533 : i32 to index
      %parallel_loop3A_536 = tpu.vector_load %arg10[%parallel_loop3A_534, %parallel_loop3A_535] {strides = array<i32>} : memref<8x128xf32, #tpu.memory_space<vmem>>, vector<16xf32>,
      tpu.vector_store %arg10[%parallel_loop3A_534, %parallel_loop3A_535], %broadcast_in_dim3A_0 {strides = array<i32>} : memref<8x128xf32, #tpu.memory_space<vmem>>, vector<16xf32>,
      %parallel_loop3A_537 = arith.constant 16 : i32
      %parallel_loop3A_538 = arith.muli %parallel_loop3A_527, %parallel_loop3A_537 : i32
      %parallel_loop3A_539 = vector.broadcast %parallel_loop3A_538 : i32 to vector<16xi32>
      %parallel_loop3A_540 = arith.addi %parallel_loop3A_539, %iota3A : vector<16xi32>
      %parallel_loop3A_541 = arith.constant 3 : i32
      %parallel_loop3A_542 = arith.shrsi %parallel_loop3A_527, %parallel_loop3A_541 : i32
      %parallel_loop3A_543 = arith.constant 7 : i32
      %parallel_loop3A_544 = arith.andi %parallel_loop3A_527, %parallel_loop3A_543 : i32
      %parallel_loop3A_545 = arith.constant 16 : i32
      %parallel_loop3A_546 = arith.muli %parallel_loop3A_544, %parallel_loop3A_545 : i32
      %parallel_loop3A_547 = arith.index_cast %parallel_loop3A_542 : i32 to index
      %parallel_loop3A_548 = arith.index_cast %parallel_loop3A_546 : i32 to index
      %parallel_loop3A_549 = tpu.vector_load %arg12[%parallel_loop3A_547, %parallel_loop3A_548] {strides = array<i32>} : memref<8x128xi32, #tpu.memory_space<vmem>>, vector<16xi32>,
      tpu.vector_store %arg12[%parallel_loop3A_547, %parallel_loop3A_548], %parallel_loop3A_540 {strides = array<i32>} : memref<8x128xi32, #tpu.memory_space<vmem>>, vector<16xi32>,
    } {sc.loop_unroll_factor = 8 : i64, sc.parallel_access}
    %parallel_loop3A_69 = arith.constant 0 : i32
    %parallel_loop3A_70 = arith.constant 64 : i32
    %parallel_loop3A_71 = arith.constant 1 : i32
    scf.for %parallel_loop3A_527 = %parallel_loop3A_69 to %parallel_loop3A_70 step %parallel_loop3A_71  : i32 {
      %parallel_loop3A_528 = arith.constant 3 : i32
      %parallel_loop3A_529 = arith.shrsi %parallel_loop3A_527, %parallel_loop3A_528 : i32
      %parallel_loop3A_530 = arith.constant 7 : i32
      %parallel_loop3A_531 = arith.andi %parallel_loop3A_527, %parallel_loop3A_530 : i32
      %parallel_loop3A_532 = arith.constant 16 : i32
      %parallel_loop3A_533 = arith.muli %parallel_loop3A_531, %parallel_loop3A_532 : i32
      %parallel_loop3A_534 = arith.index_cast %parallel_loop3A_529 : i32 to index
      %parallel_loop3A_535 = arith.index_cast %parallel_loop3A_533 : i32 to index
      %parallel_loop3A_536 = tpu.vector_load %arg11[%parallel_loop3A_534, %parallel_loop3A_535] {strides = array<i32>} : memref<8x128xf32, #tpu.memory_space<vmem>>, vector<16xf32>,
      tpu.vector_store %arg11[%parallel_loop3A_534, %parallel_loop3A_535], %broadcast_in_dim3A_0 {strides = array<i32>} : memref<8x128xf32, #tpu.memory_space<vmem>>, vector<16xf32>,
      %parallel_loop3A_537 = arith.constant 16 : i32
      %parallel_loop3A_538 = arith.muli %parallel_loop3A_527, %parallel_loop3A_537 : i32
      %parallel_loop3A_539 = vector.broadcast %parallel_loop3A_538 : i32 to vector<16xi32>
      %parallel_loop3A_540 = arith.addi %parallel_loop3A_539, %iota3A : vector<16xi32>
      %parallel_loop3A_541 = arith.constant 3 : i32
      %parallel_loop3A_542 = arith.shrsi %parallel_loop3A_527, %parallel_loop3A_541 : i32
      %parallel_loop3A_543 = arith.constant 7 : i32
      %parallel_loop3A_544 = arith.andi %parallel_loop3A_527, %parallel_loop3A_543 : i32
      %parallel_loop3A_545 = arith.constant 16 : i32
      %parallel_loop3A_546 = arith.muli %parallel_loop3A_544, %parallel_loop3A_545 : i32
      %parallel_loop3A_547 = arith.index_cast %parallel_loop3A_542 : i32 to index
      %parallel_loop3A_548 = arith.index_cast %parallel_loop3A_546 : i32 to index
      %parallel_loop3A_549 = tpu.vector_load %arg13[%parallel_loop3A_547, %parallel_loop3A_548] {strides = array<i32>} : memref<8x128xi32, #tpu.memory_space<vmem>>, vector<16xi32>,
      tpu.vector_store %arg13[%parallel_loop3A_547, %parallel_loop3A_548], %parallel_loop3A_540 {strides = array<i32>} : memref<8x128xi32, #tpu.memory_space<vmem>>, vector<16xi32>,
    } {sc.loop_unroll_factor = 8 : i64, sc.parallel_access}
    %dma_wait3A = tpu.memref_slice %arg5[%add3A_4] : memref<1048576xf32, #tpu.memory_space<vmem_shared>> -> memref<4096xf32, #tpu.memory_space<vmem_shared>>
    %dma_wait3A_72 = tpu.memref_slice %arg5[%add3A_4] : memref<1048576xf32, #tpu.memory_space<vmem_shared>> -> memref<4096xf32, #tpu.memory_space<vmem_shared>>
    tpu.wait_dma2 semaphore(%arg15 : memref<!tpu.dma_semaphore, #tpu.memory_space<semaphore_mem>>) src(%arg14 : memref<4096xf32, #tpu.memory_space<vmem>>) dst(%dma_wait3A_72 : memref<4096xf32, #tpu.memory_space<vmem_shared>>)
    %dma_wait3A_73 = tpu.memref_slice %arg5[%add3A_7] : memref<1048576xf32, #tpu.memory_space<vmem_shared>> -> memref<4096xf32, #tpu.memory_space<vmem_shared>>
    %dma_wait3A_74 = tpu.memref_slice %arg5[%add3A_7] : memref<1048576xf32, #tpu.memory_space<vmem_shared>> -> memref<4096xf32, #tpu.memory_space<vmem_shared>>
    tpu.wait_dma2 semaphore(%arg15 : memref<!tpu.dma_semaphore, #tpu.memory_space<semaphore_mem>>) src(%arg14 : memref<4096xf32, #tpu.memory_space<vmem>>) dst(%dma_wait3A_74 : memref<4096xf32, #tpu.memory_space<vmem_shared>>)
    %dma_wait3A_75 = tpu.memref_slice %arg5[%add3A_11] : memref<1048576xf32, #tpu.memory_space<vmem_shared>> -> memref<4096xf32, #tpu.memory_space<vmem_shared>>
    %dma_wait3A_76 = tpu.memref_slice %arg5[%add3A_11] : memref<1048576xf32, #tpu.memory_space<vmem_shared>> -> memref<4096xf32, #tpu.memory_space<vmem_shared>>
    tpu.wait_dma2 semaphore(%arg15 : memref<!tpu.dma_semaphore, #tpu.memory_space<semaphore_mem>>) src(%arg14 : memref<4096xf32, #tpu.memory_space<vmem>>) dst(%dma_wait3A_76 : memref<4096xf32, #tpu.memory_space<vmem_shared>>)
    %dma_wait3A_77 = tpu.memref_slice %arg5[%add3A_15] : memref<1048576xf32, #tpu.memory_space<vmem_shared>> -> memref<4096xf32, #tpu.memory_space<vmem_shared>>
    %dma_wait3A_78 = tpu.memref_slice %arg5[%add3A_15] : memref<1048576xf32, #tpu.memory_space<vmem_shared>> -> memref<4096xf32, #tpu.memory_space<vmem_shared>>
    tpu.wait_dma2 semaphore(%arg15 : memref<!tpu.dma_semaphore, #tpu.memory_space<semaphore_mem>>) src(%arg14 : memref<4096xf32, #tpu.memory_space<vmem>>) dst(%dma_wait3A_78 : memref<4096xf32, #tpu.memory_space<vmem_shared>>)
    %dma_wait3A_79 = tpu.memref_slice %arg5[%add3A_19] : memref<1048576xf32, #tpu.memory_space<vmem_shared>> -> memref<4096xf32, #tpu.memory_space<vmem_shared>>
    %dma_wait3A_80 = tpu.memref_slice %arg5[%add3A_19] : memref<1048576xf32, #tpu.memory_space<vmem_shared>> -> memref<4096xf32, #tpu.memory_space<vmem_shared>>
    tpu.wait_dma2 semaphore(%arg15 : memref<!tpu.dma_semaphore, #tpu.memory_space<semaphore_mem>>) src(%arg14 : memref<4096xf32, #tpu.memory_space<vmem>>) dst(%dma_wait3A_80 : memref<4096xf32, #tpu.memory_space<vmem_shared>>)
    %dma_wait3A_81 = tpu.memref_slice %arg5[%add3A_23] : memref<1048576xf32, #tpu.memory_space<vmem_shared>> -> memref<4096xf32, #tpu.memory_space<vmem_shared>>
    %dma_wait3A_82 = tpu.memref_slice %arg5[%add3A_23] : memref<1048576xf32, #tpu.memory_space<vmem_shared>> -> memref<4096xf32, #tpu.memory_space<vmem_shared>>
    tpu.wait_dma2 semaphore(%arg15 : memref<!tpu.dma_semaphore, #tpu.memory_space<semaphore_mem>>) src(%arg14 : memref<4096xf32, #tpu.memory_space<vmem>>) dst(%dma_wait3A_82 : memref<4096xf32, #tpu.memory_space<vmem_shared>>)
    %dma_wait3A_83 = tpu.memref_slice %arg5[%add3A_27] : memref<1048576xf32, #tpu.memory_space<vmem_shared>> -> memref<4096xf32, #tpu.memory_space<vmem_shared>>
    %dma_wait3A_84 = tpu.memref_slice %arg5[%add3A_27] : memref<1048576xf32, #tpu.memory_space<vmem_shared>> -> memref<4096xf32, #tpu.memory_space<vmem_shared>>
    tpu.wait_dma2 semaphore(%arg15 : memref<!tpu.dma_semaphore, #tpu.memory_space<semaphore_mem>>) src(%arg14 : memref<4096xf32, #tpu.memory_space<vmem>>) dst(%dma_wait3A_84 : memref<4096xf32, #tpu.memory_space<vmem_shared>>)
    %dma_wait3A_85 = tpu.memref_slice %arg5[%add3A_31] : memref<1048576xf32, #tpu.memory_space<vmem_shared>> -> memref<4096xf32, #tpu.memory_space<vmem_shared>>
    %dma_wait3A_86 = tpu.memref_slice %arg5[%add3A_31] : memref<1048576xf32, #tpu.memory_space<vmem_shared>> -> memref<4096xf32, #tpu.memory_space<vmem_shared>>
    tpu.wait_dma2 semaphore(%arg15 : memref<!tpu.dma_semaphore, #tpu.memory_space<semaphore_mem>>) src(%arg14 : memref<4096xf32, #tpu.memory_space<vmem>>) dst(%dma_wait3A_86 : memref<4096xf32, #tpu.memory_space<vmem_shared>>)
    %dma_wait3A_87 = tpu.memref_slice %arg5[%add3A_35] : memref<1048576xf32, #tpu.memory_space<vmem_shared>> -> memref<4096xf32, #tpu.memory_space<vmem_shared>>
    %dma_wait3A_88 = tpu.memref_slice %arg5[%add3A_35] : memref<1048576xf32, #tpu.memory_space<vmem_shared>> -> memref<4096xf32, #tpu.memory_space<vmem_shared>>
    tpu.wait_dma2 semaphore(%arg15 : memref<!tpu.dma_semaphore, #tpu.memory_space<semaphore_mem>>) src(%arg14 : memref<4096xf32, #tpu.memory_space<vmem>>) dst(%dma_wait3A_88 : memref<4096xf32, #tpu.memory_space<vmem_shared>>)
    %dma_wait3A_89 = tpu.memref_slice %arg5[%add3A_39] : memref<1048576xf32, #tpu.memory_space<vmem_shared>> -> memref<4096xf32, #tpu.memory_space<vmem_shared>>
    %dma_wait3A_90 = tpu.memref_slice %arg5[%add3A_39] : memref<1048576xf32, #tpu.memory_space<vmem_shared>> -> memref<4096xf32, #tpu.memory_space<vmem_shared>>
    tpu.wait_dma2 semaphore(%arg15 : memref<!tpu.dma_semaphore, #tpu.memory_space<semaphore_mem>>) src(%arg14 : memref<4096xf32, #tpu.memory_space<vmem>>) dst(%dma_wait3A_90 : memref<4096xf32, #tpu.memory_space<vmem_shared>>)
    %dma_wait3A_91 = tpu.memref_slice %arg5[%add3A_43] : memref<1048576xf32, #tpu.memory_space<vmem_shared>> -> memref<4096xf32, #tpu.memory_space<vmem_shared>>
    %dma_wait3A_92 = tpu.memref_slice %arg5[%add3A_43] : memref<1048576xf32, #tpu.memory_space<vmem_shared>> -> memref<4096xf32, #tpu.memory_space<vmem_shared>>
    tpu.wait_dma2 semaphore(%arg15 : memref<!tpu.dma_semaphore, #tpu.memory_space<semaphore_mem>>) src(%arg14 : memref<4096xf32, #tpu.memory_space<vmem>>) dst(%dma_wait3A_92 : memref<4096xf32, #tpu.memory_space<vmem_shared>>)
    %dma_wait3A_93 = tpu.memref_slice %arg5[%add3A_47] : memref<1048576xf32, #tpu.memory_space<vmem_shared>> -> memref<4096xf32, #tpu.memory_space<vmem_shared>>
    %dma_wait3A_94 = tpu.memref_slice %arg5[%add3A_47] : memref<1048576xf32, #tpu.memory_space<vmem_shared>> -> memref<4096xf32, #tpu.memory_space<vmem_shared>>
    tpu.wait_dma2 semaphore(%arg15 : memref<!tpu.dma_semaphore, #tpu.memory_space<semaphore_mem>>) src(%arg14 : memref<4096xf32, #tpu.memory_space<vmem>>) dst(%dma_wait3A_94 : memref<4096xf32, #tpu.memory_space<vmem_shared>>)
    %dma_wait3A_95 = tpu.memref_slice %arg5[%add3A_51] : memref<1048576xf32, #tpu.memory_space<vmem_shared>> -> memref<4096xf32, #tpu.memory_space<vmem_shared>>
    %dma_wait3A_96 = tpu.memref_slice %arg5[%add3A_51] : memref<1048576xf32, #tpu.memory_space<vmem_shared>> -> memref<4096xf32, #tpu.memory_space<vmem_shared>>
    tpu.wait_dma2 semaphore(%arg15 : memref<!tpu.dma_semaphore, #tpu.memory_space<semaphore_mem>>) src(%arg14 : memref<4096xf32, #tpu.memory_space<vmem>>) dst(%dma_wait3A_96 : memref<4096xf32, #tpu.memory_space<vmem_shared>>)
    %dma_wait3A_97 = tpu.memref_slice %arg5[%add3A_55] : memref<1048576xf32, #tpu.memory_space<vmem_shared>> -> memref<4096xf32, #tpu.memory_space<vmem_shared>>
    %dma_wait3A_98 = tpu.memref_slice %arg5[%add3A_55] : memref<1048576xf32, #tpu.memory_space<vmem_shared>> -> memref<4096xf32, #tpu.memory_space<vmem_shared>>
    tpu.wait_dma2 semaphore(%arg15 : memref<!tpu.dma_semaphore, #tpu.memory_space<semaphore_mem>>) src(%arg14 : memref<4096xf32, #tpu.memory_space<vmem>>) dst(%dma_wait3A_98 : memref<4096xf32, #tpu.memory_space<vmem_shared>>)
    %dma_wait3A_99 = tpu.memref_slice %arg5[%add3A_59] : memref<1048576xf32, #tpu.memory_space<vmem_shared>> -> memref<4096xf32, #tpu.memory_space<vmem_shared>>
    %dma_wait3A_100 = tpu.memref_slice %arg5[%add3A_59] : memref<1048576xf32, #tpu.memory_space<vmem_shared>> -> memref<4096xf32, #tpu.memory_space<vmem_shared>>
    tpu.wait_dma2 semaphore(%arg15 : memref<!tpu.dma_semaphore, #tpu.memory_space<semaphore_mem>>) src(%arg14 : memref<4096xf32, #tpu.memory_space<vmem>>) dst(%dma_wait3A_100 : memref<4096xf32, #tpu.memory_space<vmem_shared>>)
    %dma_wait3A_101 = tpu.memref_slice %arg5[%add3A_63] : memref<1048576xf32, #tpu.memory_space<vmem_shared>> -> memref<4096xf32, #tpu.memory_space<vmem_shared>>
    %dma_wait3A_102 = tpu.memref_slice %arg5[%add3A_63] : memref<1048576xf32, #tpu.memory_space<vmem_shared>> -> memref<4096xf32, #tpu.memory_space<vmem_shared>>
    tpu.wait_dma2 semaphore(%arg15 : memref<!tpu.dma_semaphore, #tpu.memory_space<semaphore_mem>>) src(%arg14 : memref<4096xf32, #tpu.memory_space<vmem>>) dst(%dma_wait3A_102 : memref<4096xf32, #tpu.memory_space<vmem_shared>>)
    %barrier3A = arith.constant 0 : index
    tpu.barrier barrier_id(%barrier3A)
    %mul3A_103 = arith.constant 125000 : i32
    %mul3A_104 = arith.muli %arg1, %mul3A_103 : i32
    %broadcast_in_dim3A_105 = arith.constant 0 : i32
    %broadcast_in_dim3A_106 = vector.broadcast %broadcast_in_dim3A_105 : i32 to vector<16xi32>
    %add3A_107 = vector.broadcast %arg0 : i32 to vector<16xi32>
    %add3A_108 = arith.addi %broadcast_in_dim3A_106, %add3A_107 : vector<16xi32>
    %eq3A = arith.constant 0 : i32
    %eq3A_109 = vector.broadcast %eq3A : i32 to vector<16xi32>
    %eq3A_110 = arith.cmpi eq, %add3A_108, %eq3A_109 : vector<16xi32>
    %min3A = arith.constant 0 : i32
    %min3A_111 = arith.constant 123976 : i32
    %min3A_112 = arith.minsi %min3A, %min3A_111 : i32
    %add3A_113 = arith.addi %mul3A_104, %min3A_112 : i32
    %dma_start3A_114 = arith.constant 0 : i32
    %dma_start3A_115 = tpu.memref_slice %arg6[%dma_start3A_114] : memref<2048xf32, #tpu.memory_space<vmem>> -> memref<1024xf32, #tpu.memory_space<vmem>>
    %dma_start3A_116 = tpu.memref_slice %arg2[%add3A_113] : memref<4000000xf32, #tpu.memory_space<hbm>> -> memref<1024xf32, #tpu.memory_space<hbm>>
    %dma_start3A_117 = arith.constant 0 : i32
    %dma_start3A_118 = tpu.memref_slice %arg6[%dma_start3A_117] : memref<2048xf32, #tpu.memory_space<vmem>> -> memref<1024xf32, #tpu.memory_space<vmem>>
    %dma_start3A_119 = tpu.memref_slice %arg2[%add3A_113] : memref<4000000xf32, #tpu.memory_space<hbm>> -> memref<1024xf32, #tpu.memory_space<hbm>>
    tpu.enqueue_dma source(%dma_start3A_119 : memref<1024xf32, #tpu.memory_space<hbm>>) target(%dma_start3A_118 : memref<1024xf32, #tpu.memory_space<vmem>>) target_semaphore(%arg16 : memref<!tpu.dma_semaphore, #tpu.memory_space<semaphore_mem>>)
    %add3A_120 = arith.constant 2000000 : i32
    %add3A_121 = arith.addi %add3A_120, %mul3A_104 : i32
    %add3A_122 = arith.addi %add3A_121, %min3A_112 : i32
    %dma_start3A_123 = arith.constant 1024 : i32
    %dma_start3A_124 = tpu.memref_slice %arg6[%dma_start3A_123] : memref<2048xf32, #tpu.memory_space<vmem>> -> memref<1024xf32, #tpu.memory_space<vmem>>
    %dma_start3A_125 = tpu.memref_slice %arg2[%add3A_122] : memref<4000000xf32, #tpu.memory_space<hbm>> -> memref<1024xf32, #tpu.memory_space<hbm>>
    %dma_start3A_126 = arith.constant 1024 : i32
    %dma_start3A_127 = tpu.memref_slice %arg6[%dma_start3A_126] : memref<2048xf32, #tpu.memory_space<vmem>> -> memref<1024xf32, #tpu.memory_space<vmem>>
    %dma_start3A_128 = tpu.memref_slice %arg2[%add3A_122] : memref<4000000xf32, #tpu.memory_space<hbm>> -> memref<1024xf32, #tpu.memory_space<hbm>>
    tpu.enqueue_dma source(%dma_start3A_128 : memref<1024xf32, #tpu.memory_space<hbm>>) target(%dma_start3A_127 : memref<1024xf32, #tpu.memory_space<vmem>>) target_semaphore(%arg16 : memref<!tpu.dma_semaphore, #tpu.memory_space<semaphore_mem>>)
    %add3A_129 = arith.addi %mul3A_104, %min3A_112 : i32
    %dma_start3A_130 = tpu.memref_slice %arg3[%add3A_129] : memref<2000000xf32, #tpu.memory_space<hbm>> -> memref<1024xf32, #tpu.memory_space<hbm>>
    %dma_start3A_131 = tpu.memref_slice %arg3[%add3A_129] : memref<2000000xf32, #tpu.memory_space<hbm>> -> memref<1024xf32, #tpu.memory_space<hbm>>
    tpu.enqueue_dma source(%dma_start3A_131 : memref<1024xf32, #tpu.memory_space<hbm>>) target(%arg8 : memref<1024xf32, #tpu.memory_space<vmem>>) target_semaphore(%arg16 : memref<!tpu.dma_semaphore, #tpu.memory_space<semaphore_mem>>)
    %min3A_132 = arith.constant 1024 : i32
    %min3A_133 = arith.constant 123976 : i32
    %min3A_134 = arith.minsi %min3A_132, %min3A_133 : i32
    %add3A_135 = arith.addi %mul3A_104, %min3A_134 : i32
    %dma_start3A_136 = arith.constant 0 : i32
    %dma_start3A_137 = tpu.memref_slice %arg7[%dma_start3A_136] : memref<2048xf32, #tpu.memory_space<vmem>> -> memref<1024xf32, #tpu.memory_space<vmem>>
    %dma_start3A_138 = tpu.memref_slice %arg2[%add3A_135] : memref<4000000xf32, #tpu.memory_space<hbm>> -> memref<1024xf32, #tpu.memory_space<hbm>>
    %dma_start3A_139 = arith.constant 0 : i32
    %dma_start3A_140 = tpu.memref_slice %arg7[%dma_start3A_139] : memref<2048xf32, #tpu.memory_space<vmem>> -> memref<1024xf32, #tpu.memory_space<vmem>>
    %dma_start3A_141 = tpu.memref_slice %arg2[%add3A_135] : memref<4000000xf32, #tpu.memory_space<hbm>> -> memref<1024xf32, #tpu.memory_space<hbm>>
    tpu.enqueue_dma source(%dma_start3A_141 : memref<1024xf32, #tpu.memory_space<hbm>>) target(%dma_start3A_140 : memref<1024xf32, #tpu.memory_space<vmem>>) target_semaphore(%arg17 : memref<!tpu.dma_semaphore, #tpu.memory_space<semaphore_mem>>)
    %add3A_142 = arith.constant 2000000 : i32
    %add3A_143 = arith.addi %add3A_142, %mul3A_104 : i32
    %add3A_144 = arith.addi %add3A_143, %min3A_134 : i32
    %dma_start3A_145 = arith.constant 1024 : i32
    %dma_start3A_146 = tpu.memref_slice %arg7[%dma_start3A_145] : memref<2048xf32, #tpu.memory_space<vmem>> -> memref<1024xf32, #tpu.memory_space<vmem>>
    %dma_start3A_147 = tpu.memref_slice %arg2[%add3A_144] : memref<4000000xf32, #tpu.memory_space<hbm>> -> memref<1024xf32, #tpu.memory_space<hbm>>
    %dma_start3A_148 = arith.constant 1024 : i32
    %dma_start3A_149 = tpu.memref_slice %arg7[%dma_start3A_148] : memref<2048xf32, #tpu.memory_space<vmem>> -> memref<1024xf32, #tpu.memory_space<vmem>>
    %dma_start3A_150 = tpu.memref_slice %arg2[%add3A_144] : memref<4000000xf32, #tpu.memory_space<hbm>> -> memref<1024xf32, #tpu.memory_space<hbm>>
    tpu.enqueue_dma source(%dma_start3A_150 : memref<1024xf32, #tpu.memory_space<hbm>>) target(%dma_start3A_149 : memref<1024xf32, #tpu.memory_space<vmem>>) target_semaphore(%arg17 : memref<!tpu.dma_semaphore, #tpu.memory_space<semaphore_mem>>)
    %add3A_151 = arith.addi %mul3A_104, %min3A_134 : i32
    %dma_start3A_152 = tpu.memref_slice %arg3[%add3A_151] : memref<2000000xf32, #tpu.memory_space<hbm>> -> memref<1024xf32, #tpu.memory_space<hbm>>
    %dma_start3A_153 = tpu.memref_slice %arg3[%add3A_151] : memref<2000000xf32, #tpu.memory_space<hbm>> -> memref<1024xf32, #tpu.memory_space<hbm>>
    tpu.enqueue_dma source(%dma_start3A_153 : memref<1024xf32, #tpu.memory_space<hbm>>) target(%arg9 : memref<1024xf32, #tpu.memory_space<vmem>>) target_semaphore(%arg17 : memref<!tpu.dma_semaphore, #tpu.memory_space<semaphore_mem>>)
    %dma_start3A_154 = arith.constant 0 : i32
    %dma_start3A_155 = arith.constant 0 : i32
    %dma_start3A_156 = arith.constant 0 : i32
    %dma_start3A_157 = tpu.memref_slice %arg10[%dma_start3A_154, %dma_start3A_156] : memref<8x128xf32, #tpu.memory_space<vmem>> -> memref<1x128xf32, #tpu.memory_space<vmem>>
    %dma_start3A_158 = tpu.memref_squeeze %dma_start3A_157 : memref<1x128xf32, #tpu.memory_space<vmem>> -> memref<128xf32, #tpu.memory_space<vmem>>
    %dma_start3A_159 = arith.constant 0 : i32
    %dma_start3A_160 = tpu.memref_slice %arg12[%dma_start3A_155, %dma_start3A_159] : memref<8x128xi32, #tpu.memory_space<vmem>> -> memref<1x128xi32, #tpu.memory_space<vmem>>
    %dma_start3A_161 = tpu.memref_squeeze %dma_start3A_160 : memref<1x128xi32, #tpu.memory_space<vmem>> -> memref<128xi32, #tpu.memory_space<vmem>>
    %dma_start3A_162 = arith.constant 0 : i32
    %dma_start3A_163 = tpu.memref_slice %arg5[%dma_start3A_162] : memref<1048576xf32, #tpu.memory_space<vmem_shared>> -> memref<1048576xf32, #tpu.memory_space<vmem_shared>>
    tpu.enqueue_indirect_dma source(%dma_start3A_158 : memref<128xf32, #tpu.memory_space<vmem>>) target(%dma_start3A_163 : memref<1048576xf32, #tpu.memory_space<vmem_shared>>) offsets(%dma_start3A_161 : memref<128xi32, #tpu.memory_space<vmem>>) semaphore(%arg18 : memref<!tpu.dma_semaphore, #tpu.memory_space<semaphore_mem>>) {add = true}
    %dma_start3A_164 = arith.constant 1 : i32
    %dma_start3A_165 = arith.constant 1 : i32
    %dma_start3A_166 = arith.constant 0 : i32
    %dma_start3A_167 = tpu.memref_slice %arg10[%dma_start3A_164, %dma_start3A_166] : memref<8x128xf32, #tpu.memory_space<vmem>> -> memref<1x128xf32, #tpu.memory_space<vmem>>
    %dma_start3A_168 = tpu.memref_squeeze %dma_start3A_167 : memref<1x128xf32, #tpu.memory_space<vmem>> -> memref<128xf32, #tpu.memory_space<vmem>>
    %dma_start3A_169 = arith.constant 0 : i32
    %dma_start3A_170 = tpu.memref_slice %arg12[%dma_start3A_165, %dma_start3A_169] : memref<8x128xi32, #tpu.memory_space<vmem>> -> memref<1x128xi32, #tpu.memory_space<vmem>>
    %dma_start3A_171 = tpu.memref_squeeze %dma_start3A_170 : memref<1x128xi32, #tpu.memory_space<vmem>> -> memref<128xi32, #tpu.memory_space<vmem>>
    %dma_start3A_172 = arith.constant 0 : i32
    %dma_start3A_173 = tpu.memref_slice %arg5[%dma_start3A_172] : memref<1048576xf32, #tpu.memory_space<vmem_shared>> -> memref<1048576xf32, #tpu.memory_space<vmem_shared>>
    tpu.enqueue_indirect_dma source(%dma_start3A_168 : memref<128xf32, #tpu.memory_space<vmem>>) target(%dma_start3A_173 : memref<1048576xf32, #tpu.memory_space<vmem_shared>>) offsets(%dma_start3A_171 : memref<128xi32, #tpu.memory_space<vmem>>) semaphore(%arg18 : memref<!tpu.dma_semaphore, #tpu.memory_space<semaphore_mem>>) {add = true}
    %dma_start3A_174 = arith.constant 2 : i32
    %dma_start3A_175 = arith.constant 2 : i32
    %dma_start3A_176 = arith.constant 0 : i32
    %dma_start3A_177 = tpu.memref_slice %arg10[%dma_start3A_174, %dma_start3A_176] : memref<8x128xf32, #tpu.memory_space<vmem>> -> memref<1x128xf32, #tpu.memory_space<vmem>>
    %dma_start3A_178 = tpu.memref_squeeze %dma_start3A_177 : memref<1x128xf32, #tpu.memory_space<vmem>> -> memref<128xf32, #tpu.memory_space<vmem>>
    %dma_start3A_179 = arith.constant 0 : i32
    %dma_start3A_180 = tpu.memref_slice %arg12[%dma_start3A_175, %dma_start3A_179] : memref<8x128xi32, #tpu.memory_space<vmem>> -> memref<1x128xi32, #tpu.memory_space<vmem>>
    %dma_start3A_181 = tpu.memref_squeeze %dma_start3A_180 : memref<1x128xi32, #tpu.memory_space<vmem>> -> memref<128xi32, #tpu.memory_space<vmem>>
    %dma_start3A_182 = arith.constant 0 : i32
    %dma_start3A_183 = tpu.memref_slice %arg5[%dma_start3A_182] : memref<1048576xf32, #tpu.memory_space<vmem_shared>> -> memref<1048576xf32, #tpu.memory_space<vmem_shared>>
    tpu.enqueue_indirect_dma source(%dma_start3A_178 : memref<128xf32, #tpu.memory_space<vmem>>) target(%dma_start3A_183 : memref<1048576xf32, #tpu.memory_space<vmem_shared>>) offsets(%dma_start3A_181 : memref<128xi32, #tpu.memory_space<vmem>>) semaphore(%arg18 : memref<!tpu.dma_semaphore, #tpu.memory_space<semaphore_mem>>) {add = true}
    %dma_start3A_184 = arith.constant 3 : i32
    %dma_start3A_185 = arith.constant 3 : i32
    %dma_start3A_186 = arith.constant 0 : i32
    %dma_start3A_187 = tpu.memref_slice %arg10[%dma_start3A_184, %dma_start3A_186] : memref<8x128xf32, #tpu.memory_space<vmem>> -> memref<1x128xf32, #tpu.memory_space<vmem>>
    %dma_start3A_188 = tpu.memref_squeeze %dma_start3A_187 : memref<1x128xf32, #tpu.memory_space<vmem>> -> memref<128xf32, #tpu.memory_space<vmem>>
    %dma_start3A_189 = arith.constant 0 : i32
    %dma_start3A_190 = tpu.memref_slice %arg12[%dma_start3A_185, %dma_start3A_189] : memref<8x128xi32, #tpu.memory_space<vmem>> -> memref<1x128xi32, #tpu.memory_space<vmem>>
    %dma_start3A_191 = tpu.memref_squeeze %dma_start3A_190 : memref<1x128xi32, #tpu.memory_space<vmem>> -> memref<128xi32, #tpu.memory_space<vmem>>
    %dma_start3A_192 = arith.constant 0 : i32
    %dma_start3A_193 = tpu.memref_slice %arg5[%dma_start3A_192] : memref<1048576xf32, #tpu.memory_space<vmem_shared>> -> memref<1048576xf32, #tpu.memory_space<vmem_shared>>
    tpu.enqueue_indirect_dma source(%dma_start3A_188 : memref<128xf32, #tpu.memory_space<vmem>>) target(%dma_start3A_193 : memref<1048576xf32, #tpu.memory_space<vmem_shared>>) offsets(%dma_start3A_191 : memref<128xi32, #tpu.memory_space<vmem>>) semaphore(%arg18 : memref<!tpu.dma_semaphore, #tpu.memory_space<semaphore_mem>>) {add = true}
    %dma_start3A_194 = arith.constant 4 : i32
    %dma_start3A_195 = arith.constant 4 : i32
    %dma_start3A_196 = arith.constant 0 : i32
    %dma_start3A_197 = tpu.memref_slice %arg10[%dma_start3A_194, %dma_start3A_196] : memref<8x128xf32, #tpu.memory_space<vmem>> -> memref<1x128xf32, #tpu.memory_space<vmem>>
    %dma_start3A_198 = tpu.memref_squeeze %dma_start3A_197 : memref<1x128xf32, #tpu.memory_space<vmem>> -> memref<128xf32, #tpu.memory_space<vmem>>
    %dma_start3A_199 = arith.constant 0 : i32
    %dma_start3A_200 = tpu.memref_slice %arg12[%dma_start3A_195, %dma_start3A_199] : memref<8x128xi32, #tpu.memory_space<vmem>> -> memref<1x128xi32, #tpu.memory_space<vmem>>
    %dma_start3A_201 = tpu.memref_squeeze %dma_start3A_200 : memref<1x128xi32, #tpu.memory_space<vmem>> -> memref<128xi32, #tpu.memory_space<vmem>>
    %dma_start3A_202 = arith.constant 0 : i32
    %dma_start3A_203 = tpu.memref_slice %arg5[%dma_start3A_202] : memref<1048576xf32, #tpu.memory_space<vmem_shared>> -> memref<1048576xf32, #tpu.memory_space<vmem_shared>>
    tpu.enqueue_indirect_dma source(%dma_start3A_198 : memref<128xf32, #tpu.memory_space<vmem>>) target(%dma_start3A_203 : memref<1048576xf32, #tpu.memory_space<vmem_shared>>) offsets(%dma_start3A_201 : memref<128xi32, #tpu.memory_space<vmem>>) semaphore(%arg18 : memref<!tpu.dma_semaphore, #tpu.memory_space<semaphore_mem>>) {add = true}
    %dma_start3A_204 = arith.constant 5 : i32
    %dma_start3A_205 = arith.constant 5 : i32
    %dma_start3A_206 = arith.constant 0 : i32
    %dma_start3A_207 = tpu.memref_slice %arg10[%dma_start3A_204, %dma_start3A_206] : memref<8x128xf32, #tpu.memory_space<vmem>> -> memref<1x128xf32, #tpu.memory_space<vmem>>
    %dma_start3A_208 = tpu.memref_squeeze %dma_start3A_207 : memref<1x128xf32, #tpu.memory_space<vmem>> -> memref<128xf32, #tpu.memory_space<vmem>>
    %dma_start3A_209 = arith.constant 0 : i32
    %dma_start3A_210 = tpu.memref_slice %arg12[%dma_start3A_205, %dma_start3A_209] : memref<8x128xi32, #tpu.memory_space<vmem>> -> memref<1x128xi32, #tpu.memory_space<vmem>>
    %dma_start3A_211 = tpu.memref_squeeze %dma_start3A_210 : memref<1x128xi32, #tpu.memory_space<vmem>> -> memref<128xi32, #tpu.memory_space<vmem>>
    %dma_start3A_212 = arith.constant 0 : i32
    %dma_start3A_213 = tpu.memref_slice %arg5[%dma_start3A_212] : memref<1048576xf32, #tpu.memory_space<vmem_shared>> -> memref<1048576xf32, #tpu.memory_space<vmem_shared>>
    tpu.enqueue_indirect_dma source(%dma_start3A_208 : memref<128xf32, #tpu.memory_space<vmem>>) target(%dma_start3A_213 : memref<1048576xf32, #tpu.memory_space<vmem_shared>>) offsets(%dma_start3A_211 : memref<128xi32, #tpu.memory_space<vmem>>) semaphore(%arg18 : memref<!tpu.dma_semaphore, #tpu.memory_space<semaphore_mem>>) {add = true}
    %dma_start3A_214 = arith.constant 6 : i32
    %dma_start3A_215 = arith.constant 6 : i32
    %dma_start3A_216 = arith.constant 0 : i32
    %dma_start3A_217 = tpu.memref_slice %arg10[%dma_start3A_214, %dma_start3A_216] : memref<8x128xf32, #tpu.memory_space<vmem>> -> memref<1x128xf32, #tpu.memory_space<vmem>>
    %dma_start3A_218 = tpu.memref_squeeze %dma_start3A_217 : memref<1x128xf32, #tpu.memory_space<vmem>> -> memref<128xf32, #tpu.memory_space<vmem>>
    %dma_start3A_219 = arith.constant 0 : i32
    %dma_start3A_220 = tpu.memref_slice %arg12[%dma_start3A_215, %dma_start3A_219] : memref<8x128xi32, #tpu.memory_space<vmem>> -> memref<1x128xi32, #tpu.memory_space<vmem>>
    %dma_start3A_221 = tpu.memref_squeeze %dma_start3A_220 : memref<1x128xi32, #tpu.memory_space<vmem>> -> memref<128xi32, #tpu.memory_space<vmem>>
    %dma_start3A_222 = arith.constant 0 : i32
    %dma_start3A_223 = tpu.memref_slice %arg5[%dma_start3A_222] : memref<1048576xf32, #tpu.memory_space<vmem_shared>> -> memref<1048576xf32, #tpu.memory_space<vmem_shared>>
    tpu.enqueue_indirect_dma source(%dma_start3A_218 : memref<128xf32, #tpu.memory_space<vmem>>) target(%dma_start3A_223 : memref<1048576xf32, #tpu.memory_space<vmem_shared>>) offsets(%dma_start3A_221 : memref<128xi32, #tpu.memory_space<vmem>>) semaphore(%arg18 : memref<!tpu.dma_semaphore, #tpu.memory_space<semaphore_mem>>) {add = true}
    %dma_start3A_224 = arith.constant 7 : i32
    %dma_start3A_225 = arith.constant 7 : i32
    %dma_start3A_226 = arith.constant 0 : i32
    %dma_start3A_227 = tpu.memref_slice %arg10[%dma_start3A_224, %dma_start3A_226] : memref<8x128xf32, #tpu.memory_space<vmem>> -> memref<1x128xf32, #tpu.memory_space<vmem>>
    %dma_start3A_228 = tpu.memref_squeeze %dma_start3A_227 : memref<1x128xf32, #tpu.memory_space<vmem>> -> memref<128xf32, #tpu.memory_space<vmem>>
    %dma_start3A_229 = arith.constant 0 : i32
    %dma_start3A_230 = tpu.memref_slice %arg12[%dma_start3A_225, %dma_start3A_229] : memref<8x128xi32, #tpu.memory_space<vmem>> -> memref<1x128xi32, #tpu.memory_space<vmem>>
    %dma_start3A_231 = tpu.memref_squeeze %dma_start3A_230 : memref<1x128xi32, #tpu.memory_space<vmem>> -> memref<128xi32, #tpu.memory_space<vmem>>
    %dma_start3A_232 = arith.constant 0 : i32
    %dma_start3A_233 = tpu.memref_slice %arg5[%dma_start3A_232] : memref<1048576xf32, #tpu.memory_space<vmem_shared>> -> memref<1048576xf32, #tpu.memory_space<vmem_shared>>
    tpu.enqueue_indirect_dma source(%dma_start3A_228 : memref<128xf32, #tpu.memory_space<vmem>>) target(%dma_start3A_233 : memref<1048576xf32, #tpu.memory_space<vmem_shared>>) offsets(%dma_start3A_231 : memref<128xi32, #tpu.memory_space<vmem>>) semaphore(%arg18 : memref<!tpu.dma_semaphore, #tpu.memory_space<semaphore_mem>>) {add = true}
    %dma_start3A_234 = arith.constant 0 : i32
    %dma_start3A_235 = arith.constant 0 : i32
    %dma_start3A_236 = arith.constant 0 : i32
    %dma_start3A_237 = tpu.memref_slice %arg11[%dma_start3A_234, %dma_start3A_236] : memref<8x128xf32, #tpu.memory_space<vmem>> -> memref<1x128xf32, #tpu.memory_space<vmem>>
    %dma_start3A_238 = tpu.memref_squeeze %dma_start3A_237 : memref<1x128xf32, #tpu.memory_space<vmem>> -> memref<128xf32, #tpu.memory_space<vmem>>
    %dma_start3A_239 = arith.constant 0 : i32
    %dma_start3A_240 = tpu.memref_slice %arg13[%dma_start3A_235, %dma_start3A_239] : memref<8x128xi32, #tpu.memory_space<vmem>> -> memref<1x128xi32, #tpu.memory_space<vmem>>
    %dma_start3A_241 = tpu.memref_squeeze %dma_start3A_240 : memref<1x128xi32, #tpu.memory_space<vmem>> -> memref<128xi32, #tpu.memory_space<vmem>>
    %dma_start3A_242 = arith.constant 0 : i32
    %dma_start3A_243 = tpu.memref_slice %arg5[%dma_start3A_242] : memref<1048576xf32, #tpu.memory_space<vmem_shared>> -> memref<1048576xf32, #tpu.memory_space<vmem_shared>>
    tpu.enqueue_indirect_dma source(%dma_start3A_238 : memref<128xf32, #tpu.memory_space<vmem>>) target(%dma_start3A_243 : memref<1048576xf32, #tpu.memory_space<vmem_shared>>) offsets(%dma_start3A_241 : memref<128xi32, #tpu.memory_space<vmem>>) semaphore(%arg19 : memref<!tpu.dma_semaphore, #tpu.memory_space<semaphore_mem>>) {add = true}
    %dma_start3A_244 = arith.constant 1 : i32
    %dma_start3A_245 = arith.constant 1 : i32
    %dma_start3A_246 = arith.constant 0 : i32
    %dma_start3A_247 = tpu.memref_slice %arg11[%dma_start3A_244, %dma_start3A_246] : memref<8x128xf32, #tpu.memory_space<vmem>> -> memref<1x128xf32, #tpu.memory_space<vmem>>
    %dma_start3A_248 = tpu.memref_squeeze %dma_start3A_247 : memref<1x128xf32, #tpu.memory_space<vmem>> -> memref<128xf32, #tpu.memory_space<vmem>>
    %dma_start3A_249 = arith.constant 0 : i32
    %dma_start3A_250 = tpu.memref_slice %arg13[%dma_start3A_245, %dma_start3A_249] : memref<8x128xi32, #tpu.memory_space<vmem>> -> memref<1x128xi32, #tpu.memory_space<vmem>>
    %dma_start3A_251 = tpu.memref_squeeze %dma_start3A_250 : memref<1x128xi32, #tpu.memory_space<vmem>> -> memref<128xi32, #tpu.memory_space<vmem>>
    %dma_start3A_252 = arith.constant 0 : i32
    %dma_start3A_253 = tpu.memref_slice %arg5[%dma_start3A_252] : memref<1048576xf32, #tpu.memory_space<vmem_shared>> -> memref<1048576xf32, #tpu.memory_space<vmem_shared>>
    tpu.enqueue_indirect_dma source(%dma_start3A_248 : memref<128xf32, #tpu.memory_space<vmem>>) target(%dma_start3A_253 : memref<1048576xf32, #tpu.memory_space<vmem_shared>>) offsets(%dma_start3A_251 : memref<128xi32, #tpu.memory_space<vmem>>) semaphore(%arg19 : memref<!tpu.dma_semaphore, #tpu.memory_space<semaphore_mem>>) {add = true}
    %dma_start3A_254 = arith.constant 2 : i32
    %dma_start3A_255 = arith.constant 2 : i32
    %dma_start3A_256 = arith.constant 0 : i32
    %dma_start3A_257 = tpu.memref_slice %arg11[%dma_start3A_254, %dma_start3A_256] : memref<8x128xf32, #tpu.memory_space<vmem>> -> memref<1x128xf32, #tpu.memory_space<vmem>>
    %dma_start3A_258 = tpu.memref_squeeze %dma_start3A_257 : memref<1x128xf32, #tpu.memory_space<vmem>> -> memref<128xf32, #tpu.memory_space<vmem>>
    %dma_start3A_259 = arith.constant 0 : i32
    %dma_start3A_260 = tpu.memref_slice %arg13[%dma_start3A_255, %dma_start3A_259] : memref<8x128xi32, #tpu.memory_space<vmem>> -> memref<1x128xi32, #tpu.memory_space<vmem>>
    %dma_start3A_261 = tpu.memref_squeeze %dma_start3A_260 : memref<1x128xi32, #tpu.memory_space<vmem>> -> memref<128xi32, #tpu.memory_space<vmem>>
    %dma_start3A_262 = arith.constant 0 : i32
    %dma_start3A_263 = tpu.memref_slice %arg5[%dma_start3A_262] : memref<1048576xf32, #tpu.memory_space<vmem_shared>> -> memref<1048576xf32, #tpu.memory_space<vmem_shared>>
    tpu.enqueue_indirect_dma source(%dma_start3A_258 : memref<128xf32, #tpu.memory_space<vmem>>) target(%dma_start3A_263 : memref<1048576xf32, #tpu.memory_space<vmem_shared>>) offsets(%dma_start3A_261 : memref<128xi32, #tpu.memory_space<vmem>>) semaphore(%arg19 : memref<!tpu.dma_semaphore, #tpu.memory_space<semaphore_mem>>) {add = true}
    %dma_start3A_264 = arith.constant 3 : i32
    %dma_start3A_265 = arith.constant 3 : i32
    %dma_start3A_266 = arith.constant 0 : i32
    %dma_start3A_267 = tpu.memref_slice %arg11[%dma_start3A_264, %dma_start3A_266] : memref<8x128xf32, #tpu.memory_space<vmem>> -> memref<1x128xf32, #tpu.memory_space<vmem>>
    %dma_start3A_268 = tpu.memref_squeeze %dma_start3A_267 : memref<1x128xf32, #tpu.memory_space<vmem>> -> memref<128xf32, #tpu.memory_space<vmem>>
    %dma_start3A_269 = arith.constant 0 : i32
    %dma_start3A_270 = tpu.memref_slice %arg13[%dma_start3A_265, %dma_start3A_269] : memref<8x128xi32, #tpu.memory_space<vmem>> -> memref<1x128xi32, #tpu.memory_space<vmem>>
    %dma_start3A_271 = tpu.memref_squeeze %dma_start3A_270 : memref<1x128xi32, #tpu.memory_space<vmem>> -> memref<128xi32, #tpu.memory_space<vmem>>
    %dma_start3A_272 = arith.constant 0 : i32
    %dma_start3A_273 = tpu.memref_slice %arg5[%dma_start3A_272] : memref<1048576xf32, #tpu.memory_space<vmem_shared>> -> memref<1048576xf32, #tpu.memory_space<vmem_shared>>
    tpu.enqueue_indirect_dma source(%dma_start3A_268 : memref<128xf32, #tpu.memory_space<vmem>>) target(%dma_start3A_273 : memref<1048576xf32, #tpu.memory_space<vmem_shared>>) offsets(%dma_start3A_271 : memref<128xi32, #tpu.memory_space<vmem>>) semaphore(%arg19 : memref<!tpu.dma_semaphore, #tpu.memory_space<semaphore_mem>>) {add = true}
    %dma_start3A_274 = arith.constant 4 : i32
    %dma_start3A_275 = arith.constant 4 : i32
    %dma_start3A_276 = arith.constant 0 : i32
    %dma_start3A_277 = tpu.memref_slice %arg11[%dma_start3A_274, %dma_start3A_276] : memref<8x128xf32, #tpu.memory_space<vmem>> -> memref<1x128xf32, #tpu.memory_space<vmem>>
    %dma_start3A_278 = tpu.memref_squeeze %dma_start3A_277 : memref<1x128xf32, #tpu.memory_space<vmem>> -> memref<128xf32, #tpu.memory_space<vmem>>
    %dma_start3A_279 = arith.constant 0 : i32
    %dma_start3A_280 = tpu.memref_slice %arg13[%dma_start3A_275, %dma_start3A_279] : memref<8x128xi32, #tpu.memory_space<vmem>> -> memref<1x128xi32, #tpu.memory_space<vmem>>
    %dma_start3A_281 = tpu.memref_squeeze %dma_start3A_280 : memref<1x128xi32, #tpu.memory_space<vmem>> -> memref<128xi32, #tpu.memory_space<vmem>>
    %dma_start3A_282 = arith.constant 0 : i32
    %dma_start3A_283 = tpu.memref_slice %arg5[%dma_start3A_282] : memref<1048576xf32, #tpu.memory_space<vmem_shared>> -> memref<1048576xf32, #tpu.memory_space<vmem_shared>>
    tpu.enqueue_indirect_dma source(%dma_start3A_278 : memref<128xf32, #tpu.memory_space<vmem>>) target(%dma_start3A_283 : memref<1048576xf32, #tpu.memory_space<vmem_shared>>) offsets(%dma_start3A_281 : memref<128xi32, #tpu.memory_space<vmem>>) semaphore(%arg19 : memref<!tpu.dma_semaphore, #tpu.memory_space<semaphore_mem>>) {add = true}
    %dma_start3A_284 = arith.constant 5 : i32
    %dma_start3A_285 = arith.constant 5 : i32
    %dma_start3A_286 = arith.constant 0 : i32
    %dma_start3A_287 = tpu.memref_slice %arg11[%dma_start3A_284, %dma_start3A_286] : memref<8x128xf32, #tpu.memory_space<vmem>> -> memref<1x128xf32, #tpu.memory_space<vmem>>
    %dma_start3A_288 = tpu.memref_squeeze %dma_start3A_287 : memref<1x128xf32, #tpu.memory_space<vmem>> -> memref<128xf32, #tpu.memory_space<vmem>>
    %dma_start3A_289 = arith.constant 0 : i32
    %dma_start3A_290 = tpu.memref_slice %arg13[%dma_start3A_285, %dma_start3A_289] : memref<8x128xi32, #tpu.memory_space<vmem>> -> memref<1x128xi32, #tpu.memory_space<vmem>>
    %dma_start3A_291 = tpu.memref_squeeze %dma_start3A_290 : memref<1x128xi32, #tpu.memory_space<vmem>> -> memref<128xi32, #tpu.memory_space<vmem>>
    %dma_start3A_292 = arith.constant 0 : i32
    %dma_start3A_293 = tpu.memref_slice %arg5[%dma_start3A_292] : memref<1048576xf32, #tpu.memory_space<vmem_shared>> -> memref<1048576xf32, #tpu.memory_space<vmem_shared>>
    tpu.enqueue_indirect_dma source(%dma_start3A_288 : memref<128xf32, #tpu.memory_space<vmem>>) target(%dma_start3A_293 : memref<1048576xf32, #tpu.memory_space<vmem_shared>>) offsets(%dma_start3A_291 : memref<128xi32, #tpu.memory_space<vmem>>) semaphore(%arg19 : memref<!tpu.dma_semaphore, #tpu.memory_space<semaphore_mem>>) {add = true}
    %dma_start3A_294 = arith.constant 6 : i32
    %dma_start3A_295 = arith.constant 6 : i32
    %dma_start3A_296 = arith.constant 0 : i32
    %dma_start3A_297 = tpu.memref_slice %arg11[%dma_start3A_294, %dma_start3A_296] : memref<8x128xf32, #tpu.memory_space<vmem>> -> memref<1x128xf32, #tpu.memory_space<vmem>>
    %dma_start3A_298 = tpu.memref_squeeze %dma_start3A_297 : memref<1x128xf32, #tpu.memory_space<vmem>> -> memref<128xf32, #tpu.memory_space<vmem>>
    %dma_start3A_299 = arith.constant 0 : i32
    %dma_start3A_300 = tpu.memref_slice %arg13[%dma_start3A_295, %dma_start3A_299] : memref<8x128xi32, #tpu.memory_space<vmem>> -> memref<1x128xi32, #tpu.memory_space<vmem>>
    %dma_start3A_301 = tpu.memref_squeeze %dma_start3A_300 : memref<1x128xi32, #tpu.memory_space<vmem>> -> memref<128xi32, #tpu.memory_space<vmem>>
    %dma_start3A_302 = arith.constant 0 : i32
    %dma_start3A_303 = tpu.memref_slice %arg5[%dma_start3A_302] : memref<1048576xf32, #tpu.memory_space<vmem_shared>> -> memref<1048576xf32, #tpu.memory_space<vmem_shared>>
    tpu.enqueue_indirect_dma source(%dma_start3A_298 : memref<128xf32, #tpu.memory_space<vmem>>) target(%dma_start3A_303 : memref<1048576xf32, #tpu.memory_space<vmem_shared>>) offsets(%dma_start3A_301 : memref<128xi32, #tpu.memory_space<vmem>>) semaphore(%arg19 : memref<!tpu.dma_semaphore, #tpu.memory_space<semaphore_mem>>) {add = true}
    %dma_start3A_304 = arith.constant 7 : i32
    %dma_start3A_305 = arith.constant 7 : i32
    %dma_start3A_306 = arith.constant 0 : i32
    %dma_start3A_307 = tpu.memref_slice %arg11[%dma_start3A_304, %dma_start3A_306] : memref<8x128xf32, #tpu.memory_space<vmem>> -> memref<1x128xf32, #tpu.memory_space<vmem>>
    %dma_start3A_308 = tpu.memref_squeeze %dma_start3A_307 : memref<1x128xf32, #tpu.memory_space<vmem>> -> memref<128xf32, #tpu.memory_space<vmem>>
    %dma_start3A_309 = arith.constant 0 : i32
    %dma_start3A_310 = tpu.memref_slice %arg13[%dma_start3A_305, %dma_start3A_309] : memref<8x128xi32, #tpu.memory_space<vmem>> -> memref<1x128xi32, #tpu.memory_space<vmem>>
    %dma_start3A_311 = tpu.memref_squeeze %dma_start3A_310 : memref<1x128xi32, #tpu.memory_space<vmem>> -> memref<128xi32, #tpu.memory_space<vmem>>
    %dma_start3A_312 = arith.constant 0 : i32
    %dma_start3A_313 = tpu.memref_slice %arg5[%dma_start3A_312] : memref<1048576xf32, #tpu.memory_space<vmem_shared>> -> memref<1048576xf32, #tpu.memory_space<vmem_shared>>
    tpu.enqueue_indirect_dma source(%dma_start3A_308 : memref<128xf32, #tpu.memory_space<vmem>>) target(%dma_start3A_313 : memref<1048576xf32, #tpu.memory_space<vmem_shared>>) offsets(%dma_start3A_311 : memref<128xi32, #tpu.memory_space<vmem>>) semaphore(%arg19 : memref<!tpu.dma_semaphore, #tpu.memory_space<semaphore_mem>>) {add = true}
    %scan3A = arith.constant 0 : i32
    %scan3A_314 = arith.constant 0 : i32
    %scan3A_315 = arith.constant 62 : i32
    %scan3A_316 = arith.addi %scan3A_314, %scan3A_315 : i32
    %scan3A_317 = arith.constant 1 : i32
    scf.for %scan3A_527 = %scan3A_314 to %scan3A_316 step %scan3A_317  : i32 {
      %mul3A_528 = arith.constant 2 : i32
      %mul3A_529 = arith.muli %mul3A_528, %scan3A_527 : i32
      %dma_wait3A_530 = arith.constant 0 : i32
      %dma_wait3A_531 = tpu.memref_slice %arg6[%dma_wait3A_530] : memref<2048xf32, #tpu.memory_space<vmem>> -> memref<1024xf32, #tpu.memory_space<vmem>>
      %dma_wait3A_532 = arith.constant 0 : i32
      %dma_wait3A_533 = tpu.memref_slice %arg2[%dma_wait3A_532] : memref<4000000xf32, #tpu.memory_space<hbm>> -> memref<1024xf32, #tpu.memory_space<hbm>>
      %dma_wait3A_534 = arith.constant 0 : i32
      %dma_wait3A_535 = tpu.memref_slice %arg6[%dma_wait3A_534] : memref<2048xf32, #tpu.memory_space<vmem>> -> memref<1024xf32, #tpu.memory_space<vmem>>
      %dma_wait3A_536 = arith.constant 0 : i32
      %dma_wait3A_537 = tpu.memref_slice %arg2[%dma_wait3A_536] : memref<4000000xf32, #tpu.memory_space<hbm>> -> memref<1024xf32, #tpu.memory_space<hbm>>
      tpu.wait_dma2 semaphore(%arg16 : memref<!tpu.dma_semaphore, #tpu.memory_space<semaphore_mem>>) src(%dma_wait3A_537 : memref<1024xf32, #tpu.memory_space<hbm>>) dst(%dma_wait3A_535 : memref<1024xf32, #tpu.memory_space<vmem>>)
      %dma_wait3A_538 = arith.constant 1024 : i32
      %dma_wait3A_539 = tpu.memref_slice %arg6[%dma_wait3A_538] : memref<2048xf32, #tpu.memory_space<vmem>> -> memref<1024xf32, #tpu.memory_space<vmem>>
      %dma_wait3A_540 = arith.constant 0 : i32
      %dma_wait3A_541 = tpu.memref_slice %arg2[%dma_wait3A_540] : memref<4000000xf32, #tpu.memory_space<hbm>> -> memref<1024xf32, #tpu.memory_space<hbm>>
      %dma_wait3A_542 = arith.constant 1024 : i32
      %dma_wait3A_543 = tpu.memref_slice %arg6[%dma_wait3A_542] : memref<2048xf32, #tpu.memory_space<vmem>> -> memref<1024xf32, #tpu.memory_space<vmem>>
      %dma_wait3A_544 = arith.constant 0 : i32
      %dma_wait3A_545 = tpu.memref_slice %arg2[%dma_wait3A_544] : memref<4000000xf32, #tpu.memory_space<hbm>> -> memref<1024xf32, #tpu.memory_space<hbm>>
      tpu.wait_dma2 semaphore(%arg16 : memref<!tpu.dma_semaphore, #tpu.memory_space<semaphore_mem>>) src(%dma_wait3A_545 : memref<1024xf32, #tpu.memory_space<hbm>>) dst(%dma_wait3A_543 : memref<1024xf32, #tpu.memory_space<vmem>>)
      %dma_wait3A_546 = arith.constant 0 : i32
      %dma_wait3A_547 = tpu.memref_slice %arg3[%dma_wait3A_546] : memref<2000000xf32, #tpu.memory_space<hbm>> -> memref<1024xf32, #tpu.memory_space<hbm>>
      %dma_wait3A_548 = arith.constant 0 : i32
      %dma_wait3A_549 = tpu.memref_slice %arg3[%dma_wait3A_548] : memref<2000000xf32, #tpu.memory_space<hbm>> -> memref<1024xf32, #tpu.memory_space<hbm>>
      tpu.wait_dma2 semaphore(%arg16 : memref<!tpu.dma_semaphore, #tpu.memory_space<semaphore_mem>>) src(%dma_wait3A_549 : memref<1024xf32, #tpu.memory_space<hbm>>) dst(%arg8 : memref<1024xf32, #tpu.memory_space<vmem>>)
      %dma_wait3A_550 = arith.constant 0 : i32
      %dma_wait3A_551 = arith.constant 0 : i32
      %dma_wait3A_552 = arith.constant 0 : i32
      %dma_wait3A_553 = tpu.memref_slice %arg10[%dma_wait3A_550, %dma_wait3A_552] : memref<8x128xf32, #tpu.memory_space<vmem>> -> memref<1x128xf32, #tpu.memory_space<vmem>>
      %dma_wait3A_554 = tpu.memref_squeeze %dma_wait3A_553 : memref<1x128xf32, #tpu.memory_space<vmem>> -> memref<128xf32, #tpu.memory_space<vmem>>
      %dma_wait3A_555 = arith.constant 0 : i32
      %dma_wait3A_556 = tpu.memref_slice %arg12[%dma_wait3A_551, %dma_wait3A_555] : memref<8x128xi32, #tpu.memory_space<vmem>> -> memref<1x128xi32, #tpu.memory_space<vmem>>
      %dma_wait3A_557 = tpu.memref_squeeze %dma_wait3A_556 : memref<1x128xi32, #tpu.memory_space<vmem>> -> memref<128xi32, #tpu.memory_space<vmem>>
      %dma_wait3A_558 = arith.constant 0 : i32
      %dma_wait3A_559 = tpu.memref_slice %arg5[%dma_wait3A_558] : memref<1048576xf32, #tpu.memory_space<vmem_shared>> -> memref<1048576xf32, #tpu.memory_space<vmem_shared>>
      tpu.wait_indirect_dma semaphore(%arg18 : memref<!tpu.dma_semaphore, #tpu.memory_space<semaphore_mem>>) src(%dma_wait3A_554 : memref<128xf32, #tpu.memory_space<vmem>>) dst(%dma_wait3A_559 : memref<1048576xf32, #tpu.memory_space<vmem_shared>>)
      %dma_wait3A_560 = arith.constant 1 : i32
      %dma_wait3A_561 = arith.constant 1 : i32
      %dma_wait3A_562 = arith.constant 0 : i32
      %dma_wait3A_563 = tpu.memref_slice %arg10[%dma_wait3A_560, %dma_wait3A_562] : memref<8x128xf32, #tpu.memory_space<vmem>> -> memref<1x128xf32, #tpu.memory_space<vmem>>
      %dma_wait3A_564 = tpu.memref_squeeze %dma_wait3A_563 : memref<1x128xf32, #tpu.memory_space<vmem>> -> memref<128xf32, #tpu.memory_space<vmem>>
      %dma_wait3A_565 = arith.constant 0 : i32
      %dma_wait3A_566 = tpu.memref_slice %arg12[%dma_wait3A_561, %dma_wait3A_565] : memref<8x128xi32, #tpu.memory_space<vmem>> -> memref<1x128xi32, #tpu.memory_space<vmem>>
      %dma_wait3A_567 = tpu.memref_squeeze %dma_wait3A_566 : memref<1x128xi32, #tpu.memory_space<vmem>> -> memref<128xi32, #tpu.memory_space<vmem>>
      %dma_wait3A_568 = arith.constant 0 : i32
      %dma_wait3A_569 = tpu.memref_slice %arg5[%dma_wait3A_568] : memref<1048576xf32, #tpu.memory_space<vmem_shared>> -> memref<1048576xf32, #tpu.memory_space<vmem_shared>>
      tpu.wait_indirect_dma semaphore(%arg18 : memref<!tpu.dma_semaphore, #tpu.memory_space<semaphore_mem>>) src(%dma_wait3A_564 : memref<128xf32, #tpu.memory_space<vmem>>) dst(%dma_wait3A_569 : memref<1048576xf32, #tpu.memory_space<vmem_shared>>)
      %dma_wait3A_570 = arith.constant 2 : i32
      %dma_wait3A_571 = arith.constant 2 : i32
      %dma_wait3A_572 = arith.constant 0 : i32
      %dma_wait3A_573 = tpu.memref_slice %arg10[%dma_wait3A_570, %dma_wait3A_572] : memref<8x128xf32, #tpu.memory_space<vmem>> -> memref<1x128xf32, #tpu.memory_space<vmem>>
      %dma_wait3A_574 = tpu.memref_squeeze %dma_wait3A_573 : memref<1x128xf32, #tpu.memory_space<vmem>> -> memref<128xf32, #tpu.memory_space<vmem>>
      %dma_wait3A_575 = arith.constant 0 : i32
      %dma_wait3A_576 = tpu.memref_slice %arg12[%dma_wait3A_571, %dma_wait3A_575] : memref<8x128xi32, #tpu.memory_space<vmem>> -> memref<1x128xi32, #tpu.memory_space<vmem>>
      %dma_wait3A_577 = tpu.memref_squeeze %dma_wait3A_576 : memref<1x128xi32, #tpu.memory_space<vmem>> -> memref<128xi32, #tpu.memory_space<vmem>>
      %dma_wait3A_578 = arith.constant 0 : i32
      %dma_wait3A_579 = tpu.memref_slice %arg5[%dma_wait3A_578] : memref<1048576xf32, #tpu.memory_space<vmem_shared>> -> memref<1048576xf32, #tpu.memory_space<vmem_shared>>
      tpu.wait_indirect_dma semaphore(%arg18 : memref<!tpu.dma_semaphore, #tpu.memory_space<semaphore_mem>>) src(%dma_wait3A_574 : memref<128xf32, #tpu.memory_space<vmem>>) dst(%dma_wait3A_579 : memref<1048576xf32, #tpu.memory_space<vmem_shared>>)
      %dma_wait3A_580 = arith.constant 3 : i32
      %dma_wait3A_581 = arith.constant 3 : i32
      %dma_wait3A_582 = arith.constant 0 : i32
      %dma_wait3A_583 = tpu.memref_slice %arg10[%dma_wait3A_580, %dma_wait3A_582] : memref<8x128xf32, #tpu.memory_space<vmem>> -> memref<1x128xf32, #tpu.memory_space<vmem>>
      %dma_wait3A_584 = tpu.memref_squeeze %dma_wait3A_583 : memref<1x128xf32, #tpu.memory_space<vmem>> -> memref<128xf32, #tpu.memory_space<vmem>>
      %dma_wait3A_585 = arith.constant 0 : i32
      %dma_wait3A_586 = tpu.memref_slice %arg12[%dma_wait3A_581, %dma_wait3A_585] : memref<8x128xi32, #tpu.memory_space<vmem>> -> memref<1x128xi32, #tpu.memory_space<vmem>>
      %dma_wait3A_587 = tpu.memref_squeeze %dma_wait3A_586 : memref<1x128xi32, #tpu.memory_space<vmem>> -> memref<128xi32, #tpu.memory_space<vmem>>
      %dma_wait3A_588 = arith.constant 0 : i32
      %dma_wait3A_589 = tpu.memref_slice %arg5[%dma_wait3A_588] : memref<1048576xf32, #tpu.memory_space<vmem_shared>> -> memref<1048576xf32, #tpu.memory_space<vmem_shared>>
      tpu.wait_indirect_dma semaphore(%arg18 : memref<!tpu.dma_semaphore, #tpu.memory_space<semaphore_mem>>) src(%dma_wait3A_584 : memref<128xf32, #tpu.memory_space<vmem>>) dst(%dma_wait3A_589 : memref<1048576xf32, #tpu.memory_space<vmem_shared>>)
      %dma_wait3A_590 = arith.constant 4 : i32
      %dma_wait3A_591 = arith.constant 4 : i32
      %dma_wait3A_592 = arith.constant 0 : i32
      %dma_wait3A_593 = tpu.memref_slice %arg10[%dma_wait3A_590, %dma_wait3A_592] : memref<8x128xf32, #tpu.memory_space<vmem>> -> memref<1x128xf32, #tpu.memory_space<vmem>>
      %dma_wait3A_594 = tpu.memref_squeeze %dma_wait3A_593 : memref<1x128xf32, #tpu.memory_space<vmem>> -> memref<128xf32, #tpu.memory_space<vmem>>
      %dma_wait3A_595 = arith.constant 0 : i32
      %dma_wait3A_596 = tpu.memref_slice %arg12[%dma_wait3A_591, %dma_wait3A_595] : memref<8x128xi32, #tpu.memory_space<vmem>> -> memref<1x128xi32, #tpu.memory_space<vmem>>
      %dma_wait3A_597 = tpu.memref_squeeze %dma_wait3A_596 : memref<1x128xi32, #tpu.memory_space<vmem>> -> memref<128xi32, #tpu.memory_space<vmem>>
      %dma_wait3A_598 = arith.constant 0 : i32
      %dma_wait3A_599 = tpu.memref_slice %arg5[%dma_wait3A_598] : memref<1048576xf32, #tpu.memory_space<vmem_shared>> -> memref<1048576xf32, #tpu.memory_space<vmem_shared>>
      tpu.wait_indirect_dma semaphore(%arg18 : memref<!tpu.dma_semaphore, #tpu.memory_space<semaphore_mem>>) src(%dma_wait3A_594 : memref<128xf32, #tpu.memory_space<vmem>>) dst(%dma_wait3A_599 : memref<1048576xf32, #tpu.memory_space<vmem_shared>>)
      %dma_wait3A_600 = arith.constant 5 : i32
      %dma_wait3A_601 = arith.constant 5 : i32
      %dma_wait3A_602 = arith.constant 0 : i32
      %dma_wait3A_603 = tpu.memref_slice %arg10[%dma_wait3A_600, %dma_wait3A_602] : memref<8x128xf32, #tpu.memory_space<vmem>> -> memref<1x128xf32, #tpu.memory_space<vmem>>
      %dma_wait3A_604 = tpu.memref_squeeze %dma_wait3A_603 : memref<1x128xf32, #tpu.memory_space<vmem>> -> memref<128xf32, #tpu.memory_space<vmem>>
      %dma_wait3A_605 = arith.constant 0 : i32
      %dma_wait3A_606 = tpu.memref_slice %arg12[%dma_wait3A_601, %dma_wait3A_605] : memref<8x128xi32, #tpu.memory_space<vmem>> -> memref<1x128xi32, #tpu.memory_space<vmem>>
      %dma_wait3A_607 = tpu.memref_squeeze %dma_wait3A_606 : memref<1x128xi32, #tpu.memory_space<vmem>> -> memref<128xi32, #tpu.memory_space<vmem>>
      %dma_wait3A_608 = arith.constant 0 : i32
      %dma_wait3A_609 = tpu.memref_slice %arg5[%dma_wait3A_608] : memref<1048576xf32, #tpu.memory_space<vmem_shared>> -> memref<1048576xf32, #tpu.memory_space<vmem_shared>>
      tpu.wait_indirect_dma semaphore(%arg18 : memref<!tpu.dma_semaphore, #tpu.memory_space<semaphore_mem>>) src(%dma_wait3A_604 : memref<128xf32, #tpu.memory_space<vmem>>) dst(%dma_wait3A_609 : memref<1048576xf32, #tpu.memory_space<vmem_shared>>)
      %dma_wait3A_610 = arith.constant 6 : i32
      %dma_wait3A_611 = arith.constant 6 : i32
      %dma_wait3A_612 = arith.constant 0 : i32
      %dma_wait3A_613 = tpu.memref_slice %arg10[%dma_wait3A_610, %dma_wait3A_612] : memref<8x128xf32, #tpu.memory_space<vmem>> -> memref<1x128xf32, #tpu.memory_space<vmem>>
      %dma_wait3A_614 = tpu.memref_squeeze %dma_wait3A_613 : memref<1x128xf32, #tpu.memory_space<vmem>> -> memref<128xf32, #tpu.memory_space<vmem>>
      %dma_wait3A_615 = arith.constant 0 : i32
      %dma_wait3A_616 = tpu.memref_slice %arg12[%dma_wait3A_611, %dma_wait3A_615] : memref<8x128xi32, #tpu.memory_space<vmem>> -> memref<1x128xi32, #tpu.memory_space<vmem>>
      %dma_wait3A_617 = tpu.memref_squeeze %dma_wait3A_616 : memref<1x128xi32, #tpu.memory_space<vmem>> -> memref<128xi32, #tpu.memory_space<vmem>>
      %dma_wait3A_618 = arith.constant 0 : i32
      %dma_wait3A_619 = tpu.memref_slice %arg5[%dma_wait3A_618] : memref<1048576xf32, #tpu.memory_space<vmem_shared>> -> memref<1048576xf32, #tpu.memory_space<vmem_shared>>
      tpu.wait_indirect_dma semaphore(%arg18 : memref<!tpu.dma_semaphore, #tpu.memory_space<semaphore_mem>>) src(%dma_wait3A_614 : memref<128xf32, #tpu.memory_space<vmem>>) dst(%dma_wait3A_619 : memref<1048576xf32, #tpu.memory_space<vmem_shared>>)
      %dma_wait3A_620 = arith.constant 7 : i32
      %dma_wait3A_621 = arith.constant 7 : i32
      %dma_wait3A_622 = arith.constant 0 : i32
      %dma_wait3A_623 = tpu.memref_slice %arg10[%dma_wait3A_620, %dma_wait3A_622] : memref<8x128xf32, #tpu.memory_space<vmem>> -> memref<1x128xf32, #tpu.memory_space<vmem>>
      %dma_wait3A_624 = tpu.memref_squeeze %dma_wait3A_623 : memref<1x128xf32, #tpu.memory_space<vmem>> -> memref<128xf32, #tpu.memory_space<vmem>>
      %dma_wait3A_625 = arith.constant 0 : i32
      %dma_wait3A_626 = tpu.memref_slice %arg12[%dma_wait3A_621, %dma_wait3A_625] : memref<8x128xi32, #tpu.memory_space<vmem>> -> memref<1x128xi32, #tpu.memory_space<vmem>>
      %dma_wait3A_627 = tpu.memref_squeeze %dma_wait3A_626 : memref<1x128xi32, #tpu.memory_space<vmem>> -> memref<128xi32, #tpu.memory_space<vmem>>
      %dma_wait3A_628 = arith.constant 0 : i32
      %dma_wait3A_629 = tpu.memref_slice %arg5[%dma_wait3A_628] : memref<1048576xf32, #tpu.memory_space<vmem_shared>> -> memref<1048576xf32, #tpu.memory_space<vmem_shared>>
      tpu.wait_indirect_dma semaphore(%arg18 : memref<!tpu.dma_semaphore, #tpu.memory_space<semaphore_mem>>) src(%dma_wait3A_624 : memref<128xf32, #tpu.memory_space<vmem>>) dst(%dma_wait3A_629 : memref<1048576xf32, #tpu.memory_space<vmem_shared>>)
      %mul3A_630 = arith.constant 1024 : i32
      %mul3A_631 = arith.muli %mul3A_529, %mul3A_630 : i32
      %min3A_632 = arith.constant 123976 : i32
      %min3A_633 = arith.minsi %mul3A_631, %min3A_632 : i32
      %mul3A_634 = arith.constant 1024 : i32
      %mul3A_635 = arith.muli %mul3A_529, %mul3A_634 : i32
      %sub3A = arith.subi %mul3A_635, %min3A_633 : i32
      %parallel_loop3A_636 = arith.constant 0 : i32
      %parallel_loop3A_637 = arith.constant 64 : i32
      %parallel_loop3A_638 = arith.constant 1 : i32
      scf.for %parallel_loop3A_963 = %parallel_loop3A_636 to %parallel_loop3A_637 step %parallel_loop3A_638  : i32 {
        %parallel_loop3A_964 = arith.constant 16 : i32
        %parallel_loop3A_965 = arith.muli %parallel_loop3A_963, %parallel_loop3A_964 : i32
        %parallel_loop3A_966 = vector.broadcast %parallel_loop3A_965 : i32 to vector<16xi32>
        %parallel_loop3A_967 = arith.addi %parallel_loop3A_966, %iota3A : vector<16xi32>
        %parallel_loop3A_968 = arith.constant 16 : i32
        %parallel_loop3A_969 = arith.muli %parallel_loop3A_963, %parallel_loop3A_968 : i32
        %parallel_loop3A_970 = arith.index_cast %parallel_loop3A_969 : i32 to index
        %parallel_loop3A_971 = tpu.vector_load %arg6[%parallel_loop3A_970] {strides = array<i32>} : memref<2048xf32, #tpu.memory_space<vmem>>, vector<16xf32>,
        %parallel_loop3A_972 = arith.constant 16 : i32
        %parallel_loop3A_973 = arith.muli %parallel_loop3A_963, %parallel_loop3A_972 : i32
        %parallel_loop3A_974 = arith.constant 1024 : i32
        %parallel_loop3A_975 = arith.addi %parallel_loop3A_974, %parallel_loop3A_973 : i32
        %parallel_loop3A_976 = arith.index_cast %parallel_loop3A_975 : i32 to index
        %parallel_loop3A_977 = tpu.vector_load %arg6[%parallel_loop3A_976] {strides = array<i32>} : memref<2048xf32, #tpu.memory_space<vmem>>, vector<16xf32>,
        %parallel_loop3A_978 = arith.constant 16 : i32
        %parallel_loop3A_979 = arith.muli %parallel_loop3A_963, %parallel_loop3A_978 : i32
        %parallel_loop3A_980 = arith.index_cast %parallel_loop3A_979 : i32 to index
        %parallel_loop3A_981 = tpu.vector_load %arg8[%parallel_loop3A_980] {strides = array<i32>} : memref<1024xf32, #tpu.memory_space<vmem>>, vector<16xf32>,
        %parallel_loop3A_982 = arith.constant 5.000000e-01 : f32
        %parallel_loop3A_983 = vector.broadcast %parallel_loop3A_982 : f32 to vector<16xf32>
        %parallel_loop3A_984 = arith.addf %parallel_loop3A_971, %parallel_loop3A_983 : vector<16xf32>
        %parallel_loop3A_985 = arith.fptosi %parallel_loop3A_984 : vector<16xf32> to vector<16xi32>
        %parallel_loop3A_986 = arith.constant 5.000000e-01 : f32
        %parallel_loop3A_987 = vector.broadcast %parallel_loop3A_986 : f32 to vector<16xf32>
        %parallel_loop3A_988 = arith.addf %parallel_loop3A_977, %parallel_loop3A_987 : vector<16xf32>
        %parallel_loop3A_989 = arith.fptosi %parallel_loop3A_988 : vector<16xf32> to vector<16xi32>
        %parallel_loop3A_990 = arith.constant 10 : i32
        %parallel_loop3A_991 = vector.broadcast %parallel_loop3A_990 : i32 to vector<16xi32>
        %parallel_loop3A_992 = arith.shli %parallel_loop3A_989, %parallel_loop3A_991 : vector<16xi32>
        %parallel_loop3A_993 = arith.addi %parallel_loop3A_992, %parallel_loop3A_985 : vector<16xi32>
        %parallel_loop3A_994 = arith.constant 1024 : i32
        %parallel_loop3A_995 = vector.broadcast %parallel_loop3A_994 : i32 to vector<16xi32>
        %parallel_loop3A_996 = arith.cmpi slt, %parallel_loop3A_985, %parallel_loop3A_995 : vector<16xi32>
        %parallel_loop3A_997 = arith.constant 1024 : i32
        %parallel_loop3A_998 = vector.broadcast %parallel_loop3A_997 : i32 to vector<16xi32>
        %parallel_loop3A_999 = arith.cmpi slt, %parallel_loop3A_989, %parallel_loop3A_998 : vector<16xi32>
        %parallel_loop3A_1000 = arith.andi %parallel_loop3A_996, %parallel_loop3A_999 : vector<16xi1>
        %parallel_loop3A_1001 = vector.broadcast %sub3A : i32 to vector<16xi32>
        %parallel_loop3A_1002 = arith.cmpi sge, %parallel_loop3A_967, %parallel_loop3A_1001 : vector<16xi32>
        %parallel_loop3A_1003 = arith.andi %parallel_loop3A_1000, %parallel_loop3A_1002 : vector<16xi1>
        %parallel_loop3A_1004 = arith.constant 1048575 : i32
        %parallel_loop3A_1005 = vector.broadcast %parallel_loop3A_1004 : i32 to vector<16xi32>
        %parallel_loop3A_1006 = arith.andi %parallel_loop3A_993, %parallel_loop3A_1005 : vector<16xi32>
        %parallel_loop3A_1007 = arith.constant 1.000000e+00 : f32
        %parallel_loop3A_1008 = vector.broadcast %parallel_loop3A_1007 : f32 to vector<16xf32>
        %parallel_loop3A_1009 = arith.select %eq3A_110, %parallel_loop3A_981, %parallel_loop3A_1008 : vector<16xi1>, vector<16xf32>
        %parallel_loop3A_1010 = arith.constant 0.000000e+00 : f32
        %parallel_loop3A_1011 = vector.broadcast %parallel_loop3A_1010 : f32 to vector<16xf32>
        %parallel_loop3A_1012 = arith.select %parallel_loop3A_1003, %parallel_loop3A_1009, %parallel_loop3A_1011 : vector<16xi1>, vector<16xf32>
        %parallel_loop3A_1013 = arith.constant 3 : i32
        %parallel_loop3A_1014 = arith.shrsi %parallel_loop3A_963, %parallel_loop3A_1013 : i32
        %parallel_loop3A_1015 = arith.constant 7 : i32
        %parallel_loop3A_1016 = arith.andi %parallel_loop3A_963, %parallel_loop3A_1015 : i32
        %parallel_loop3A_1017 = arith.constant 16 : i32
        %parallel_loop3A_1018 = arith.muli %parallel_loop3A_1016, %parallel_loop3A_1017 : i32
        %parallel_loop3A_1019 = arith.index_cast %parallel_loop3A_1014 : i32 to index
        %parallel_loop3A_1020 = arith.index_cast %parallel_loop3A_1018 : i32 to index
        %parallel_loop3A_1021 = tpu.vector_load %arg10[%parallel_loop3A_1019, %parallel_loop3A_1020] {strides = array<i32>} : memref<8x128xf32, #tpu.memory_space<vmem>>, vector<16xf32>,
        tpu.vector_store %arg10[%parallel_loop3A_1019, %parallel_loop3A_1020], %parallel_loop3A_1012 {strides = array<i32>} : memref<8x128xf32, #tpu.memory_space<vmem>>, vector<16xf32>,
        %parallel_loop3A_1022 = arith.constant 3 : i32
        %parallel_loop3A_1023 = arith.shrsi %parallel_loop3A_963, %parallel_loop3A_1022 : i32
        %parallel_loop3A_1024 = arith.constant 7 : i32
        %parallel_loop3A_1025 = arith.andi %parallel_loop3A_963, %parallel_loop3A_1024 : i32
        %parallel_loop3A_1026 = arith.constant 16 : i32
        %parallel_loop3A_1027 = arith.muli %parallel_loop3A_1025, %parallel_loop3A_1026 : i32
        %parallel_loop3A_1028 = arith.index_cast %parallel_loop3A_1023 : i32 to index
        %parallel_loop3A_1029 = arith.index_cast %parallel_loop3A_1027 : i32 to index
        %parallel_loop3A_1030 = tpu.vector_load %arg12[%parallel_loop3A_1028, %parallel_loop3A_1029] {strides = array<i32>} : memref<8x128xi32, #tpu.memory_space<vmem>>, vector<16xi32>,
        tpu.vector_store %arg12[%parallel_loop3A_1028, %parallel_loop3A_1029], %parallel_loop3A_1006 {strides = array<i32>} : memref<8x128xi32, #tpu.memory_space<vmem>>, vector<16xi32>,
      } {sc.loop_unroll_factor = 8 : i64, sc.parallel_access}
      %dma_start3A_639 = arith.constant 0 : i32
      %dma_start3A_640 = arith.constant 0 : i32
      %dma_start3A_641 = arith.constant 0 : i32
      %dma_start3A_642 = tpu.memref_slice %arg10[%dma_start3A_639, %dma_start3A_641] : memref<8x128xf32, #tpu.memory_space<vmem>> -> memref<1x128xf32, #tpu.memory_space<vmem>>
      %dma_start3A_643 = tpu.memref_squeeze %dma_start3A_642 : memref<1x128xf32, #tpu.memory_space<vmem>> -> memref<128xf32, #tpu.memory_space<vmem>>
      %dma_start3A_644 = arith.constant 0 : i32
      %dma_start3A_645 = tpu.memref_slice %arg12[%dma_start3A_640, %dma_start3A_644] : memref<8x128xi32, #tpu.memory_space<vmem>> -> memref<1x128xi32, #tpu.memory_space<vmem>>
      %dma_start3A_646 = tpu.memref_squeeze %dma_start3A_645 : memref<1x128xi32, #tpu.memory_space<vmem>> -> memref<128xi32, #tpu.memory_space<vmem>>
      %dma_start3A_647 = arith.constant 0 : i32
      %dma_start3A_648 = tpu.memref_slice %arg5[%dma_start3A_647] : memref<1048576xf32, #tpu.memory_space<vmem_shared>> -> memref<1048576xf32, #tpu.memory_space<vmem_shared>>
      tpu.enqueue_indirect_dma source(%dma_start3A_643 : memref<128xf32, #tpu.memory_space<vmem>>) target(%dma_start3A_648 : memref<1048576xf32, #tpu.memory_space<vmem_shared>>) offsets(%dma_start3A_646 : memref<128xi32, #tpu.memory_space<vmem>>) semaphore(%arg18 : memref<!tpu.dma_semaphore, #tpu.memory_space<semaphore_mem>>) {add = true}
      %dma_start3A_649 = arith.constant 1 : i32
      %dma_start3A_650 = arith.constant 1 : i32
      %dma_start3A_651 = arith.constant 0 : i32
      %dma_start3A_652 = tpu.memref_slice %arg10[%dma_start3A_649, %dma_start3A_651] : memref<8x128xf32, #tpu.memory_space<vmem>> -> memref<1x128xf32, #tpu.memory_space<vmem>>
      %dma_start3A_653 = tpu.memref_squeeze %dma_start3A_652 : memref<1x128xf32, #tpu.memory_space<vmem>> -> memref<128xf32, #tpu.memory_space<vmem>>
      %dma_start3A_654 = arith.constant 0 : i32
      %dma_start3A_655 = tpu.memref_slice %arg12[%dma_start3A_650, %dma_start3A_654] : memref<8x128xi32, #tpu.memory_space<vmem>> -> memref<1x128xi32, #tpu.memory_space<vmem>>
      %dma_start3A_656 = tpu.memref_squeeze %dma_start3A_655 : memref<1x128xi32, #tpu.memory_space<vmem>> -> memref<128xi32, #tpu.memory_space<vmem>>
      %dma_start3A_657 = arith.constant 0 : i32
      %dma_start3A_658 = tpu.memref_slice %arg5[%dma_start3A_657] : memref<1048576xf32, #tpu.memory_space<vmem_shared>> -> memref<1048576xf32, #tpu.memory_space<vmem_shared>>
      tpu.enqueue_indirect_dma source(%dma_start3A_653 : memref<128xf32, #tpu.memory_space<vmem>>) target(%dma_start3A_658 : memref<1048576xf32, #tpu.memory_space<vmem_shared>>) offsets(%dma_start3A_656 : memref<128xi32, #tpu.memory_space<vmem>>) semaphore(%arg18 : memref<!tpu.dma_semaphore, #tpu.memory_space<semaphore_mem>>) {add = true}
      %dma_start3A_659 = arith.constant 2 : i32
      %dma_start3A_660 = arith.constant 2 : i32
      %dma_start3A_661 = arith.constant 0 : i32
      %dma_start3A_662 = tpu.memref_slice %arg10[%dma_start3A_659, %dma_start3A_661] : memref<8x128xf32, #tpu.memory_space<vmem>> -> memref<1x128xf32, #tpu.memory_space<vmem>>
      %dma_start3A_663 = tpu.memref_squeeze %dma_start3A_662 : memref<1x128xf32, #tpu.memory_space<vmem>> -> memref<128xf32, #tpu.memory_space<vmem>>
      %dma_start3A_664 = arith.constant 0 : i32
      %dma_start3A_665 = tpu.memref_slice %arg12[%dma_start3A_660, %dma_start3A_664] : memref<8x128xi32, #tpu.memory_space<vmem>> -> memref<1x128xi32, #tpu.memory_space<vmem>>
      %dma_start3A_666 = tpu.memref_squeeze %dma_start3A_665 : memref<1x128xi32, #tpu.memory_space<vmem>> -> memref<128xi32, #tpu.memory_space<vmem>>
      %dma_start3A_667 = arith.constant 0 : i32
      %dma_start3A_668 = tpu.memref_slice %arg5[%dma_start3A_667] : memref<1048576xf32, #tpu.memory_space<vmem_shared>> -> memref<1048576xf32, #tpu.memory_space<vmem_shared>>
      tpu.enqueue_indirect_dma source(%dma_start3A_663 : memref<128xf32, #tpu.memory_space<vmem>>) target(%dma_start3A_668 : memref<1048576xf32, #tpu.memory_space<vmem_shared>>) offsets(%dma_start3A_666 : memref<128xi32, #tpu.memory_space<vmem>>) semaphore(%arg18 : memref<!tpu.dma_semaphore, #tpu.memory_space<semaphore_mem>>) {add = true}
      %dma_start3A_669 = arith.constant 3 : i32
      %dma_start3A_670 = arith.constant 3 : i32
      %dma_start3A_671 = arith.constant 0 : i32
      %dma_start3A_672 = tpu.memref_slice %arg10[%dma_start3A_669, %dma_start3A_671] : memref<8x128xf32, #tpu.memory_space<vmem>> -> memref<1x128xf32, #tpu.memory_space<vmem>>
      %dma_start3A_673 = tpu.memref_squeeze %dma_start3A_672 : memref<1x128xf32, #tpu.memory_space<vmem>> -> memref<128xf32, #tpu.memory_space<vmem>>
      %dma_start3A_674 = arith.constant 0 : i32
      %dma_start3A_675 = tpu.memref_slice %arg12[%dma_start3A_670, %dma_start3A_674] : memref<8x128xi32, #tpu.memory_space<vmem>> -> memref<1x128xi32, #tpu.memory_space<vmem>>
      %dma_start3A_676 = tpu.memref_squeeze %dma_start3A_675 : memref<1x128xi32, #tpu.memory_space<vmem>> -> memref<128xi32, #tpu.memory_space<vmem>>
      %dma_start3A_677 = arith.constant 0 : i32
      %dma_start3A_678 = tpu.memref_slice %arg5[%dma_start3A_677] : memref<1048576xf32, #tpu.memory_space<vmem_shared>> -> memref<1048576xf32, #tpu.memory_space<vmem_shared>>
      tpu.enqueue_indirect_dma source(%dma_start3A_673 : memref<128xf32, #tpu.memory_space<vmem>>) target(%dma_start3A_678 : memref<1048576xf32, #tpu.memory_space<vmem_shared>>) offsets(%dma_start3A_676 : memref<128xi32, #tpu.memory_space<vmem>>) semaphore(%arg18 : memref<!tpu.dma_semaphore, #tpu.memory_space<semaphore_mem>>) {add = true}
      %dma_start3A_679 = arith.constant 4 : i32
      %dma_start3A_680 = arith.constant 4 : i32
      %dma_start3A_681 = arith.constant 0 : i32
      %dma_start3A_682 = tpu.memref_slice %arg10[%dma_start3A_679, %dma_start3A_681] : memref<8x128xf32, #tpu.memory_space<vmem>> -> memref<1x128xf32, #tpu.memory_space<vmem>>
      %dma_start3A_683 = tpu.memref_squeeze %dma_start3A_682 : memref<1x128xf32, #tpu.memory_space<vmem>> -> memref<128xf32, #tpu.memory_space<vmem>>
      %dma_start3A_684 = arith.constant 0 : i32
      %dma_start3A_685 = tpu.memref_slice %arg12[%dma_start3A_680, %dma_start3A_684] : memref<8x128xi32, #tpu.memory_space<vmem>> -> memref<1x128xi32, #tpu.memory_space<vmem>>
      %dma_start3A_686 = tpu.memref_squeeze %dma_start3A_685 : memref<1x128xi32, #tpu.memory_space<vmem>> -> memref<128xi32, #tpu.memory_space<vmem>>
      %dma_start3A_687 = arith.constant 0 : i32
      %dma_start3A_688 = tpu.memref_slice %arg5[%dma_start3A_687] : memref<1048576xf32, #tpu.memory_space<vmem_shared>> -> memref<1048576xf32, #tpu.memory_space<vmem_shared>>
      tpu.enqueue_indirect_dma source(%dma_start3A_683 : memref<128xf32, #tpu.memory_space<vmem>>) target(%dma_start3A_688 : memref<1048576xf32, #tpu.memory_space<vmem_shared>>) offsets(%dma_start3A_686 : memref<128xi32, #tpu.memory_space<vmem>>) semaphore(%arg18 : memref<!tpu.dma_semaphore, #tpu.memory_space<semaphore_mem>>) {add = true}
      %dma_start3A_689 = arith.constant 5 : i32
      %dma_start3A_690 = arith.constant 5 : i32
      %dma_start3A_691 = arith.constant 0 : i32
      %dma_start3A_692 = tpu.memref_slice %arg10[%dma_start3A_689, %dma_start3A_691] : memref<8x128xf32, #tpu.memory_space<vmem>> -> memref<1x128xf32, #tpu.memory_space<vmem>>
      %dma_start3A_693 = tpu.memref_squeeze %dma_start3A_692 : memref<1x128xf32, #tpu.memory_space<vmem>> -> memref<128xf32, #tpu.memory_space<vmem>>
      %dma_start3A_694 = arith.constant 0 : i32
      %dma_start3A_695 = tpu.memref_slice %arg12[%dma_start3A_690, %dma_start3A_694] : memref<8x128xi32, #tpu.memory_space<vmem>> -> memref<1x128xi32, #tpu.memory_space<vmem>>
      %dma_start3A_696 = tpu.memref_squeeze %dma_start3A_695 : memref<1x128xi32, #tpu.memory_space<vmem>> -> memref<128xi32, #tpu.memory_space<vmem>>
      %dma_start3A_697 = arith.constant 0 : i32
      %dma_start3A_698 = tpu.memref_slice %arg5[%dma_start3A_697] : memref<1048576xf32, #tpu.memory_space<vmem_shared>> -> memref<1048576xf32, #tpu.memory_space<vmem_shared>>
      tpu.enqueue_indirect_dma source(%dma_start3A_693 : memref<128xf32, #tpu.memory_space<vmem>>) target(%dma_start3A_698 : memref<1048576xf32, #tpu.memory_space<vmem_shared>>) offsets(%dma_start3A_696 : memref<128xi32, #tpu.memory_space<vmem>>) semaphore(%arg18 : memref<!tpu.dma_semaphore, #tpu.memory_space<semaphore_mem>>) {add = true}
      %dma_start3A_699 = arith.constant 6 : i32
      %dma_start3A_700 = arith.constant 6 : i32
      %dma_start3A_701 = arith.constant 0 : i32
      %dma_start3A_702 = tpu.memref_slice %arg10[%dma_start3A_699, %dma_start3A_701] : memref<8x128xf32, #tpu.memory_space<vmem>> -> memref<1x128xf32, #tpu.memory_space<vmem>>
      %dma_start3A_703 = tpu.memref_squeeze %dma_start3A_702 : memref<1x128xf32, #tpu.memory_space<vmem>> -> memref<128xf32, #tpu.memory_space<vmem>>
      %dma_start3A_704 = arith.constant 0 : i32
      %dma_start3A_705 = tpu.memref_slice %arg12[%dma_start3A_700, %dma_start3A_704] : memref<8x128xi32, #tpu.memory_space<vmem>> -> memref<1x128xi32, #tpu.memory_space<vmem>>
      %dma_start3A_706 = tpu.memref_squeeze %dma_start3A_705 : memref<1x128xi32, #tpu.memory_space<vmem>> -> memref<128xi32, #tpu.memory_space<vmem>>
      %dma_start3A_707 = arith.constant 0 : i32
      %dma_start3A_708 = tpu.memref_slice %arg5[%dma_start3A_707] : memref<1048576xf32, #tpu.memory_space<vmem_shared>> -> memref<1048576xf32, #tpu.memory_space<vmem_shared>>
      tpu.enqueue_indirect_dma source(%dma_start3A_703 : memref<128xf32, #tpu.memory_space<vmem>>) target(%dma_start3A_708 : memref<1048576xf32, #tpu.memory_space<vmem_shared>>) offsets(%dma_start3A_706 : memref<128xi32, #tpu.memory_space<vmem>>) semaphore(%arg18 : memref<!tpu.dma_semaphore, #tpu.memory_space<semaphore_mem>>) {add = true}
      %dma_start3A_709 = arith.constant 7 : i32
      %dma_start3A_710 = arith.constant 7 : i32
      %dma_start3A_711 = arith.constant 0 : i32
      %dma_start3A_712 = tpu.memref_slice %arg10[%dma_start3A_709, %dma_start3A_711] : memref<8x128xf32, #tpu.memory_space<vmem>> -> memref<1x128xf32, #tpu.memory_space<vmem>>
      %dma_start3A_713 = tpu.memref_squeeze %dma_start3A_712 : memref<1x128xf32, #tpu.memory_space<vmem>> -> memref<128xf32, #tpu.memory_space<vmem>>
      %dma_start3A_714 = arith.constant 0 : i32
      %dma_start3A_715 = tpu.memref_slice %arg12[%dma_start3A_710, %dma_start3A_714] : memref<8x128xi32, #tpu.memory_space<vmem>> -> memref<1x128xi32, #tpu.memory_space<vmem>>
      %dma_start3A_716 = tpu.memref_squeeze %dma_start3A_715 : memref<1x128xi32, #tpu.memory_space<vmem>> -> memref<128xi32, #tpu.memory_space<vmem>>
      %dma_start3A_717 = arith.constant 0 : i32
      %dma_start3A_718 = tpu.memref_slice %arg5[%dma_start3A_717] : memref<1048576xf32, #tpu.memory_space<vmem_shared>> -> memref<1048576xf32, #tpu.memory_space<vmem_shared>>
      tpu.enqueue_indirect_dma source(%dma_start3A_713 : memref<128xf32, #tpu.memory_space<vmem>>) target(%dma_start3A_718 : memref<1048576xf32, #tpu.memory_space<vmem_shared>>) offsets(%dma_start3A_716 : memref<128xi32, #tpu.memory_space<vmem>>) semaphore(%arg18 : memref<!tpu.dma_semaphore, #tpu.memory_space<semaphore_mem>>) {add = true}
      %add3A_719 = arith.constant 2 : i32
      %add3A_720 = arith.addi %mul3A_529, %add3A_719 : i32
      %mul3A_721 = arith.constant 1024 : i32
      %mul3A_722 = arith.muli %add3A_720, %mul3A_721 : i32
      %min3A_723 = arith.constant 123976 : i32
      %min3A_724 = arith.minsi %mul3A_722, %min3A_723 : i32
      %add3A_725 = arith.addi %mul3A_104, %min3A_724 : i32
      %dma_start3A_726 = arith.constant 0 : i32
      %dma_start3A_727 = tpu.memref_slice %arg6[%dma_start3A_726] : memref<2048xf32, #tpu.memory_space<vmem>> -> memref<1024xf32, #tpu.memory_space<vmem>>
      %dma_start3A_728 = tpu.memref_slice %arg2[%add3A_725] : memref<4000000xf32, #tpu.memory_space<hbm>> -> memref<1024xf32, #tpu.memory_space<hbm>>
      %dma_start3A_729 = arith.constant 0 : i32
      %dma_start3A_730 = tpu.memref_slice %arg6[%dma_start3A_729] : memref<2048xf32, #tpu.memory_space<vmem>> -> memref<1024xf32, #tpu.memory_space<vmem>>
      %dma_start3A_731 = tpu.memref_slice %arg2[%add3A_725] : memref<4000000xf32, #tpu.memory_space<hbm>> -> memref<1024xf32, #tpu.memory_space<hbm>>
      tpu.enqueue_dma source(%dma_start3A_731 : memref<1024xf32, #tpu.memory_space<hbm>>) target(%dma_start3A_730 : memref<1024xf32, #tpu.memory_space<vmem>>) target_semaphore(%arg16 : memref<!tpu.dma_semaphore, #tpu.memory_space<semaphore_mem>>)
      %add3A_732 = arith.constant 2000000 : i32
      %add3A_733 = arith.addi %add3A_732, %mul3A_104 : i32
      %add3A_734 = arith.addi %add3A_733, %min3A_724 : i32
      %dma_start3A_735 = arith.constant 1024 : i32
      %dma_start3A_736 = tpu.memref_slice %arg6[%dma_start3A_735] : memref<2048xf32, #tpu.memory_space<vmem>> -> memref<1024xf32, #tpu.memory_space<vmem>>
      %dma_start3A_737 = tpu.memref_slice %arg2[%add3A_734] : memref<4000000xf32, #tpu.memory_space<hbm>> -> memref<1024xf32, #tpu.memory_space<hbm>>
      %dma_start3A_738 = arith.constant 1024 : i32
      %dma_start3A_739 = tpu.memref_slice %arg6[%dma_start3A_738] : memref<2048xf32, #tpu.memory_space<vmem>> -> memref<1024xf32, #tpu.memory_space<vmem>>
      %dma_start3A_740 = tpu.memref_slice %arg2[%add3A_734] : memref<4000000xf32, #tpu.memory_space<hbm>> -> memref<1024xf32, #tpu.memory_space<hbm>>
      tpu.enqueue_dma source(%dma_start3A_740 : memref<1024xf32, #tpu.memory_space<hbm>>) target(%dma_start3A_739 : memref<1024xf32, #tpu.memory_space<vmem>>) target_semaphore(%arg16 : memref<!tpu.dma_semaphore, #tpu.memory_space<semaphore_mem>>)
      %add3A_741 = arith.addi %mul3A_104, %min3A_724 : i32
      %dma_start3A_742 = tpu.memref_slice %arg3[%add3A_741] : memref<2000000xf32, #tpu.memory_space<hbm>> -> memref<1024xf32, #tpu.memory_space<hbm>>
      %dma_start3A_743 = tpu.memref_slice %arg3[%add3A_741] : memref<2000000xf32, #tpu.memory_space<hbm>> -> memref<1024xf32, #tpu.memory_space<hbm>>
      tpu.enqueue_dma source(%dma_start3A_743 : memref<1024xf32, #tpu.memory_space<hbm>>) target(%arg8 : memref<1024xf32, #tpu.memory_space<vmem>>) target_semaphore(%arg16 : memref<!tpu.dma_semaphore, #tpu.memory_space<semaphore_mem>>)
      %mul3A_744 = arith.constant 2 : i32
      %mul3A_745 = arith.muli %mul3A_744, %scan3A_527 : i32
      %add3A_746 = arith.constant 1 : i32
      %add3A_747 = arith.addi %mul3A_745, %add3A_746 : i32
      %dma_wait3A_748 = arith.constant 0 : i32
      %dma_wait3A_749 = tpu.memref_slice %arg7[%dma_wait3A_748] : memref<2048xf32, #tpu.memory_space<vmem>> -> memref<1024xf32, #tpu.memory_space<vmem>>
      %dma_wait3A_750 = arith.constant 0 : i32
      %dma_wait3A_751 = tpu.memref_slice %arg2[%dma_wait3A_750] : memref<4000000xf32, #tpu.memory_space<hbm>> -> memref<1024xf32, #tpu.memory_space<hbm>>
      %dma_wait3A_752 = arith.constant 0 : i32
      %dma_wait3A_753 = tpu.memref_slice %arg7[%dma_wait3A_752] : memref<2048xf32, #tpu.memory_space<vmem>> -> memref<1024xf32, #tpu.memory_space<vmem>>
      %dma_wait3A_754 = arith.constant 0 : i32
      %dma_wait3A_755 = tpu.memref_slice %arg2[%dma_wait3A_754] : memref<4000000xf32, #tpu.memory_space<hbm>> -> memref<1024xf32, #tpu.memory_space<hbm>>
      tpu.wait_dma2 semaphore(%arg17 : memref<!tpu.dma_semaphore, #tpu.memory_space<semaphore_mem>>) src(%dma_wait3A_755 : memref<1024xf32, #tpu.memory_space<hbm>>) dst(%dma_wait3A_753 : memref<1024xf32, #tpu.memory_space<vmem>>)
      %dma_wait3A_756 = arith.constant 1024 : i32
      %dma_wait3A_757 = tpu.memref_slice %arg7[%dma_wait3A_756] : memref<2048xf32, #tpu.memory_space<vmem>> -> memref<1024xf32, #tpu.memory_space<vmem>>
      %dma_wait3A_758 = arith.constant 0 : i32
      %dma_wait3A_759 = tpu.memref_slice %arg2[%dma_wait3A_758] : memref<4000000xf32, #tpu.memory_space<hbm>> -> memref<1024xf32, #tpu.memory_space<hbm>>
      %dma_wait3A_760 = arith.constant 1024 : i32
      %dma_wait3A_761 = tpu.memref_slice %arg7[%dma_wait3A_760] : memref<2048xf32, #tpu.memory_space<vmem>> -> memref<1024xf32, #tpu.memory_space<vmem>>
      %dma_wait3A_762 = arith.constant 0 : i32
      %dma_wait3A_763 = tpu.memref_slice %arg2[%dma_wait3A_762] : memref<4000000xf32, #tpu.memory_space<hbm>> -> memref<1024xf32, #tpu.memory_space<hbm>>
      tpu.wait_dma2 semaphore(%arg17 : memref<!tpu.dma_semaphore, #tpu.memory_space<semaphore_mem>>) src(%dma_wait3A_763 : memref<1024xf32, #tpu.memory_space<hbm>>) dst(%dma_wait3A_761 : memref<1024xf32, #tpu.memory_space<vmem>>)
      %dma_wait3A_764 = arith.constant 0 : i32
      %dma_wait3A_765 = tpu.memref_slice %arg3[%dma_wait3A_764] : memref<2000000xf32, #tpu.memory_space<hbm>> -> memref<1024xf32, #tpu.memory_space<hbm>>
      %dma_wait3A_766 = arith.constant 0 : i32
      %dma_wait3A_767 = tpu.memref_slice %arg3[%dma_wait3A_766] : memref<2000000xf32, #tpu.memory_space<hbm>> -> memref<1024xf32, #tpu.memory_space<hbm>>
      tpu.wait_dma2 semaphore(%arg17 : memref<!tpu.dma_semaphore, #tpu.memory_space<semaphore_mem>>) src(%dma_wait3A_767 : memref<1024xf32, #tpu.memory_space<hbm>>) dst(%arg9 : memref<1024xf32, #tpu.memory_space<vmem>>)
      %dma_wait3A_768 = arith.constant 0 : i32
      %dma_wait3A_769 = arith.constant 0 : i32
      %dma_wait3A_770 = arith.constant 0 : i32
      %dma_wait3A_771 = tpu.memref_slice %arg11[%dma_wait3A_768, %dma_wait3A_770] : memref<8x128xf32, #tpu.memory_space<vmem>> -> memref<1x128xf32, #tpu.memory_space<vmem>>
      %dma_wait3A_772 = tpu.memref_squeeze %dma_wait3A_771 : memref<1x128xf32, #tpu.memory_space<vmem>> -> memref<128xf32, #tpu.memory_space<vmem>>
      %dma_wait3A_773 = arith.constant 0 : i32
      %dma_wait3A_774 = tpu.memref_slice %arg13[%dma_wait3A_769, %dma_wait3A_773] : memref<8x128xi32, #tpu.memory_space<vmem>> -> memref<1x128xi32, #tpu.memory_space<vmem>>
      %dma_wait3A_775 = tpu.memref_squeeze %dma_wait3A_774 : memref<1x128xi32, #tpu.memory_space<vmem>> -> memref<128xi32, #tpu.memory_space<vmem>>
      %dma_wait3A_776 = arith.constant 0 : i32
      %dma_wait3A_777 = tpu.memref_slice %arg5[%dma_wait3A_776] : memref<1048576xf32, #tpu.memory_space<vmem_shared>> -> memref<1048576xf32, #tpu.memory_space<vmem_shared>>
      tpu.wait_indirect_dma semaphore(%arg19 : memref<!tpu.dma_semaphore, #tpu.memory_space<semaphore_mem>>) src(%dma_wait3A_772 : memref<128xf32, #tpu.memory_space<vmem>>) dst(%dma_wait3A_777 : memref<1048576xf32, #tpu.memory_space<vmem_shared>>)
      %dma_wait3A_778 = arith.constant 1 : i32
      %dma_wait3A_779 = arith.constant 1 : i32
      %dma_wait3A_780 = arith.constant 0 : i32
      %dma_wait3A_781 = tpu.memref_slice %arg11[%dma_wait3A_778, %dma_wait3A_780] : memref<8x128xf32, #tpu.memory_space<vmem>> -> memref<1x128xf32, #tpu.memory_space<vmem>>
      %dma_wait3A_782 = tpu.memref_squeeze %dma_wait3A_781 : memref<1x128xf32, #tpu.memory_space<vmem>> -> memref<128xf32, #tpu.memory_space<vmem>>
      %dma_wait3A_783 = arith.constant 0 : i32
      %dma_wait3A_784 = tpu.memref_slice %arg13[%dma_wait3A_779, %dma_wait3A_783] : memref<8x128xi32, #tpu.memory_space<vmem>> -> memref<1x128xi32, #tpu.memory_space<vmem>>
      %dma_wait3A_785 = tpu.memref_squeeze %dma_wait3A_784 : memref<1x128xi32, #tpu.memory_space<vmem>> -> memref<128xi32, #tpu.memory_space<vmem>>
      %dma_wait3A_786 = arith.constant 0 : i32
      %dma_wait3A_787 = tpu.memref_slice %arg5[%dma_wait3A_786] : memref<1048576xf32, #tpu.memory_space<vmem_shared>> -> memref<1048576xf32, #tpu.memory_space<vmem_shared>>
      tpu.wait_indirect_dma semaphore(%arg19 : memref<!tpu.dma_semaphore, #tpu.memory_space<semaphore_mem>>) src(%dma_wait3A_782 : memref<128xf32, #tpu.memory_space<vmem>>) dst(%dma_wait3A_787 : memref<1048576xf32, #tpu.memory_space<vmem_shared>>)
      %dma_wait3A_788 = arith.constant 2 : i32
      %dma_wait3A_789 = arith.constant 2 : i32
      %dma_wait3A_790 = arith.constant 0 : i32
      %dma_wait3A_791 = tpu.memref_slice %arg11[%dma_wait3A_788, %dma_wait3A_790] : memref<8x128xf32, #tpu.memory_space<vmem>> -> memref<1x128xf32, #tpu.memory_space<vmem>>
      %dma_wait3A_792 = tpu.memref_squeeze %dma_wait3A_791 : memref<1x128xf32, #tpu.memory_space<vmem>> -> memref<128xf32, #tpu.memory_space<vmem>>
      %dma_wait3A_793 = arith.constant 0 : i32
      %dma_wait3A_794 = tpu.memref_slice %arg13[%dma_wait3A_789, %dma_wait3A_793] : memref<8x128xi32, #tpu.memory_space<vmem>> -> memref<1x128xi32, #tpu.memory_space<vmem>>
      %dma_wait3A_795 = tpu.memref_squeeze %dma_wait3A_794 : memref<1x128xi32, #tpu.memory_space<vmem>> -> memref<128xi32, #tpu.memory_space<vmem>>
      %dma_wait3A_796 = arith.constant 0 : i32
      %dma_wait3A_797 = tpu.memref_slice %arg5[%dma_wait3A_796] : memref<1048576xf32, #tpu.memory_space<vmem_shared>> -> memref<1048576xf32, #tpu.memory_space<vmem_shared>>
      tpu.wait_indirect_dma semaphore(%arg19 : memref<!tpu.dma_semaphore, #tpu.memory_space<semaphore_mem>>) src(%dma_wait3A_792 : memref<128xf32, #tpu.memory_space<vmem>>) dst(%dma_wait3A_797 : memref<1048576xf32, #tpu.memory_space<vmem_shared>>)
      %dma_wait3A_798 = arith.constant 3 : i32
      %dma_wait3A_799 = arith.constant 3 : i32
      %dma_wait3A_800 = arith.constant 0 : i32
      %dma_wait3A_801 = tpu.memref_slice %arg11[%dma_wait3A_798, %dma_wait3A_800] : memref<8x128xf32, #tpu.memory_space<vmem>> -> memref<1x128xf32, #tpu.memory_space<vmem>>
      %dma_wait3A_802 = tpu.memref_squeeze %dma_wait3A_801 : memref<1x128xf32, #tpu.memory_space<vmem>> -> memref<128xf32, #tpu.memory_space<vmem>>
      %dma_wait3A_803 = arith.constant 0 : i32
      %dma_wait3A_804 = tpu.memref_slice %arg13[%dma_wait3A_799, %dma_wait3A_803] : memref<8x128xi32, #tpu.memory_space<vmem>> -> memref<1x128xi32, #tpu.memory_space<vmem>>
      %dma_wait3A_805 = tpu.memref_squeeze %dma_wait3A_804 : memref<1x128xi32, #tpu.memory_space<vmem>> -> memref<128xi32, #tpu.memory_space<vmem>>
      %dma_wait3A_806 = arith.constant 0 : i32
      %dma_wait3A_807 = tpu.memref_slice %arg5[%dma_wait3A_806] : memref<1048576xf32, #tpu.memory_space<vmem_shared>> -> memref<1048576xf32, #tpu.memory_space<vmem_shared>>
      tpu.wait_indirect_dma semaphore(%arg19 : memref<!tpu.dma_semaphore, #tpu.memory_space<semaphore_mem>>) src(%dma_wait3A_802 : memref<128xf32, #tpu.memory_space<vmem>>) dst(%dma_wait3A_807 : memref<1048576xf32, #tpu.memory_space<vmem_shared>>)
      %dma_wait3A_808 = arith.constant 4 : i32
      %dma_wait3A_809 = arith.constant 4 : i32
      %dma_wait3A_810 = arith.constant 0 : i32
      %dma_wait3A_811 = tpu.memref_slice %arg11[%dma_wait3A_808, %dma_wait3A_810] : memref<8x128xf32, #tpu.memory_space<vmem>> -> memref<1x128xf32, #tpu.memory_space<vmem>>
      %dma_wait3A_812 = tpu.memref_squeeze %dma_wait3A_811 : memref<1x128xf32, #tpu.memory_space<vmem>> -> memref<128xf32, #tpu.memory_space<vmem>>
      %dma_wait3A_813 = arith.constant 0 : i32
      %dma_wait3A_814 = tpu.memref_slice %arg13[%dma_wait3A_809, %dma_wait3A_813] : memref<8x128xi32, #tpu.memory_space<vmem>> -> memref<1x128xi32, #tpu.memory_space<vmem>>
      %dma_wait3A_815 = tpu.memref_squeeze %dma_wait3A_814 : memref<1x128xi32, #tpu.memory_space<vmem>> -> memref<128xi32, #tpu.memory_space<vmem>>
      %dma_wait3A_816 = arith.constant 0 : i32
      %dma_wait3A_817 = tpu.memref_slice %arg5[%dma_wait3A_816] : memref<1048576xf32, #tpu.memory_space<vmem_shared>> -> memref<1048576xf32, #tpu.memory_space<vmem_shared>>
      tpu.wait_indirect_dma semaphore(%arg19 : memref<!tpu.dma_semaphore, #tpu.memory_space<semaphore_mem>>) src(%dma_wait3A_812 : memref<128xf32, #tpu.memory_space<vmem>>) dst(%dma_wait3A_817 : memref<1048576xf32, #tpu.memory_space<vmem_shared>>)
      %dma_wait3A_818 = arith.constant 5 : i32
      %dma_wait3A_819 = arith.constant 5 : i32
      %dma_wait3A_820 = arith.constant 0 : i32
      %dma_wait3A_821 = tpu.memref_slice %arg11[%dma_wait3A_818, %dma_wait3A_820] : memref<8x128xf32, #tpu.memory_space<vmem>> -> memref<1x128xf32, #tpu.memory_space<vmem>>
      %dma_wait3A_822 = tpu.memref_squeeze %dma_wait3A_821 : memref<1x128xf32, #tpu.memory_space<vmem>> -> memref<128xf32, #tpu.memory_space<vmem>>
      %dma_wait3A_823 = arith.constant 0 : i32
      %dma_wait3A_824 = tpu.memref_slice %arg13[%dma_wait3A_819, %dma_wait3A_823] : memref<8x128xi32, #tpu.memory_space<vmem>> -> memref<1x128xi32, #tpu.memory_space<vmem>>
      %dma_wait3A_825 = tpu.memref_squeeze %dma_wait3A_824 : memref<1x128xi32, #tpu.memory_space<vmem>> -> memref<128xi32, #tpu.memory_space<vmem>>
      %dma_wait3A_826 = arith.constant 0 : i32
      %dma_wait3A_827 = tpu.memref_slice %arg5[%dma_wait3A_826] : memref<1048576xf32, #tpu.memory_space<vmem_shared>> -> memref<1048576xf32, #tpu.memory_space<vmem_shared>>
      tpu.wait_indirect_dma semaphore(%arg19 : memref<!tpu.dma_semaphore, #tpu.memory_space<semaphore_mem>>) src(%dma_wait3A_822 : memref<128xf32, #tpu.memory_space<vmem>>) dst(%dma_wait3A_827 : memref<1048576xf32, #tpu.memory_space<vmem_shared>>)
      %dma_wait3A_828 = arith.constant 6 : i32
      %dma_wait3A_829 = arith.constant 6 : i32
      %dma_wait3A_830 = arith.constant 0 : i32
      %dma_wait3A_831 = tpu.memref_slice %arg11[%dma_wait3A_828, %dma_wait3A_830] : memref<8x128xf32, #tpu.memory_space<vmem>> -> memref<1x128xf32, #tpu.memory_space<vmem>>
      %dma_wait3A_832 = tpu.memref_squeeze %dma_wait3A_831 : memref<1x128xf32, #tpu.memory_space<vmem>> -> memref<128xf32, #tpu.memory_space<vmem>>
      %dma_wait3A_833 = arith.constant 0 : i32
      %dma_wait3A_834 = tpu.memref_slice %arg13[%dma_wait3A_829, %dma_wait3A_833] : memref<8x128xi32, #tpu.memory_space<vmem>> -> memref<1x128xi32, #tpu.memory_space<vmem>>
      %dma_wait3A_835 = tpu.memref_squeeze %dma_wait3A_834 : memref<1x128xi32, #tpu.memory_space<vmem>> -> memref<128xi32, #tpu.memory_space<vmem>>
      %dma_wait3A_836 = arith.constant 0 : i32
      %dma_wait3A_837 = tpu.memref_slice %arg5[%dma_wait3A_836] : memref<1048576xf32, #tpu.memory_space<vmem_shared>> -> memref<1048576xf32, #tpu.memory_space<vmem_shared>>
      tpu.wait_indirect_dma semaphore(%arg19 : memref<!tpu.dma_semaphore, #tpu.memory_space<semaphore_mem>>) src(%dma_wait3A_832 : memref<128xf32, #tpu.memory_space<vmem>>) dst(%dma_wait3A_837 : memref<1048576xf32, #tpu.memory_space<vmem_shared>>)
      %dma_wait3A_838 = arith.constant 7 : i32
      %dma_wait3A_839 = arith.constant 7 : i32
      %dma_wait3A_840 = arith.constant 0 : i32
      %dma_wait3A_841 = tpu.memref_slice %arg11[%dma_wait3A_838, %dma_wait3A_840] : memref<8x128xf32, #tpu.memory_space<vmem>> -> memref<1x128xf32, #tpu.memory_space<vmem>>
      %dma_wait3A_842 = tpu.memref_squeeze %dma_wait3A_841 : memref<1x128xf32, #tpu.memory_space<vmem>> -> memref<128xf32, #tpu.memory_space<vmem>>
      %dma_wait3A_843 = arith.constant 0 : i32
      %dma_wait3A_844 = tpu.memref_slice %arg13[%dma_wait3A_839, %dma_wait3A_843] : memref<8x128xi32, #tpu.memory_space<vmem>> -> memref<1x128xi32, #tpu.memory_space<vmem>>
      %dma_wait3A_845 = tpu.memref_squeeze %dma_wait3A_844 : memref<1x128xi32, #tpu.memory_space<vmem>> -> memref<128xi32, #tpu.memory_space<vmem>>
      %dma_wait3A_846 = arith.constant 0 : i32
      %dma_wait3A_847 = tpu.memref_slice %arg5[%dma_wait3A_846] : memref<1048576xf32, #tpu.memory_space<vmem_shared>> -> memref<1048576xf32, #tpu.memory_space<vmem_shared>>
      tpu.wait_indirect_dma semaphore(%arg19 : memref<!tpu.dma_semaphore, #tpu.memory_space<semaphore_mem>>) src(%dma_wait3A_842 : memref<128xf32, #tpu.memory_space<vmem>>) dst(%dma_wait3A_847 : memref<1048576xf32, #tpu.memory_space<vmem_shared>>)
      %mul3A_848 = arith.constant 1024 : i32
      %mul3A_849 = arith.muli %add3A_747, %mul3A_848 : i32
      %min3A_850 = arith.constant 123976 : i32
      %min3A_851 = arith.minsi %mul3A_849, %min3A_850 : i32
      %mul3A_852 = arith.constant 1024 : i32
      %mul3A_853 = arith.muli %add3A_747, %mul3A_852 : i32
      %sub3A_854 = arith.subi %mul3A_853, %min3A_851 : i32
      %parallel_loop3A_855 = arith.constant 0 : i32
      %parallel_loop3A_856 = arith.constant 64 : i32
      %parallel_loop3A_857 = arith.constant 1 : i32
      scf.for %parallel_loop3A_963 = %parallel_loop3A_855 to %parallel_loop3A_856 step %parallel_loop3A_857  : i32 {
        %parallel_loop3A_964 = arith.constant 16 : i32
        %parallel_loop3A_965 = arith.muli %parallel_loop3A_963, %parallel_loop3A_964 : i32
        %parallel_loop3A_966 = vector.broadcast %parallel_loop3A_965 : i32 to vector<16xi32>
        %parallel_loop3A_967 = arith.addi %parallel_loop3A_966, %iota3A : vector<16xi32>
        %parallel_loop3A_968 = arith.constant 16 : i32
        %parallel_loop3A_969 = arith.muli %parallel_loop3A_963, %parallel_loop3A_968 : i32
        %parallel_loop3A_970 = arith.index_cast %parallel_loop3A_969 : i32 to index
        %parallel_loop3A_971 = tpu.vector_load %arg7[%parallel_loop3A_970] {strides = array<i32>} : memref<2048xf32, #tpu.memory_space<vmem>>, vector<16xf32>,
        %parallel_loop3A_972 = arith.constant 16 : i32
        %parallel_loop3A_973 = arith.muli %parallel_loop3A_963, %parallel_loop3A_972 : i32
        %parallel_loop3A_974 = arith.constant 1024 : i32
        %parallel_loop3A_975 = arith.addi %parallel_loop3A_974, %parallel_loop3A_973 : i32
        %parallel_loop3A_976 = arith.index_cast %parallel_loop3A_975 : i32 to index
        %parallel_loop3A_977 = tpu.vector_load %arg7[%parallel_loop3A_976] {strides = array<i32>} : memref<2048xf32, #tpu.memory_space<vmem>>, vector<16xf32>,
        %parallel_loop3A_978 = arith.constant 16 : i32
        %parallel_loop3A_979 = arith.muli %parallel_loop3A_963, %parallel_loop3A_978 : i32
        %parallel_loop3A_980 = arith.index_cast %parallel_loop3A_979 : i32 to index
        %parallel_loop3A_981 = tpu.vector_load %arg9[%parallel_loop3A_980] {strides = array<i32>} : memref<1024xf32, #tpu.memory_space<vmem>>, vector<16xf32>,
        %parallel_loop3A_982 = arith.constant 5.000000e-01 : f32
        %parallel_loop3A_983 = vector.broadcast %parallel_loop3A_982 : f32 to vector<16xf32>
        %parallel_loop3A_984 = arith.addf %parallel_loop3A_971, %parallel_loop3A_983 : vector<16xf32>
        %parallel_loop3A_985 = arith.fptosi %parallel_loop3A_984 : vector<16xf32> to vector<16xi32>
        %parallel_loop3A_986 = arith.constant 5.000000e-01 : f32
        %parallel_loop3A_987 = vector.broadcast %parallel_loop3A_986 : f32 to vector<16xf32>
        %parallel_loop3A_988 = arith.addf %parallel_loop3A_977, %parallel_loop3A_987 : vector<16xf32>
        %parallel_loop3A_989 = arith.fptosi %parallel_loop3A_988 : vector<16xf32> to vector<16xi32>
        %parallel_loop3A_990 = arith.constant 10 : i32
        %parallel_loop3A_991 = vector.broadcast %parallel_loop3A_990 : i32 to vector<16xi32>
        %parallel_loop3A_992 = arith.shli %parallel_loop3A_989, %parallel_loop3A_991 : vector<16xi32>
        %parallel_loop3A_993 = arith.addi %parallel_loop3A_992, %parallel_loop3A_985 : vector<16xi32>
        %parallel_loop3A_994 = arith.constant 1024 : i32
        %parallel_loop3A_995 = vector.broadcast %parallel_loop3A_994 : i32 to vector<16xi32>
        %parallel_loop3A_996 = arith.cmpi slt, %parallel_loop3A_985, %parallel_loop3A_995 : vector<16xi32>
        %parallel_loop3A_997 = arith.constant 1024 : i32
        %parallel_loop3A_998 = vector.broadcast %parallel_loop3A_997 : i32 to vector<16xi32>
        %parallel_loop3A_999 = arith.cmpi slt, %parallel_loop3A_989, %parallel_loop3A_998 : vector<16xi32>
        %parallel_loop3A_1000 = arith.andi %parallel_loop3A_996, %parallel_loop3A_999 : vector<16xi1>
        %parallel_loop3A_1001 = vector.broadcast %sub3A_854 : i32 to vector<16xi32>
        %parallel_loop3A_1002 = arith.cmpi sge, %parallel_loop3A_967, %parallel_loop3A_1001 : vector<16xi32>
        %parallel_loop3A_1003 = arith.andi %parallel_loop3A_1000, %parallel_loop3A_1002 : vector<16xi1>
        %parallel_loop3A_1004 = arith.constant 1048575 : i32
        %parallel_loop3A_1005 = vector.broadcast %parallel_loop3A_1004 : i32 to vector<16xi32>
        %parallel_loop3A_1006 = arith.andi %parallel_loop3A_993, %parallel_loop3A_1005 : vector<16xi32>
        %parallel_loop3A_1007 = arith.constant 1.000000e+00 : f32
        %parallel_loop3A_1008 = vector.broadcast %parallel_loop3A_1007 : f32 to vector<16xf32>
        %parallel_loop3A_1009 = arith.select %eq3A_110, %parallel_loop3A_981, %parallel_loop3A_1008 : vector<16xi1>, vector<16xf32>
        %parallel_loop3A_1010 = arith.constant 0.000000e+00 : f32
        %parallel_loop3A_1011 = vector.broadcast %parallel_loop3A_1010 : f32 to vector<16xf32>
        %parallel_loop3A_1012 = arith.select %parallel_loop3A_1003, %parallel_loop3A_1009, %parallel_loop3A_1011 : vector<16xi1>, vector<16xf32>
        %parallel_loop3A_1013 = arith.constant 3 : i32
        %parallel_loop3A_1014 = arith.shrsi %parallel_loop3A_963, %parallel_loop3A_1013 : i32
        %parallel_loop3A_1015 = arith.constant 7 : i32
        %parallel_loop3A_1016 = arith.andi %parallel_loop3A_963, %parallel_loop3A_1015 : i32
        %parallel_loop3A_1017 = arith.constant 16 : i32
        %parallel_loop3A_1018 = arith.muli %parallel_loop3A_1016, %parallel_loop3A_1017 : i32
        %parallel_loop3A_1019 = arith.index_cast %parallel_loop3A_1014 : i32 to index
        %parallel_loop3A_1020 = arith.index_cast %parallel_loop3A_1018 : i32 to index
        %parallel_loop3A_1021 = tpu.vector_load %arg11[%parallel_loop3A_1019, %parallel_loop3A_1020] {strides = array<i32>} : memref<8x128xf32, #tpu.memory_space<vmem>>, vector<16xf32>,
        tpu.vector_store %arg11[%parallel_loop3A_1019, %parallel_loop3A_1020], %parallel_loop3A_1012 {strides = array<i32>} : memref<8x128xf32, #tpu.memory_space<vmem>>, vector<16xf32>,
        %parallel_loop3A_1022 = arith.constant 3 : i32
        %parallel_loop3A_1023 = arith.shrsi %parallel_loop3A_963, %parallel_loop3A_1022 : i32
        %parallel_loop3A_1024 = arith.constant 7 : i32
        %parallel_loop3A_1025 = arith.andi %parallel_loop3A_963, %parallel_loop3A_1024 : i32
        %parallel_loop3A_1026 = arith.constant 16 : i32
        %parallel_loop3A_1027 = arith.muli %parallel_loop3A_1025, %parallel_loop3A_1026 : i32
        %parallel_loop3A_1028 = arith.index_cast %parallel_loop3A_1023 : i32 to index
        %parallel_loop3A_1029 = arith.index_cast %parallel_loop3A_1027 : i32 to index
        %parallel_loop3A_1030 = tpu.vector_load %arg13[%parallel_loop3A_1028, %parallel_loop3A_1029] {strides = array<i32>} : memref<8x128xi32, #tpu.memory_space<vmem>>, vector<16xi32>,
        tpu.vector_store %arg13[%parallel_loop3A_1028, %parallel_loop3A_1029], %parallel_loop3A_1006 {strides = array<i32>} : memref<8x128xi32, #tpu.memory_space<vmem>>, vector<16xi32>,
      } {sc.loop_unroll_factor = 8 : i64, sc.parallel_access}
      %dma_start3A_858 = arith.constant 0 : i32
      %dma_start3A_859 = arith.constant 0 : i32
      %dma_start3A_860 = arith.constant 0 : i32
      %dma_start3A_861 = tpu.memref_slice %arg11[%dma_start3A_858, %dma_start3A_860] : memref<8x128xf32, #tpu.memory_space<vmem>> -> memref<1x128xf32, #tpu.memory_space<vmem>>
      %dma_start3A_862 = tpu.memref_squeeze %dma_start3A_861 : memref<1x128xf32, #tpu.memory_space<vmem>> -> memref<128xf32, #tpu.memory_space<vmem>>
      %dma_start3A_863 = arith.constant 0 : i32
      %dma_start3A_864 = tpu.memref_slice %arg13[%dma_start3A_859, %dma_start3A_863] : memref<8x128xi32, #tpu.memory_space<vmem>> -> memref<1x128xi32, #tpu.memory_space<vmem>>
      %dma_start3A_865 = tpu.memref_squeeze %dma_start3A_864 : memref<1x128xi32, #tpu.memory_space<vmem>> -> memref<128xi32, #tpu.memory_space<vmem>>
      %dma_start3A_866 = arith.constant 0 : i32
      %dma_start3A_867 = tpu.memref_slice %arg5[%dma_start3A_866] : memref<1048576xf32, #tpu.memory_space<vmem_shared>> -> memref<1048576xf32, #tpu.memory_space<vmem_shared>>
      tpu.enqueue_indirect_dma source(%dma_start3A_862 : memref<128xf32, #tpu.memory_space<vmem>>) target(%dma_start3A_867 : memref<1048576xf32, #tpu.memory_space<vmem_shared>>) offsets(%dma_start3A_865 : memref<128xi32, #tpu.memory_space<vmem>>) semaphore(%arg19 : memref<!tpu.dma_semaphore, #tpu.memory_space<semaphore_mem>>) {add = true}
      %dma_start3A_868 = arith.constant 1 : i32
      %dma_start3A_869 = arith.constant 1 : i32
      %dma_start3A_870 = arith.constant 0 : i32
      %dma_start3A_871 = tpu.memref_slice %arg11[%dma_start3A_868, %dma_start3A_870] : memref<8x128xf32, #tpu.memory_space<vmem>> -> memref<1x128xf32, #tpu.memory_space<vmem>>
      %dma_start3A_872 = tpu.memref_squeeze %dma_start3A_871 : memref<1x128xf32, #tpu.memory_space<vmem>> -> memref<128xf32, #tpu.memory_space<vmem>>
      %dma_start3A_873 = arith.constant 0 : i32
      %dma_start3A_874 = tpu.memref_slice %arg13[%dma_start3A_869, %dma_start3A_873] : memref<8x128xi32, #tpu.memory_space<vmem>> -> memref<1x128xi32, #tpu.memory_space<vmem>>
      %dma_start3A_875 = tpu.memref_squeeze %dma_start3A_874 : memref<1x128xi32, #tpu.memory_space<vmem>> -> memref<128xi32, #tpu.memory_space<vmem>>
      %dma_start3A_876 = arith.constant 0 : i32
      %dma_start3A_877 = tpu.memref_slice %arg5[%dma_start3A_876] : memref<1048576xf32, #tpu.memory_space<vmem_shared>> -> memref<1048576xf32, #tpu.memory_space<vmem_shared>>
      tpu.enqueue_indirect_dma source(%dma_start3A_872 : memref<128xf32, #tpu.memory_space<vmem>>) target(%dma_start3A_877 : memref<1048576xf32, #tpu.memory_space<vmem_shared>>) offsets(%dma_start3A_875 : memref<128xi32, #tpu.memory_space<vmem>>) semaphore(%arg19 : memref<!tpu.dma_semaphore, #tpu.memory_space<semaphore_mem>>) {add = true}
      %dma_start3A_878 = arith.constant 2 : i32
      %dma_start3A_879 = arith.constant 2 : i32
      %dma_start3A_880 = arith.constant 0 : i32
      %dma_start3A_881 = tpu.memref_slice %arg11[%dma_start3A_878, %dma_start3A_880] : memref<8x128xf32, #tpu.memory_space<vmem>> -> memref<1x128xf32, #tpu.memory_space<vmem>>
      %dma_start3A_882 = tpu.memref_squeeze %dma_start3A_881 : memref<1x128xf32, #tpu.memory_space<vmem>> -> memref<128xf32, #tpu.memory_space<vmem>>
      %dma_start3A_883 = arith.constant 0 : i32
      %dma_start3A_884 = tpu.memref_slice %arg13[%dma_start3A_879, %dma_start3A_883] : memref<8x128xi32, #tpu.memory_space<vmem>> -> memref<1x128xi32, #tpu.memory_space<vmem>>
      %dma_start3A_885 = tpu.memref_squeeze %dma_start3A_884 : memref<1x128xi32, #tpu.memory_space<vmem>> -> memref<128xi32, #tpu.memory_space<vmem>>
      %dma_start3A_886 = arith.constant 0 : i32
      %dma_start3A_887 = tpu.memref_slice %arg5[%dma_start3A_886] : memref<1048576xf32, #tpu.memory_space<vmem_shared>> -> memref<1048576xf32, #tpu.memory_space<vmem_shared>>
      tpu.enqueue_indirect_dma source(%dma_start3A_882 : memref<128xf32, #tpu.memory_space<vmem>>) target(%dma_start3A_887 : memref<1048576xf32, #tpu.memory_space<vmem_shared>>) offsets(%dma_start3A_885 : memref<128xi32, #tpu.memory_space<vmem>>) semaphore(%arg19 : memref<!tpu.dma_semaphore, #tpu.memory_space<semaphore_mem>>) {add = true}
      %dma_start3A_888 = arith.constant 3 : i32
      %dma_start3A_889 = arith.constant 3 : i32
      %dma_start3A_890 = arith.constant 0 : i32
      %dma_start3A_891 = tpu.memref_slice %arg11[%dma_start3A_888, %dma_start3A_890] : memref<8x128xf32, #tpu.memory_space<vmem>> -> memref<1x128xf32, #tpu.memory_space<vmem>>
      %dma_start3A_892 = tpu.memref_squeeze %dma_start3A_891 : memref<1x128xf32, #tpu.memory_space<vmem>> -> memref<128xf32, #tpu.memory_space<vmem>>
      %dma_start3A_893 = arith.constant 0 : i32
      %dma_start3A_894 = tpu.memref_slice %arg13[%dma_start3A_889, %dma_start3A_893] : memref<8x128xi32, #tpu.memory_space<vmem>> -> memref<1x128xi32, #tpu.memory_space<vmem>>
      %dma_start3A_895 = tpu.memref_squeeze %dma_start3A_894 : memref<1x128xi32, #tpu.memory_space<vmem>> -> memref<128xi32, #tpu.memory_space<vmem>>
      %dma_start3A_896 = arith.constant 0 : i32
      %dma_start3A_897 = tpu.memref_slice %arg5[%dma_start3A_896] : memref<1048576xf32, #tpu.memory_space<vmem_shared>> -> memref<1048576xf32, #tpu.memory_space<vmem_shared>>
      tpu.enqueue_indirect_dma source(%dma_start3A_892 : memref<128xf32, #tpu.memory_space<vmem>>) target(%dma_start3A_897 : memref<1048576xf32, #tpu.memory_space<vmem_shared>>) offsets(%dma_start3A_895 : memref<128xi32, #tpu.memory_space<vmem>>) semaphore(%arg19 : memref<!tpu.dma_semaphore, #tpu.memory_space<semaphore_mem>>) {add = true}
      %dma_start3A_898 = arith.constant 4 : i32
      %dma_start3A_899 = arith.constant 4 : i32
      %dma_start3A_900 = arith.constant 0 : i32
      %dma_start3A_901 = tpu.memref_slice %arg11[%dma_start3A_898, %dma_start3A_900] : memref<8x128xf32, #tpu.memory_space<vmem>> -> memref<1x128xf32, #tpu.memory_space<vmem>>
      %dma_start3A_902 = tpu.memref_squeeze %dma_start3A_901 : memref<1x128xf32, #tpu.memory_space<vmem>> -> memref<128xf32, #tpu.memory_space<vmem>>
      %dma_start3A_903 = arith.constant 0 : i32
      %dma_start3A_904 = tpu.memref_slice %arg13[%dma_start3A_899, %dma_start3A_903] : memref<8x128xi32, #tpu.memory_space<vmem>> -> memref<1x128xi32, #tpu.memory_space<vmem>>
      %dma_start3A_905 = tpu.memref_squeeze %dma_start3A_904 : memref<1x128xi32, #tpu.memory_space<vmem>> -> memref<128xi32, #tpu.memory_space<vmem>>
      %dma_start3A_906 = arith.constant 0 : i32
      %dma_start3A_907 = tpu.memref_slice %arg5[%dma_start3A_906] : memref<1048576xf32, #tpu.memory_space<vmem_shared>> -> memref<1048576xf32, #tpu.memory_space<vmem_shared>>
      tpu.enqueue_indirect_dma source(%dma_start3A_902 : memref<128xf32, #tpu.memory_space<vmem>>) target(%dma_start3A_907 : memref<1048576xf32, #tpu.memory_space<vmem_shared>>) offsets(%dma_start3A_905 : memref<128xi32, #tpu.memory_space<vmem>>) semaphore(%arg19 : memref<!tpu.dma_semaphore, #tpu.memory_space<semaphore_mem>>) {add = true}
      %dma_start3A_908 = arith.constant 5 : i32
      %dma_start3A_909 = arith.constant 5 : i32
      %dma_start3A_910 = arith.constant 0 : i32
      %dma_start3A_911 = tpu.memref_slice %arg11[%dma_start3A_908, %dma_start3A_910] : memref<8x128xf32, #tpu.memory_space<vmem>> -> memref<1x128xf32, #tpu.memory_space<vmem>>
      %dma_start3A_912 = tpu.memref_squeeze %dma_start3A_911 : memref<1x128xf32, #tpu.memory_space<vmem>> -> memref<128xf32, #tpu.memory_space<vmem>>
      %dma_start3A_913 = arith.constant 0 : i32
      %dma_start3A_914 = tpu.memref_slice %arg13[%dma_start3A_909, %dma_start3A_913] : memref<8x128xi32, #tpu.memory_space<vmem>> -> memref<1x128xi32, #tpu.memory_space<vmem>>
      %dma_start3A_915 = tpu.memref_squeeze %dma_start3A_914 : memref<1x128xi32, #tpu.memory_space<vmem>> -> memref<128xi32, #tpu.memory_space<vmem>>
      %dma_start3A_916 = arith.constant 0 : i32
      %dma_start3A_917 = tpu.memref_slice %arg5[%dma_start3A_916] : memref<1048576xf32, #tpu.memory_space<vmem_shared>> -> memref<1048576xf32, #tpu.memory_space<vmem_shared>>
      tpu.enqueue_indirect_dma source(%dma_start3A_912 : memref<128xf32, #tpu.memory_space<vmem>>) target(%dma_start3A_917 : memref<1048576xf32, #tpu.memory_space<vmem_shared>>) offsets(%dma_start3A_915 : memref<128xi32, #tpu.memory_space<vmem>>) semaphore(%arg19 : memref<!tpu.dma_semaphore, #tpu.memory_space<semaphore_mem>>) {add = true}
      %dma_start3A_918 = arith.constant 6 : i32
      %dma_start3A_919 = arith.constant 6 : i32
      %dma_start3A_920 = arith.constant 0 : i32
      %dma_start3A_921 = tpu.memref_slice %arg11[%dma_start3A_918, %dma_start3A_920] : memref<8x128xf32, #tpu.memory_space<vmem>> -> memref<1x128xf32, #tpu.memory_space<vmem>>
      %dma_start3A_922 = tpu.memref_squeeze %dma_start3A_921 : memref<1x128xf32, #tpu.memory_space<vmem>> -> memref<128xf32, #tpu.memory_space<vmem>>
      %dma_start3A_923 = arith.constant 0 : i32
      %dma_start3A_924 = tpu.memref_slice %arg13[%dma_start3A_919, %dma_start3A_923] : memref<8x128xi32, #tpu.memory_space<vmem>> -> memref<1x128xi32, #tpu.memory_space<vmem>>
      %dma_start3A_925 = tpu.memref_squeeze %dma_start3A_924 : memref<1x128xi32, #tpu.memory_space<vmem>> -> memref<128xi32, #tpu.memory_space<vmem>>
      %dma_start3A_926 = arith.constant 0 : i32
      %dma_start3A_927 = tpu.memref_slice %arg5[%dma_start3A_926] : memref<1048576xf32, #tpu.memory_space<vmem_shared>> -> memref<1048576xf32, #tpu.memory_space<vmem_shared>>
      tpu.enqueue_indirect_dma source(%dma_start3A_922 : memref<128xf32, #tpu.memory_space<vmem>>) target(%dma_start3A_927 : memref<1048576xf32, #tpu.memory_space<vmem_shared>>) offsets(%dma_start3A_925 : memref<128xi32, #tpu.memory_space<vmem>>) semaphore(%arg19 : memref<!tpu.dma_semaphore, #tpu.memory_space<semaphore_mem>>) {add = true}
      %dma_start3A_928 = arith.constant 7 : i32
      %dma_start3A_929 = arith.constant 7 : i32
      %dma_start3A_930 = arith.constant 0 : i32
      %dma_start3A_931 = tpu.memref_slice %arg11[%dma_start3A_928, %dma_start3A_930] : memref<8x128xf32, #tpu.memory_space<vmem>> -> memref<1x128xf32, #tpu.memory_space<vmem>>
      %dma_start3A_932 = tpu.memref_squeeze %dma_start3A_931 : memref<1x128xf32, #tpu.memory_space<vmem>> -> memref<128xf32, #tpu.memory_space<vmem>>
      %dma_start3A_933 = arith.constant 0 : i32
      %dma_start3A_934 = tpu.memref_slice %arg13[%dma_start3A_929, %dma_start3A_933] : memref<8x128xi32, #tpu.memory_space<vmem>> -> memref<1x128xi32, #tpu.memory_space<vmem>>
      %dma_start3A_935 = tpu.memref_squeeze %dma_start3A_934 : memref<1x128xi32, #tpu.memory_space<vmem>> -> memref<128xi32, #tpu.memory_space<vmem>>
      %dma_start3A_936 = arith.constant 0 : i32
      %dma_start3A_937 = tpu.memref_slice %arg5[%dma_start3A_936] : memref<1048576xf32, #tpu.memory_space<vmem_shared>> -> memref<1048576xf32, #tpu.memory_space<vmem_shared>>
      tpu.enqueue_indirect_dma source(%dma_start3A_932 : memref<128xf32, #tpu.memory_space<vmem>>) target(%dma_start3A_937 : memref<1048576xf32, #tpu.memory_space<vmem_shared>>) offsets(%dma_start3A_935 : memref<128xi32, #tpu.memory_space<vmem>>) semaphore(%arg19 : memref<!tpu.dma_semaphore, #tpu.memory_space<semaphore_mem>>) {add = true}
      %add3A_938 = arith.constant 2 : i32
      %add3A_939 = arith.addi %add3A_747, %add3A_938 : i32
      %mul3A_940 = arith.constant 1024 : i32
      %mul3A_941 = arith.muli %add3A_939, %mul3A_940 : i32
      %min3A_942 = arith.constant 123976 : i32
      %min3A_943 = arith.minsi %mul3A_941, %min3A_942 : i32
      %add3A_944 = arith.addi %mul3A_104, %min3A_943 : i32
      %dma_start3A_945 = arith.constant 0 : i32
      %dma_start3A_946 = tpu.memref_slice %arg7[%dma_start3A_945] : memref<2048xf32, #tpu.memory_space<vmem>> -> memref<1024xf32, #tpu.memory_space<vmem>>
      %dma_start3A_947 = tpu.memref_slice %arg2[%add3A_944] : memref<4000000xf32, #tpu.memory_space<hbm>> -> memref<1024xf32, #tpu.memory_space<hbm>>
      %dma_start3A_948 = arith.constant 0 : i32
      %dma_start3A_949 = tpu.memref_slice %arg7[%dma_start3A_948] : memref<2048xf32, #tpu.memory_space<vmem>> -> memref<1024xf32, #tpu.memory_space<vmem>>
      %dma_start3A_950 = tpu.memref_slice %arg2[%add3A_944] : memref<4000000xf32, #tpu.memory_space<hbm>> -> memref<1024xf32, #tpu.memory_space<hbm>>
      tpu.enqueue_dma source(%dma_start3A_950 : memref<1024xf32, #tpu.memory_space<hbm>>) target(%dma_start3A_949 : memref<1024xf32, #tpu.memory_space<vmem>>) target_semaphore(%arg17 : memref<!tpu.dma_semaphore, #tpu.memory_space<semaphore_mem>>)
      %add3A_951 = arith.constant 2000000 : i32
      %add3A_952 = arith.addi %add3A_951, %mul3A_104 : i32
      %add3A_953 = arith.addi %add3A_952, %min3A_943 : i32
      %dma_start3A_954 = arith.constant 1024 : i32
      %dma_start3A_955 = tpu.memref_slice %arg7[%dma_start3A_954] : memref<2048xf32, #tpu.memory_space<vmem>> -> memref<1024xf32, #tpu.memory_space<vmem>>
      %dma_start3A_956 = tpu.memref_slice %arg2[%add3A_953] : memref<4000000xf32, #tpu.memory_space<hbm>> -> memref<1024xf32, #tpu.memory_space<hbm>>
      %dma_start3A_957 = arith.constant 1024 : i32
      %dma_start3A_958 = tpu.memref_slice %arg7[%dma_start3A_957] : memref<2048xf32, #tpu.memory_space<vmem>> -> memref<1024xf32, #tpu.memory_space<vmem>>
      %dma_start3A_959 = tpu.memref_slice %arg2[%add3A_953] : memref<4000000xf32, #tpu.memory_space<hbm>> -> memref<1024xf32, #tpu.memory_space<hbm>>
      tpu.enqueue_dma source(%dma_start3A_959 : memref<1024xf32, #tpu.memory_space<hbm>>) target(%dma_start3A_958 : memref<1024xf32, #tpu.memory_space<vmem>>) target_semaphore(%arg17 : memref<!tpu.dma_semaphore, #tpu.memory_space<semaphore_mem>>)
      %add3A_960 = arith.addi %mul3A_104, %min3A_943 : i32
      %dma_start3A_961 = tpu.memref_slice %arg3[%add3A_960] : memref<2000000xf32, #tpu.memory_space<hbm>> -> memref<1024xf32, #tpu.memory_space<hbm>>
      %dma_start3A_962 = tpu.memref_slice %arg3[%add3A_960] : memref<2000000xf32, #tpu.memory_space<hbm>> -> memref<1024xf32, #tpu.memory_space<hbm>>
      tpu.enqueue_dma source(%dma_start3A_962 : memref<1024xf32, #tpu.memory_space<hbm>>) target(%arg9 : memref<1024xf32, #tpu.memory_space<vmem>>) target_semaphore(%arg17 : memref<!tpu.dma_semaphore, #tpu.memory_space<semaphore_mem>>)
    }
    %scan3A_318 = arith.constant 62 : i32
    %dma_wait3A_319 = arith.constant 0 : i32
    %dma_wait3A_320 = arith.constant 0 : i32
    %dma_wait3A_321 = arith.constant 0 : i32
    %dma_wait3A_322 = tpu.memref_slice %arg10[%dma_wait3A_319, %dma_wait3A_321] : memref<8x128xf32, #tpu.memory_space<vmem>> -> memref<1x128xf32, #tpu.memory_space<vmem>>
    %dma_wait3A_323 = tpu.memref_squeeze %dma_wait3A_322 : memref<1x128xf32, #tpu.memory_space<vmem>> -> memref<128xf32, #tpu.memory_space<vmem>>
    %dma_wait3A_324 = arith.constant 0 : i32
    %dma_wait3A_325 = tpu.memref_slice %arg12[%dma_wait3A_320, %dma_wait3A_324] : memref<8x128xi32, #tpu.memory_space<vmem>> -> memref<1x128xi32, #tpu.memory_space<vmem>>
    %dma_wait3A_326 = tpu.memref_squeeze %dma_wait3A_325 : memref<1x128xi32, #tpu.memory_space<vmem>> -> memref<128xi32, #tpu.memory_space<vmem>>
    %dma_wait3A_327 = arith.constant 0 : i32
    %dma_wait3A_328 = tpu.memref_slice %arg5[%dma_wait3A_327] : memref<1048576xf32, #tpu.memory_space<vmem_shared>> -> memref<1048576xf32, #tpu.memory_space<vmem_shared>>
    tpu.wait_indirect_dma semaphore(%arg18 : memref<!tpu.dma_semaphore, #tpu.memory_space<semaphore_mem>>) src(%dma_wait3A_323 : memref<128xf32, #tpu.memory_space<vmem>>) dst(%dma_wait3A_328 : memref<1048576xf32, #tpu.memory_space<vmem_shared>>)
    %dma_wait3A_329 = arith.constant 1 : i32
    %dma_wait3A_330 = arith.constant 1 : i32
    %dma_wait3A_331 = arith.constant 0 : i32
    %dma_wait3A_332 = tpu.memref_slice %arg10[%dma_wait3A_329, %dma_wait3A_331] : memref<8x128xf32, #tpu.memory_space<vmem>> -> memref<1x128xf32, #tpu.memory_space<vmem>>
    %dma_wait3A_333 = tpu.memref_squeeze %dma_wait3A_332 : memref<1x128xf32, #tpu.memory_space<vmem>> -> memref<128xf32, #tpu.memory_space<vmem>>
    %dma_wait3A_334 = arith.constant 0 : i32
    %dma_wait3A_335 = tpu.memref_slice %arg12[%dma_wait3A_330, %dma_wait3A_334] : memref<8x128xi32, #tpu.memory_space<vmem>> -> memref<1x128xi32, #tpu.memory_space<vmem>>
    %dma_wait3A_336 = tpu.memref_squeeze %dma_wait3A_335 : memref<1x128xi32, #tpu.memory_space<vmem>> -> memref<128xi32, #tpu.memory_space<vmem>>
    %dma_wait3A_337 = arith.constant 0 : i32
    %dma_wait3A_338 = tpu.memref_slice %arg5[%dma_wait3A_337] : memref<1048576xf32, #tpu.memory_space<vmem_shared>> -> memref<1048576xf32, #tpu.memory_space<vmem_shared>>
    tpu.wait_indirect_dma semaphore(%arg18 : memref<!tpu.dma_semaphore, #tpu.memory_space<semaphore_mem>>) src(%dma_wait3A_333 : memref<128xf32, #tpu.memory_space<vmem>>) dst(%dma_wait3A_338 : memref<1048576xf32, #tpu.memory_space<vmem_shared>>)
    %dma_wait3A_339 = arith.constant 2 : i32
    %dma_wait3A_340 = arith.constant 2 : i32
    %dma_wait3A_341 = arith.constant 0 : i32
    %dma_wait3A_342 = tpu.memref_slice %arg10[%dma_wait3A_339, %dma_wait3A_341] : memref<8x128xf32, #tpu.memory_space<vmem>> -> memref<1x128xf32, #tpu.memory_space<vmem>>
    %dma_wait3A_343 = tpu.memref_squeeze %dma_wait3A_342 : memref<1x128xf32, #tpu.memory_space<vmem>> -> memref<128xf32, #tpu.memory_space<vmem>>
    %dma_wait3A_344 = arith.constant 0 : i32
    %dma_wait3A_345 = tpu.memref_slice %arg12[%dma_wait3A_340, %dma_wait3A_344] : memref<8x128xi32, #tpu.memory_space<vmem>> -> memref<1x128xi32, #tpu.memory_space<vmem>>
    %dma_wait3A_346 = tpu.memref_squeeze %dma_wait3A_345 : memref<1x128xi32, #tpu.memory_space<vmem>> -> memref<128xi32, #tpu.memory_space<vmem>>
    %dma_wait3A_347 = arith.constant 0 : i32
    %dma_wait3A_348 = tpu.memref_slice %arg5[%dma_wait3A_347] : memref<1048576xf32, #tpu.memory_space<vmem_shared>> -> memref<1048576xf32, #tpu.memory_space<vmem_shared>>
    tpu.wait_indirect_dma semaphore(%arg18 : memref<!tpu.dma_semaphore, #tpu.memory_space<semaphore_mem>>) src(%dma_wait3A_343 : memref<128xf32, #tpu.memory_space<vmem>>) dst(%dma_wait3A_348 : memref<1048576xf32, #tpu.memory_space<vmem_shared>>)
    %dma_wait3A_349 = arith.constant 3 : i32
    %dma_wait3A_350 = arith.constant 3 : i32
    %dma_wait3A_351 = arith.constant 0 : i32
    %dma_wait3A_352 = tpu.memref_slice %arg10[%dma_wait3A_349, %dma_wait3A_351] : memref<8x128xf32, #tpu.memory_space<vmem>> -> memref<1x128xf32, #tpu.memory_space<vmem>>
    %dma_wait3A_353 = tpu.memref_squeeze %dma_wait3A_352 : memref<1x128xf32, #tpu.memory_space<vmem>> -> memref<128xf32, #tpu.memory_space<vmem>>
    %dma_wait3A_354 = arith.constant 0 : i32
    %dma_wait3A_355 = tpu.memref_slice %arg12[%dma_wait3A_350, %dma_wait3A_354] : memref<8x128xi32, #tpu.memory_space<vmem>> -> memref<1x128xi32, #tpu.memory_space<vmem>>
    %dma_wait3A_356 = tpu.memref_squeeze %dma_wait3A_355 : memref<1x128xi32, #tpu.memory_space<vmem>> -> memref<128xi32, #tpu.memory_space<vmem>>
    %dma_wait3A_357 = arith.constant 0 : i32
    %dma_wait3A_358 = tpu.memref_slice %arg5[%dma_wait3A_357] : memref<1048576xf32, #tpu.memory_space<vmem_shared>> -> memref<1048576xf32, #tpu.memory_space<vmem_shared>>
    tpu.wait_indirect_dma semaphore(%arg18 : memref<!tpu.dma_semaphore, #tpu.memory_space<semaphore_mem>>) src(%dma_wait3A_353 : memref<128xf32, #tpu.memory_space<vmem>>) dst(%dma_wait3A_358 : memref<1048576xf32, #tpu.memory_space<vmem_shared>>)
    %dma_wait3A_359 = arith.constant 4 : i32
    %dma_wait3A_360 = arith.constant 4 : i32
    %dma_wait3A_361 = arith.constant 0 : i32
    %dma_wait3A_362 = tpu.memref_slice %arg10[%dma_wait3A_359, %dma_wait3A_361] : memref<8x128xf32, #tpu.memory_space<vmem>> -> memref<1x128xf32, #tpu.memory_space<vmem>>
    %dma_wait3A_363 = tpu.memref_squeeze %dma_wait3A_362 : memref<1x128xf32, #tpu.memory_space<vmem>> -> memref<128xf32, #tpu.memory_space<vmem>>
    %dma_wait3A_364 = arith.constant 0 : i32
    %dma_wait3A_365 = tpu.memref_slice %arg12[%dma_wait3A_360, %dma_wait3A_364] : memref<8x128xi32, #tpu.memory_space<vmem>> -> memref<1x128xi32, #tpu.memory_space<vmem>>
    %dma_wait3A_366 = tpu.memref_squeeze %dma_wait3A_365 : memref<1x128xi32, #tpu.memory_space<vmem>> -> memref<128xi32, #tpu.memory_space<vmem>>
    %dma_wait3A_367 = arith.constant 0 : i32
    %dma_wait3A_368 = tpu.memref_slice %arg5[%dma_wait3A_367] : memref<1048576xf32, #tpu.memory_space<vmem_shared>> -> memref<1048576xf32, #tpu.memory_space<vmem_shared>>
    tpu.wait_indirect_dma semaphore(%arg18 : memref<!tpu.dma_semaphore, #tpu.memory_space<semaphore_mem>>) src(%dma_wait3A_363 : memref<128xf32, #tpu.memory_space<vmem>>) dst(%dma_wait3A_368 : memref<1048576xf32, #tpu.memory_space<vmem_shared>>)
    %dma_wait3A_369 = arith.constant 5 : i32
    %dma_wait3A_370 = arith.constant 5 : i32
    %dma_wait3A_371 = arith.constant 0 : i32
    %dma_wait3A_372 = tpu.memref_slice %arg10[%dma_wait3A_369, %dma_wait3A_371] : memref<8x128xf32, #tpu.memory_space<vmem>> -> memref<1x128xf32, #tpu.memory_space<vmem>>
    %dma_wait3A_373 = tpu.memref_squeeze %dma_wait3A_372 : memref<1x128xf32, #tpu.memory_space<vmem>> -> memref<128xf32, #tpu.memory_space<vmem>>
    %dma_wait3A_374 = arith.constant 0 : i32
    %dma_wait3A_375 = tpu.memref_slice %arg12[%dma_wait3A_370, %dma_wait3A_374] : memref<8x128xi32, #tpu.memory_space<vmem>> -> memref<1x128xi32, #tpu.memory_space<vmem>>
    %dma_wait3A_376 = tpu.memref_squeeze %dma_wait3A_375 : memref<1x128xi32, #tpu.memory_space<vmem>> -> memref<128xi32, #tpu.memory_space<vmem>>
    %dma_wait3A_377 = arith.constant 0 : i32
    %dma_wait3A_378 = tpu.memref_slice %arg5[%dma_wait3A_377] : memref<1048576xf32, #tpu.memory_space<vmem_shared>> -> memref<1048576xf32, #tpu.memory_space<vmem_shared>>
    tpu.wait_indirect_dma semaphore(%arg18 : memref<!tpu.dma_semaphore, #tpu.memory_space<semaphore_mem>>) src(%dma_wait3A_373 : memref<128xf32, #tpu.memory_space<vmem>>) dst(%dma_wait3A_378 : memref<1048576xf32, #tpu.memory_space<vmem_shared>>)
    %dma_wait3A_379 = arith.constant 6 : i32
    %dma_wait3A_380 = arith.constant 6 : i32
    %dma_wait3A_381 = arith.constant 0 : i32
    %dma_wait3A_382 = tpu.memref_slice %arg10[%dma_wait3A_379, %dma_wait3A_381] : memref<8x128xf32, #tpu.memory_space<vmem>> -> memref<1x128xf32, #tpu.memory_space<vmem>>
    %dma_wait3A_383 = tpu.memref_squeeze %dma_wait3A_382 : memref<1x128xf32, #tpu.memory_space<vmem>> -> memref<128xf32, #tpu.memory_space<vmem>>
    %dma_wait3A_384 = arith.constant 0 : i32
    %dma_wait3A_385 = tpu.memref_slice %arg12[%dma_wait3A_380, %dma_wait3A_384] : memref<8x128xi32, #tpu.memory_space<vmem>> -> memref<1x128xi32, #tpu.memory_space<vmem>>
    %dma_wait3A_386 = tpu.memref_squeeze %dma_wait3A_385 : memref<1x128xi32, #tpu.memory_space<vmem>> -> memref<128xi32, #tpu.memory_space<vmem>>
    %dma_wait3A_387 = arith.constant 0 : i32
    %dma_wait3A_388 = tpu.memref_slice %arg5[%dma_wait3A_387] : memref<1048576xf32, #tpu.memory_space<vmem_shared>> -> memref<1048576xf32, #tpu.memory_space<vmem_shared>>
    tpu.wait_indirect_dma semaphore(%arg18 : memref<!tpu.dma_semaphore, #tpu.memory_space<semaphore_mem>>) src(%dma_wait3A_383 : memref<128xf32, #tpu.memory_space<vmem>>) dst(%dma_wait3A_388 : memref<1048576xf32, #tpu.memory_space<vmem_shared>>)
    %dma_wait3A_389 = arith.constant 7 : i32
    %dma_wait3A_390 = arith.constant 7 : i32
    %dma_wait3A_391 = arith.constant 0 : i32
    %dma_wait3A_392 = tpu.memref_slice %arg10[%dma_wait3A_389, %dma_wait3A_391] : memref<8x128xf32, #tpu.memory_space<vmem>> -> memref<1x128xf32, #tpu.memory_space<vmem>>
    %dma_wait3A_393 = tpu.memref_squeeze %dma_wait3A_392 : memref<1x128xf32, #tpu.memory_space<vmem>> -> memref<128xf32, #tpu.memory_space<vmem>>
    %dma_wait3A_394 = arith.constant 0 : i32
    %dma_wait3A_395 = tpu.memref_slice %arg12[%dma_wait3A_390, %dma_wait3A_394] : memref<8x128xi32, #tpu.memory_space<vmem>> -> memref<1x128xi32, #tpu.memory_space<vmem>>
    %dma_wait3A_396 = tpu.memref_squeeze %dma_wait3A_395 : memref<1x128xi32, #tpu.memory_space<vmem>> -> memref<128xi32, #tpu.memory_space<vmem>>
    %dma_wait3A_397 = arith.constant 0 : i32
    %dma_wait3A_398 = tpu.memref_slice %arg5[%dma_wait3A_397] : memref<1048576xf32, #tpu.memory_space<vmem_shared>> -> memref<1048576xf32, #tpu.memory_space<vmem_shared>>
    tpu.wait_indirect_dma semaphore(%arg18 : memref<!tpu.dma_semaphore, #tpu.memory_space<semaphore_mem>>) src(%dma_wait3A_393 : memref<128xf32, #tpu.memory_space<vmem>>) dst(%dma_wait3A_398 : memref<1048576xf32, #tpu.memory_space<vmem_shared>>)
    %dma_wait3A_399 = arith.constant 0 : i32
    %dma_wait3A_400 = arith.constant 0 : i32
    %dma_wait3A_401 = arith.constant 0 : i32
    %dma_wait3A_402 = tpu.memref_slice %arg11[%dma_wait3A_399, %dma_wait3A_401] : memref<8x128xf32, #tpu.memory_space<vmem>> -> memref<1x128xf32, #tpu.memory_space<vmem>>
    %dma_wait3A_403 = tpu.memref_squeeze %dma_wait3A_402 : memref<1x128xf32, #tpu.memory_space<vmem>> -> memref<128xf32, #tpu.memory_space<vmem>>
    %dma_wait3A_404 = arith.constant 0 : i32
    %dma_wait3A_405 = tpu.memref_slice %arg13[%dma_wait3A_400, %dma_wait3A_404] : memref<8x128xi32, #tpu.memory_space<vmem>> -> memref<1x128xi32, #tpu.memory_space<vmem>>
    %dma_wait3A_406 = tpu.memref_squeeze %dma_wait3A_405 : memref<1x128xi32, #tpu.memory_space<vmem>> -> memref<128xi32, #tpu.memory_space<vmem>>
    %dma_wait3A_407 = arith.constant 0 : i32
    %dma_wait3A_408 = tpu.memref_slice %arg5[%dma_wait3A_407] : memref<1048576xf32, #tpu.memory_space<vmem_shared>> -> memref<1048576xf32, #tpu.memory_space<vmem_shared>>
    tpu.wait_indirect_dma semaphore(%arg19 : memref<!tpu.dma_semaphore, #tpu.memory_space<semaphore_mem>>) src(%dma_wait3A_403 : memref<128xf32, #tpu.memory_space<vmem>>) dst(%dma_wait3A_408 : memref<1048576xf32, #tpu.memory_space<vmem_shared>>)
    %dma_wait3A_409 = arith.constant 1 : i32
    %dma_wait3A_410 = arith.constant 1 : i32
    %dma_wait3A_411 = arith.constant 0 : i32
    %dma_wait3A_412 = tpu.memref_slice %arg11[%dma_wait3A_409, %dma_wait3A_411] : memref<8x128xf32, #tpu.memory_space<vmem>> -> memref<1x128xf32, #tpu.memory_space<vmem>>
    %dma_wait3A_413 = tpu.memref_squeeze %dma_wait3A_412 : memref<1x128xf32, #tpu.memory_space<vmem>> -> memref<128xf32, #tpu.memory_space<vmem>>
    %dma_wait3A_414 = arith.constant 0 : i32
    %dma_wait3A_415 = tpu.memref_slice %arg13[%dma_wait3A_410, %dma_wait3A_414] : memref<8x128xi32, #tpu.memory_space<vmem>> -> memref<1x128xi32, #tpu.memory_space<vmem>>
    %dma_wait3A_416 = tpu.memref_squeeze %dma_wait3A_415 : memref<1x128xi32, #tpu.memory_space<vmem>> -> memref<128xi32, #tpu.memory_space<vmem>>
    %dma_wait3A_417 = arith.constant 0 : i32
    %dma_wait3A_418 = tpu.memref_slice %arg5[%dma_wait3A_417] : memref<1048576xf32, #tpu.memory_space<vmem_shared>> -> memref<1048576xf32, #tpu.memory_space<vmem_shared>>
    tpu.wait_indirect_dma semaphore(%arg19 : memref<!tpu.dma_semaphore, #tpu.memory_space<semaphore_mem>>) src(%dma_wait3A_413 : memref<128xf32, #tpu.memory_space<vmem>>) dst(%dma_wait3A_418 : memref<1048576xf32, #tpu.memory_space<vmem_shared>>)
    %dma_wait3A_419 = arith.constant 2 : i32
    %dma_wait3A_420 = arith.constant 2 : i32
    %dma_wait3A_421 = arith.constant 0 : i32
    %dma_wait3A_422 = tpu.memref_slice %arg11[%dma_wait3A_419, %dma_wait3A_421] : memref<8x128xf32, #tpu.memory_space<vmem>> -> memref<1x128xf32, #tpu.memory_space<vmem>>
    %dma_wait3A_423 = tpu.memref_squeeze %dma_wait3A_422 : memref<1x128xf32, #tpu.memory_space<vmem>> -> memref<128xf32, #tpu.memory_space<vmem>>
    %dma_wait3A_424 = arith.constant 0 : i32
    %dma_wait3A_425 = tpu.memref_slice %arg13[%dma_wait3A_420, %dma_wait3A_424] : memref<8x128xi32, #tpu.memory_space<vmem>> -> memref<1x128xi32, #tpu.memory_space<vmem>>
    %dma_wait3A_426 = tpu.memref_squeeze %dma_wait3A_425 : memref<1x128xi32, #tpu.memory_space<vmem>> -> memref<128xi32, #tpu.memory_space<vmem>>
    %dma_wait3A_427 = arith.constant 0 : i32
    %dma_wait3A_428 = tpu.memref_slice %arg5[%dma_wait3A_427] : memref<1048576xf32, #tpu.memory_space<vmem_shared>> -> memref<1048576xf32, #tpu.memory_space<vmem_shared>>
    tpu.wait_indirect_dma semaphore(%arg19 : memref<!tpu.dma_semaphore, #tpu.memory_space<semaphore_mem>>) src(%dma_wait3A_423 : memref<128xf32, #tpu.memory_space<vmem>>) dst(%dma_wait3A_428 : memref<1048576xf32, #tpu.memory_space<vmem_shared>>)
    %dma_wait3A_429 = arith.constant 3 : i32
    %dma_wait3A_430 = arith.constant 3 : i32
    %dma_wait3A_431 = arith.constant 0 : i32
    %dma_wait3A_432 = tpu.memref_slice %arg11[%dma_wait3A_429, %dma_wait3A_431] : memref<8x128xf32, #tpu.memory_space<vmem>> -> memref<1x128xf32, #tpu.memory_space<vmem>>
    %dma_wait3A_433 = tpu.memref_squeeze %dma_wait3A_432 : memref<1x128xf32, #tpu.memory_space<vmem>> -> memref<128xf32, #tpu.memory_space<vmem>>
    %dma_wait3A_434 = arith.constant 0 : i32
    %dma_wait3A_435 = tpu.memref_slice %arg13[%dma_wait3A_430, %dma_wait3A_434] : memref<8x128xi32, #tpu.memory_space<vmem>> -> memref<1x128xi32, #tpu.memory_space<vmem>>
    %dma_wait3A_436 = tpu.memref_squeeze %dma_wait3A_435 : memref<1x128xi32, #tpu.memory_space<vmem>> -> memref<128xi32, #tpu.memory_space<vmem>>
    %dma_wait3A_437 = arith.constant 0 : i32
    %dma_wait3A_438 = tpu.memref_slice %arg5[%dma_wait3A_437] : memref<1048576xf32, #tpu.memory_space<vmem_shared>> -> memref<1048576xf32, #tpu.memory_space<vmem_shared>>
    tpu.wait_indirect_dma semaphore(%arg19 : memref<!tpu.dma_semaphore, #tpu.memory_space<semaphore_mem>>) src(%dma_wait3A_433 : memref<128xf32, #tpu.memory_space<vmem>>) dst(%dma_wait3A_438 : memref<1048576xf32, #tpu.memory_space<vmem_shared>>)
    %dma_wait3A_439 = arith.constant 4 : i32
    %dma_wait3A_440 = arith.constant 4 : i32
    %dma_wait3A_441 = arith.constant 0 : i32
    %dma_wait3A_442 = tpu.memref_slice %arg11[%dma_wait3A_439, %dma_wait3A_441] : memref<8x128xf32, #tpu.memory_space<vmem>> -> memref<1x128xf32, #tpu.memory_space<vmem>>
    %dma_wait3A_443 = tpu.memref_squeeze %dma_wait3A_442 : memref<1x128xf32, #tpu.memory_space<vmem>> -> memref<128xf32, #tpu.memory_space<vmem>>
    %dma_wait3A_444 = arith.constant 0 : i32
    %dma_wait3A_445 = tpu.memref_slice %arg13[%dma_wait3A_440, %dma_wait3A_444] : memref<8x128xi32, #tpu.memory_space<vmem>> -> memref<1x128xi32, #tpu.memory_space<vmem>>
    %dma_wait3A_446 = tpu.memref_squeeze %dma_wait3A_445 : memref<1x128xi32, #tpu.memory_space<vmem>> -> memref<128xi32, #tpu.memory_space<vmem>>
    %dma_wait3A_447 = arith.constant 0 : i32
    %dma_wait3A_448 = tpu.memref_slice %arg5[%dma_wait3A_447] : memref<1048576xf32, #tpu.memory_space<vmem_shared>> -> memref<1048576xf32, #tpu.memory_space<vmem_shared>>
    tpu.wait_indirect_dma semaphore(%arg19 : memref<!tpu.dma_semaphore, #tpu.memory_space<semaphore_mem>>) src(%dma_wait3A_443 : memref<128xf32, #tpu.memory_space<vmem>>) dst(%dma_wait3A_448 : memref<1048576xf32, #tpu.memory_space<vmem_shared>>)
    %dma_wait3A_449 = arith.constant 5 : i32
    %dma_wait3A_450 = arith.constant 5 : i32
    %dma_wait3A_451 = arith.constant 0 : i32
    %dma_wait3A_452 = tpu.memref_slice %arg11[%dma_wait3A_449, %dma_wait3A_451] : memref<8x128xf32, #tpu.memory_space<vmem>> -> memref<1x128xf32, #tpu.memory_space<vmem>>
    %dma_wait3A_453 = tpu.memref_squeeze %dma_wait3A_452 : memref<1x128xf32, #tpu.memory_space<vmem>> -> memref<128xf32, #tpu.memory_space<vmem>>
    %dma_wait3A_454 = arith.constant 0 : i32
    %dma_wait3A_455 = tpu.memref_slice %arg13[%dma_wait3A_450, %dma_wait3A_454] : memref<8x128xi32, #tpu.memory_space<vmem>> -> memref<1x128xi32, #tpu.memory_space<vmem>>
    %dma_wait3A_456 = tpu.memref_squeeze %dma_wait3A_455 : memref<1x128xi32, #tpu.memory_space<vmem>> -> memref<128xi32, #tpu.memory_space<vmem>>
    %dma_wait3A_457 = arith.constant 0 : i32
    %dma_wait3A_458 = tpu.memref_slice %arg5[%dma_wait3A_457] : memref<1048576xf32, #tpu.memory_space<vmem_shared>> -> memref<1048576xf32, #tpu.memory_space<vmem_shared>>
    tpu.wait_indirect_dma semaphore(%arg19 : memref<!tpu.dma_semaphore, #tpu.memory_space<semaphore_mem>>) src(%dma_wait3A_453 : memref<128xf32, #tpu.memory_space<vmem>>) dst(%dma_wait3A_458 : memref<1048576xf32, #tpu.memory_space<vmem_shared>>)
    %dma_wait3A_459 = arith.constant 6 : i32
    %dma_wait3A_460 = arith.constant 6 : i32
    %dma_wait3A_461 = arith.constant 0 : i32
    %dma_wait3A_462 = tpu.memref_slice %arg11[%dma_wait3A_459, %dma_wait3A_461] : memref<8x128xf32, #tpu.memory_space<vmem>> -> memref<1x128xf32, #tpu.memory_space<vmem>>
    %dma_wait3A_463 = tpu.memref_squeeze %dma_wait3A_462 : memref<1x128xf32, #tpu.memory_space<vmem>> -> memref<128xf32, #tpu.memory_space<vmem>>
    %dma_wait3A_464 = arith.constant 0 : i32
    %dma_wait3A_465 = tpu.memref_slice %arg13[%dma_wait3A_460, %dma_wait3A_464] : memref<8x128xi32, #tpu.memory_space<vmem>> -> memref<1x128xi32, #tpu.memory_space<vmem>>
    %dma_wait3A_466 = tpu.memref_squeeze %dma_wait3A_465 : memref<1x128xi32, #tpu.memory_space<vmem>> -> memref<128xi32, #tpu.memory_space<vmem>>
    %dma_wait3A_467 = arith.constant 0 : i32
    %dma_wait3A_468 = tpu.memref_slice %arg5[%dma_wait3A_467] : memref<1048576xf32, #tpu.memory_space<vmem_shared>> -> memref<1048576xf32, #tpu.memory_space<vmem_shared>>
    tpu.wait_indirect_dma semaphore(%arg19 : memref<!tpu.dma_semaphore, #tpu.memory_space<semaphore_mem>>) src(%dma_wait3A_463 : memref<128xf32, #tpu.memory_space<vmem>>) dst(%dma_wait3A_468 : memref<1048576xf32, #tpu.memory_space<vmem_shared>>)
    %dma_wait3A_469 = arith.constant 7 : i32
    %dma_wait3A_470 = arith.constant 7 : i32
    %dma_wait3A_471 = arith.constant 0 : i32
    %dma_wait3A_472 = tpu.memref_slice %arg11[%dma_wait3A_469, %dma_wait3A_471] : memref<8x128xf32, #tpu.memory_space<vmem>> -> memref<1x128xf32, #tpu.memory_space<vmem>>
    %dma_wait3A_473 = tpu.memref_squeeze %dma_wait3A_472 : memref<1x128xf32, #tpu.memory_space<vmem>> -> memref<128xf32, #tpu.memory_space<vmem>>
    %dma_wait3A_474 = arith.constant 0 : i32
    %dma_wait3A_475 = tpu.memref_slice %arg13[%dma_wait3A_470, %dma_wait3A_474] : memref<8x128xi32, #tpu.memory_space<vmem>> -> memref<1x128xi32, #tpu.memory_space<vmem>>
    %dma_wait3A_476 = tpu.memref_squeeze %dma_wait3A_475 : memref<1x128xi32, #tpu.memory_space<vmem>> -> memref<128xi32, #tpu.memory_space<vmem>>
    %dma_wait3A_477 = arith.constant 0 : i32
    %dma_wait3A_478 = tpu.memref_slice %arg5[%dma_wait3A_477] : memref<1048576xf32, #tpu.memory_space<vmem_shared>> -> memref<1048576xf32, #tpu.memory_space<vmem_shared>>
    tpu.wait_indirect_dma semaphore(%arg19 : memref<!tpu.dma_semaphore, #tpu.memory_space<semaphore_mem>>) src(%dma_wait3A_473 : memref<128xf32, #tpu.memory_space<vmem>>) dst(%dma_wait3A_478 : memref<1048576xf32, #tpu.memory_space<vmem_shared>>)
    %dma_wait3A_479 = arith.constant 0 : i32
    %dma_wait3A_480 = tpu.memref_slice %arg6[%dma_wait3A_479] : memref<2048xf32, #tpu.memory_space<vmem>> -> memref<1024xf32, #tpu.memory_space<vmem>>
    %dma_wait3A_481 = arith.constant 0 : i32
    %dma_wait3A_482 = tpu.memref_slice %arg2[%dma_wait3A_481] : memref<4000000xf32, #tpu.memory_space<hbm>> -> memref<1024xf32, #tpu.memory_space<hbm>>
    %dma_wait3A_483 = arith.constant 0 : i32
    %dma_wait3A_484 = tpu.memref_slice %arg6[%dma_wait3A_483] : memref<2048xf32, #tpu.memory_space<vmem>> -> memref<1024xf32, #tpu.memory_space<vmem>>
    %dma_wait3A_485 = arith.constant 0 : i32
    %dma_wait3A_486 = tpu.memref_slice %arg2[%dma_wait3A_485] : memref<4000000xf32, #tpu.memory_space<hbm>> -> memref<1024xf32, #tpu.memory_space<hbm>>
    tpu.wait_dma2 semaphore(%arg16 : memref<!tpu.dma_semaphore, #tpu.memory_space<semaphore_mem>>) src(%dma_wait3A_486 : memref<1024xf32, #tpu.memory_space<hbm>>) dst(%dma_wait3A_484 : memref<1024xf32, #tpu.memory_space<vmem>>)
    %dma_wait3A_487 = arith.constant 1024 : i32
    %dma_wait3A_488 = tpu.memref_slice %arg6[%dma_wait3A_487] : memref<2048xf32, #tpu.memory_space<vmem>> -> memref<1024xf32, #tpu.memory_space<vmem>>
    %dma_wait3A_489 = arith.constant 0 : i32
    %dma_wait3A_490 = tpu.memref_slice %arg2[%dma_wait3A_489] : memref<4000000xf32, #tpu.memory_space<hbm>> -> memref<1024xf32, #tpu.memory_space<hbm>>
    %dma_wait3A_491 = arith.constant 1024 : i32
    %dma_wait3A_492 = tpu.memref_slice %arg6[%dma_wait3A_491] : memref<2048xf32, #tpu.memory_space<vmem>> -> memref<1024xf32, #tpu.memory_space<vmem>>
    %dma_wait3A_493 = arith.constant 0 : i32
    %dma_wait3A_494 = tpu.memref_slice %arg2[%dma_wait3A_493] : memref<4000000xf32, #tpu.memory_space<hbm>> -> memref<1024xf32, #tpu.memory_space<hbm>>
    tpu.wait_dma2 semaphore(%arg16 : memref<!tpu.dma_semaphore, #tpu.memory_space<semaphore_mem>>) src(%dma_wait3A_494 : memref<1024xf32, #tpu.memory_space<hbm>>) dst(%dma_wait3A_492 : memref<1024xf32, #tpu.memory_space<vmem>>)
    %dma_wait3A_495 = arith.constant 0 : i32
    %dma_wait3A_496 = tpu.memref_slice %arg3[%dma_wait3A_495] : memref<2000000xf32, #tpu.memory_space<hbm>> -> memref<1024xf32, #tpu.memory_space<hbm>>
    %dma_wait3A_497 = arith.constant 0 : i32
    %dma_wait3A_498 = tpu.memref_slice %arg3[%dma_wait3A_497] : memref<2000000xf32, #tpu.memory_space<hbm>> -> memref<1024xf32, #tpu.memory_space<hbm>>
    tpu.wait_dma2 semaphore(%arg16 : memref<!tpu.dma_semaphore, #tpu.memory_space<semaphore_mem>>) src(%dma_wait3A_498 : memref<1024xf32, #tpu.memory_space<hbm>>) dst(%arg8 : memref<1024xf32, #tpu.memory_space<vmem>>)
    %dma_wait3A_499 = arith.constant 0 : i32
    %dma_wait3A_500 = tpu.memref_slice %arg7[%dma_wait3A_499] : memref<2048xf32, #tpu.memory_space<vmem>> -> memref<1024xf32, #tpu.memory_space<vmem>>
    %dma_wait3A_501 = arith.constant 0 : i32
    %dma_wait3A_502 = tpu.memref_slice %arg2[%dma_wait3A_501] : memref<4000000xf32, #tpu.memory_space<hbm>> -> memref<1024xf32, #tpu.memory_space<hbm>>
    %dma_wait3A_503 = arith.constant 0 : i32
    %dma_wait3A_504 = tpu.memref_slice %arg7[%dma_wait3A_503] : memref<2048xf32, #tpu.memory_space<vmem>> -> memref<1024xf32, #tpu.memory_space<vmem>>
    %dma_wait3A_505 = arith.constant 0 : i32
    %dma_wait3A_506 = tpu.memref_slice %arg2[%dma_wait3A_505] : memref<4000000xf32, #tpu.memory_space<hbm>> -> memref<1024xf32, #tpu.memory_space<hbm>>
    tpu.wait_dma2 semaphore(%arg17 : memref<!tpu.dma_semaphore, #tpu.memory_space<semaphore_mem>>) src(%dma_wait3A_506 : memref<1024xf32, #tpu.memory_space<hbm>>) dst(%dma_wait3A_504 : memref<1024xf32, #tpu.memory_space<vmem>>)
    %dma_wait3A_507 = arith.constant 1024 : i32
    %dma_wait3A_508 = tpu.memref_slice %arg7[%dma_wait3A_507] : memref<2048xf32, #tpu.memory_space<vmem>> -> memref<1024xf32, #tpu.memory_space<vmem>>
    %dma_wait3A_509 = arith.constant 0 : i32
    %dma_wait3A_510 = tpu.memref_slice %arg2[%dma_wait3A_509] : memref<4000000xf32, #tpu.memory_space<hbm>> -> memref<1024xf32, #tpu.memory_space<hbm>>
    %dma_wait3A_511 = arith.constant 1024 : i32
    %dma_wait3A_512 = tpu.memref_slice %arg7[%dma_wait3A_511] : memref<2048xf32, #tpu.memory_space<vmem>> -> memref<1024xf32, #tpu.memory_space<vmem>>
    %dma_wait3A_513 = arith.constant 0 : i32
    %dma_wait3A_514 = tpu.memref_slice %arg2[%dma_wait3A_513] : memref<4000000xf32, #tpu.memory_space<hbm>> -> memref<1024xf32, #tpu.memory_space<hbm>>
    tpu.wait_dma2 semaphore(%arg17 : memref<!tpu.dma_semaphore, #tpu.memory_space<semaphore_mem>>) src(%dma_wait3A_514 : memref<1024xf32, #tpu.memory_space<hbm>>) dst(%dma_wait3A_512 : memref<1024xf32, #tpu.memory_space<vmem>>)
    %dma_wait3A_515 = arith.constant 0 : i32
    %dma_wait3A_516 = tpu.memref_slice %arg3[%dma_wait3A_515] : memref<2000000xf32, #tpu.memory_space<hbm>> -> memref<1024xf32, #tpu.memory_space<hbm>>
    %dma_wait3A_517 = arith.constant 0 : i32
    %dma_wait3A_518 = tpu.memref_slice %arg3[%dma_wait3A_517] : memref<2000000xf32, #tpu.memory_space<hbm>> -> memref<1024xf32, #tpu.memory_space<hbm>>
    tpu.wait_dma2 semaphore(%arg17 : memref<!tpu.dma_semaphore, #tpu.memory_space<semaphore_mem>>) src(%dma_wait3A_518 : memref<1024xf32, #tpu.memory_space<hbm>>) dst(%arg9 : memref<1024xf32, #tpu.memory_space<vmem>>)
    %barrier3A_519 = arith.constant 0 : index
    tpu.barrier barrier_id(%barrier3A_519)
    %mul3A_520 = arith.constant 65536 : i32
    %mul3A_521 = arith.muli %arg1, %mul3A_520 : i32
    %mul3A_522 = arith.constant 1048576 : i32
    %mul3A_523 = arith.muli %arg0, %mul3A_522 : i32
    %mul3A_524 = arith.constant 65536 : i32
    %mul3A_525 = arith.muli %arg1, %mul3A_524 : i32
    %add3A_526 = arith.addi %mul3A_523, %mul3A_525 : i32
    "tpu.region"() ({
      %run_scoped3A = tpu.sem_alloc : memref<!tpu.dma_semaphore, #tpu.memory_space<semaphore_mem>>
      %dma_start3A_527 = tpu.memref_slice %arg4[%add3A_526] : memref<2097152xf32, #tpu.memory_space<hbm>> -> memref<65536xf32, #tpu.memory_space<hbm>>
      %dma_start3A_528 = tpu.memref_slice %arg5[%mul3A_521] : memref<1048576xf32, #tpu.memory_space<vmem_shared>> -> memref<65536xf32, #tpu.memory_space<vmem_shared>>
      tpu.enqueue_dma source(%dma_start3A_528 : memref<65536xf32, #tpu.memory_space<vmem_shared>>) target(%dma_start3A_527 : memref<65536xf32, #tpu.memory_space<hbm>>) target_semaphore(%run_scoped3A : memref<!tpu.dma_semaphore, #tpu.memory_space<semaphore_mem>>)
      %dma_wait3A_529 = tpu.memref_slice %arg4[%add3A_526] : memref<2097152xf32, #tpu.memory_space<hbm>> -> memref<65536xf32, #tpu.memory_space<hbm>>
      %dma_wait3A_530 = tpu.memref_slice %arg5[%mul3A_521] : memref<1048576xf32, #tpu.memory_space<vmem_shared>> -> memref<65536xf32, #tpu.memory_space<vmem_shared>>
      tpu.wait_dma2 semaphore(%run_scoped3A : memref<!tpu.dma_semaphore, #tpu.memory_space<semaphore_mem>>) src(%dma_wait3A_530 : memref<65536xf32, #tpu.memory_space<vmem_shared>>) dst(%dma_wait3A_529 : memref<65536xf32, #tpu.memory_space<hbm>>)
      tpu.yield
    }) : () -> ()
    return
  }
}

module attributes {stable_mosaic.version = 14 : i64} {
  func.func @_finalize_body(%arg0: i32, %arg1: memref<128x1024xf32, #tpu.memory_space<vmem>>, %arg2: memref<128x1024xf32, #tpu.memory_space<vmem>>, %arg3: memref<1x1xf32, #tpu.memory_space<vmem>>, %arg4: memref<128x1024xf32, #tpu.memory_space<vmem>>, %arg5: memref<128x1024xf32, #tpu.memory_space<vmem>>) attributes {dimension_semantics = [#tpu.dimension_semantics<arbitrary>], iteration_bounds = array<i64: 8>, scalar_prefetch = 0 : i64, scratch_operands = 0 : i64, tpu.core_type = #tpu.core_type<tc>, window_params = [{transform_indices = @transform_0, window_bounds = array<i64: 128, 1024>}, {transform_indices = @transform_1, window_bounds = array<i64: 128, 1024>}, {pipeline_mode = #tpu.pipeline_mode<synchronous>, transform_indices = @transform_2, window_bounds = array<i64: 1, 1>}, {transform_indices = @transform_3, window_bounds = array<i64: 128, 1024>}, {transform_indices = @transform_4, window_bounds = array<i64: 128, 1024>}]} {
    %get3A = arith.constant 0 : index
    %get3A_0 = arith.constant 0 : index
    %get3A_1 = vector.load %arg1[%get3A, %get3A_0] : memref<128x1024xf32, #tpu.memory_space<vmem>>, vector<128x1024xf32>
    %get3A_2 = arith.constant 0 : index
    %get3A_3 = arith.constant 0 : index
    %get3A_4 = vector.load %arg2[%get3A_2, %get3A_3] : memref<128x1024xf32, #tpu.memory_space<vmem>>, vector<128x1024xf32>
    %max3A = arith.constant 1.000000e+00 : f32
    %max3A_5 = vector.broadcast %max3A : f32 to vector<128x1024xf32>
    %max3A_6 = arith.maximumf %get3A_4, %max3A_5 : vector<128x1024xf32>
    %div3A = arith.divf %get3A_1, %max3A_6 : vector<128x1024xf32>
    %gt3A = arith.constant 0.000000e+00 : f32
    %gt3A_7 = vector.broadcast %gt3A : f32 to vector<128x1024xf32>
    %gt3A_8 = arith.cmpf ogt, %get3A_4, %gt3A_7 : vector<128x1024xf32>
    %get3A_9 = arith.constant 0 : index
    %get3A_10 = arith.constant 0 : index
    %get3A_11 = vector.load %arg3[%get3A_9, %get3A_10] : memref<1x1xf32, #tpu.memory_space<vmem>>, vector<1x1xf32>
    %get3A_12 = vector.extract %get3A_11[0, 0] : f32 from vector<1x1xf32>
    %broadcast_in_dim3A = vector.broadcast %get3A_12 : f32 to vector<128x1024xf32>
    %select_n3A = arith.select %gt3A_8, %div3A, %broadcast_in_dim3A : vector<128x1024xi1>, vector<128x1024xf32>
    %swap3A = arith.constant 0 : index
    %swap3A_13 = arith.constant 0 : index
    %swap3A_14 = vector.load %arg4[%swap3A, %swap3A_13] : memref<128x1024xf32, #tpu.memory_space<vmem>>, vector<128x1024xf32>
    tpu.vector_store %arg4[%swap3A, %swap3A_13], %select_n3A {strides = array<i32>} : memref<128x1024xf32, #tpu.memory_space<vmem>>, vector<128x1024xf32>,
    %swap3A_15 = arith.constant 0 : index
    %swap3A_16 = arith.constant 0 : index
    %swap3A_17 = vector.load %arg5[%swap3A_15, %swap3A_16] : memref<128x1024xf32, #tpu.memory_space<vmem>>, vector<128x1024xf32>
    tpu.vector_store %arg5[%swap3A_15, %swap3A_16], %get3A_4 {strides = array<i32>} : memref<128x1024xf32, #tpu.memory_space<vmem>>, vector<128x1024xf32>,
    return
  }
  func.func @transform_0(%arg0: i32) -> (i32, i32) {
    %c0_i32 = arith.constant 0 : i32
    %c0_i32_0 = arith.constant 0 : i32
    return %arg0, %c0_i32 : i32, i32
  }
  func.func @transform_1(%arg0: i32) -> (i32, i32) {
    %c0_i32 = arith.constant 0 : i32
    %c0_i32_0 = arith.constant 0 : i32
    return %arg0, %c0_i32 : i32, i32
  }
  func.func @transform_2(%arg0: i32) -> (i32, i32) {
    %c0_i32 = arith.constant 0 : i32
    %c0_i32_0 = arith.constant 0 : i32
    %c0_i32_1 = arith.constant 0 : i32
    return %c0_i32, %c0_i32_0 : i32, i32
  }
  func.func @transform_3(%arg0: i32) -> (i32, i32) {
    %c0_i32 = arith.constant 0 : i32
    %c0_i32_0 = arith.constant 0 : i32
    return %arg0, %c0_i32 : i32, i32
  }
  func.func @transform_4(%arg0: i32) -> (i32, i32) {
    %c0_i32 = arith.constant 0 : i32
    %c0_i32_0 = arith.constant 0 : i32
    return %arg0, %c0_i32 : i32, i32
  }
}

</mosaic_0001>

<sc_bundles>
// kernel: kernel.4.cloned.1.call-start
scs
__scs_entry_jumppad:
0x0: {  	(pc) =	sbr.rel $0x88, $3  }
0x1: {  	(tag) =	ssettag $0x0;
	lr =	simm.s32 $0x1  }
0x2: {  	[smem:$0x3F9E] =	sst lr;
	_ =	strace $0xD0000000  }
0x3: {  	_ = 	snop  }
0x4: {  	_ = 	snop  }
0x5: {  	_ = 	snop  }
0x6: {  	_ = 	snop  }
0x7: {  	_ = 	snop  }
__scs_overlays_trampoline_lowered:
0x8: {  	[smem:$0x3FAD] =	sst s0  }
0x9: {  	[smem:$0x3FAE] =	sst s1  }
0xa: {  	[smem:$0x3FAF] =	sst s2  }
0xb: {  	[smem:$0x3FB0] =	sst s3  }
0xc: {  	[smem:$0x3FB1] =	sst s4  }
0xd: {  	[smem:$0x3FB2] =	sst s5  }
0xe: {  	[smem:$0x3FB3] =	sst s6  }
0xf: {  	[smem:$0x3FB4] =	sst s7  }
0x10: {  	[smem:$0x3FB5] =	sst s8  }
0x11: {  	[smem:$0x3FB6] =	sst s9;
	s0 =	simm.s32 @!p0 $0x0  }
0x12: {  	s1 =	sld [smem:$0x3F9C];
	s0 =	simm.s32 @p0 $0x1  }
0x13: {  	[smem:$0x3FB7] =	sst s0;
	s0 =	simm.s32 @!p1 $0x0  }
0x14: {  	s2 =	sld [smem:$0x3F9B];
	s0 =	simm.s32 @p1 $0x1  }
0x15: {  	[smem:$0x3FB8] =	sst s0;
	s0 =	simm.s32 @!p2 $0x0  }
0x16: {  	s3 =	sld [smem:$0x3FDB];
	s0 =	simm.s32 @p2 $0x1  }
0x17: {  	s4 =	simm.s32 $0x1BF5;
	[smem:$0x3FBA] =	sst s0  }
0x18: {  	s0 =	sld [smem:$0x3F9D];
	_ =	swait.ge [sflag:s4], $0x0  }
0x19: {  	s7 =	sld [smem:$0x3F9E]  }
0x1a: {  	s8 =	sadd.s32 $0xFFFFE003, lr  }
0x1b: {  	s9 =	sadd.s32 $0xFFFFFEF7, lr;
	s5 =	simm.s32 $0xFFFFFFFF;
	p2 =	slt.u32 s8, $0xFFFFF086  }
0x1c: {  	p1 =	slt.u32 s9, $0xF7A;
	s5 =	simm.s32 @!p2 $0x0  }
0x1d: {  	s5 =	simm.s32 @p1 $0x1;
	p0 =	seq.s32 s7, s2  }
0x1e: {  	s7 =	smul.u32 @!p0 $0xF7A, s2;
	p2 =	seq.s32 @!p0 s5, $0x0  }
0x1f: {  	s9 =	smul.u32 $0xF7A, s1;
	s8 =	simm.s32 @!p0 $0x1BF5;
	p2 =	por !p2, p0  }
0x20: {  	[sflag:s8] =	ssyncset.s32 @!p0 $0xFFFFF086;
	s6 =	sadd.s32 @!p0 s3, s7;
	s7 =	simm.s32 @!p0 $0x108  }
0x21: {  	s3 =	sadd.s32 s3, s9;
	s6 =	sadd.s32 @!p0 $0x88, s6;
	s7 =	simm.s32 @p2 $0x1082  }
0x22: {  	[simem:s7], [sflag:s8] =	dma.local @!p0 [hbm:s6], $0xF7A  }
0x23: {  	s9 =	sor.u32 $0xD0000000, s2;
	s6 =	simm.s32 $0x108;
	_ =	swait.ge @!p0 [sflag:s8], $0x0  }
0x24: {  	s3 =	sadd.s32 $0x88, s3;
	s6 =	simm.s32 @!p1 $0x1082;
	[sflag:s4] =	ssyncset.s32 $0xFFFFF086  }
0x25: {  	[simem:s6], [sflag:s4] =	dma.local [hbm:s3], $0xF7A  }
0x26: {  	[smem:$0x3F9E] =	sst s1;
	(tag) =	ssettag s2;
	_ =	strace s9  }
0x27: {  	s1 =	sld [smem:$0x3FAE]  }
0x28: {  	s2 =	sld [smem:$0x3FAF]  }
0x29: {  	s4 =	sld [smem:$0x3FB1]  }
0x2a: {  	p0 =	seq.s32 s5, $0x0;
	s5 =	sld [smem:$0x3FB2]  }
0x2b: {  	s6 =	sld [smem:$0x3FB3]  }
0x2c: {  	s7 =	sld [smem:$0x3FB4]  }
0x2d: {  	s3 =	simm.s32 $0x108;
	s8 =	sld [smem:$0x3FB5]  }
0x2e: {  	s3 =	simm.s32 @!p0 $0x1082;
	s9 =	sld [smem:$0x3FB6]  }
0x2f: {  	lr =	sadd.s32 s0, s3;
	s0 =	sld [smem:$0x3FAD]  }
0x30: {  	s3 =	sld [smem:$0x3FB0]  }
0x31: {  	[smem:$0x3FB9] =	sst s10  }
0x32: {  	s10 =	sld [smem:$0x3FB7];
	_ =	sdelay $0x3  }
0x33: {  	p0 =	seq.s32 s10, $0x1;
	s10 =	sld [smem:$0x3FB9];
	_ =	sdelay $0x3  }
0x34: {  	[smem:$0x3FB9] =	sst s10  }
0x35: {  	s10 =	sld [smem:$0x3FB8];
	_ =	sdelay $0x3  }
0x36: {  	p1 =	seq.s32 s10, $0x1;
	s10 =	sld [smem:$0x3FB9];
	_ =	sdelay $0x3  }
0x37: {  	[smem:$0x3FB9] =	sst s10  }
0x38: {  	s10 =	sld [smem:$0x3FBA]  }
0x39: {  	_ = 	snop;
	(pc) =	sbr.ind lr, $3  }
0x3a: {  	_ = 	snop  }
0x3b: {  	_ = 	snop  }
0x3c: {  	p2 =	seq.s32 s10, $0x1;
	s10 =	sld [smem:$0x3FB9]  }
0x3d: {  	_ =	shalt  }
0x3e: {  	_ =	shalt  }
0x3f: {  	_ =	shalt  }
0x40: {  	_ =	shalt  }
0x41: {  	_ =	shalt  }
0x42: {  	_ =	shalt  }
0x43: {  	_ =	shalt  }
0x44: {  	_ =	shalt  }
0x45: {  	_ =	shalt  }
0x46: {  	_ =	shalt  }
0x47: {  	_ =	shalt  }
0x48: {  	_ =	shalt  }
0x49: {  	_ =	shalt  }
0x4a: {  	_ =	shalt  }
0x4b: {  	_ =	shalt  }
0x4c: {  	_ =	shalt  }
0x4d: {  	_ =	shalt  }
0x4e: {  	_ =	shalt  }
0x4f: {  	_ =	shalt  }
0x50: {  	_ =	shalt  }
0x51: {  	_ =	shalt  }
0x52: {  	_ =	shalt  }
0x53: {  	_ =	shalt  }
0x54: {  	_ =	shalt  }
0x55: {  	_ =	shalt  }
0x56: {  	_ =	shalt  }
0x57: {  	_ =	shalt  }
0x58: {  	_ =	shalt  }
0x59: {  	_ =	shalt  }
0x5a: {  	_ =	shalt  }
0x5b: {  	_ =	shalt  }
0x5c: {  	_ =	shalt  }
0x5d: {  	_ =	shalt  }
0x5e: {  	_ =	shalt  }
0x5f: {  	_ =	shalt  }
0x60: {  	_ =	shalt  }
0x61: {  	_ =	shalt  }
0x62: {  	_ =	shalt  }
0x63: {  	_ =	shalt  }
0x64: {  	_ =	shalt  }
0x65: {  	_ =	shalt  }
0x66: {  	_ =	shalt  }
0x67: {  	_ =	shalt  }
0x68: {  	_ =	shalt  }
0x69: {  	_ =	shalt  }
0x6a: {  	_ =	shalt  }
0x6b: {  	_ =	shalt  }
0x6c: {  	_ =	shalt  }
0x6d: {  	_ =	shalt  }
0x6e: {  	_ =	shalt  }
0x6f: {  	_ =	shalt  }
0x70: {  	_ =	shalt  }
0x71: {  	_ =	shalt  }
0x72: {  	_ =	shalt  }
0x73: {  	_ =	shalt  }
0x74: {  	_ =	shalt  }
0x75: {  	_ =	shalt  }
0x76: {  	_ =	shalt  }
0x77: {  	_ =	shalt  }
0x78: {  	_ =	shalt  }
0x79: {  	_ =	shalt  }
0x7a: {  	_ =	shalt  }
0x7b: {  	_ =	shalt  }
0x7c: {  	_ =	shalt  }
0x7d: {  	_ =	shalt  }
0x7e: {  	_ =	shalt  }
0x7f: {  	_ =	shalt  }
0x80: {  	_ =	shalt  }
0x81: {  	_ =	shalt  }
0x82: {  	_ =	shalt  }
0x83: {  	_ =	shalt  }
0x84: {  	_ =	shalt  }
0x85: {  	_ =	shalt  }
0x86: {  	_ =	shalt  }
0x87: {  	_ =	shalt  }
.Lfunc_end0:
.L_simem_size_0:
called_computation_lowered:
.L_overlay_start_0:
0x88: {  	s2 =	sld [smem:$0x3FD9]  }
0x89: {  	s3 =	sld [smem:$0x3FFE];
	_ =	sdelay $0x1  }
0x8a: {  	s1 =	srdreg.scid  }
0x8b: {  	s0 =	sand.u32 $0x1, s1  }
0x8c: {  	s17 =	sshll.u32 s0, $0xA;
	s2 =	sadd.s32 s3, s2  }
0x8d: {  	s2 =	sadd.s32 s2, s17  }
0x8e: {  	[smem:$0x3FC5] =	sst s2  }
0x8f: {  	_ = 	snop  }
0x90: {  	s2 =	sld [smem:$0x3FC8];
	(tm) =	ssettm $0x1  }
0x91: {  	s18 =	sld [smem:$0x3FFB];
	_ =	sdelay $0x3  }
0x92: {  	_ =	strace s18  }
0x93: {  	s3 =	sld [smem:$0x3FFC];
	_ =	sdelay $0x3  }
0x94: {  	_ =	strace s3  }
0x95: {  	s3 =	sld [smem:$0x3FFD];
	_ =	sdelay $0x3  }
0x96: {  	_ =	strace s3  }
0x97: {  	_ =	strace $0x8FFFFFFF  }
0x98: {  	s19 =	sld [smem:$0x3FDB];
	_ =	sdelay $0x1  }
0x99: {  	s4 =	simm.s32 $_scs_section_size  }
0x9a: {  	s5 =	simm.s32 $_size__tile_overlayer_lowered;
	s6 =	simm.s32 $_tile_overlayer_lowered  }
0x9b: {  	s22 =	simm.s32 $0x1BFF;
	s21 =	sshll.u32 s6, $0x1;
	s3 =	sadd.s32 s4, s19  }
0x9c: {  	s7 =	simm.s32 $0x0;
	s20 =	sshll.u32 s5, $0x1;
	s5 =	sadd.s32 s21, s3  }
0x9d: {  	[timem:s7], [sflag:s22] =	dma.local [hbm:s5], s20  }
0x9e: {  	_ =	swait.ge [sflag:s22], s20  }
0x9f: {  	s4 =	ssub.s32 $0x0, s20;
	[sflag:s22] =	ssyncset.done $0x0  }
0xa0: {  	[sflag:s22] =	ssyncadd.s32 s4;
	_ =	sdelay $0x1  }
0xa1: {  	s23 =	simm.s32 $0x1B8B  }
0xa2: {  	_ =	swait.ge [sflag:s23], $0x1  }
0xa3: {  	[sflag:s23] =	ssyncset.done $0x0  }
0xa4: {  	s25 =	simm.s32 $0x1B8E;
	s24 =	sld [smem:$0x3FFE];
	[sflag:s23] =	ssyncadd.s32 $0xFFFFFFFF  }
0xa5: {  	s26 =	simm.s32 $execute0_lowered;
	[smem:$0x3FD2] =	sst s25  }
0xa6: {  	s5 =	sshll.u32 s26, $0x1;
	_ =	strace $0x80000046;
	[dreg:$0x1] =	wrdreg $0xFFFFFFFF  }
0xa7: {  	s28 =	simm.s32 $_size_execute0_lowered;
	s3 =	sadd.s32 s3, s5;
	[dreg:$0x0] =	wrdreg $0x0  }
0xa8: {  	s5 =	sshll.u32 s28, $0x1;
	[dreg:$0x2] =	wrdreg s3  }
0xa9: {  	[dreg:$0x3] =	wrdreg s5  }
0xaa: {  	[dreg:$0x4] =	wrdreg $0xC0  }
0xab: {  	_ =	task [dreg:s7], $0x5FFFF  }
0xac: {  	[dreg:$0x1] =	wrdreg $0xFFFFFFFF  }
0xad: {  	[dreg:$0x0] =	wrdreg $0x60  }
0xae: {  	[dreg:$0x2] =	wrdreg s24  }
0xaf: {  	[dreg:$0x3] =	wrdreg s2  }
0xb0: {  	[dreg:$0x4] =	wrdreg $0x0  }
0xb1: {  	[dreg:$0x5] =	wrdreg $0x9  }
0xb2: {  	_ =	task.clear_ibuf [dreg:s7], $0x6FFFF;
	_ =	strace $0x90000046  }
0xb3: {  	s29 =	simm.s32 $0x9;
	_ =	strace $0x80000048  }
0xb4: {  	_ =	swait.ge [sflag:s29], $0x1  }
0xb5: {  	[sflag:s29] =	ssyncadd.s32 $0xFFFFFFFF  }
0xb6: {  	_ =	strace $0x90000048  }
0xb7: {  	_ =	sfence  }
0xb8: {  	s30 =	sld [smem:$0x0];
	_ =	sdelay $0x2  }
0xb9: {  	s31 =	sshll.u32 s1, $0xD;
	s1 =	sshrl.u32 s1, $0x2  }
0xba: {  	s3 =	sand.u32 $0x4000, s31;
	s1 =	sadd.s32 s1, s30  }
0xbb: {  	s0 =	sor.u32 s3, s0;
	s1 =	sshll.u32 s1, $0x11  }
0xbc: {  	s0 =	sor.u32 s1, s0  }
0xbd: {  	s0 =	sadd.s32 $0x8F2B, s0  }
0xbe: {  	[sflag:s0] =	ssyncadd.remote.s32 $0x1  }
0xbf: {  	_ =	sfence.sel $0xFFFF  }
0xc0: {  	[dreg:$0x0] =	wrdreg $0xFFFFFFFF;
	(pc) =	sbr.abs _section_cstart, $3  }
0xc1: {  	[dreg:$0x1] =	wrdreg $0xFFFFFFFF  }
0xc2: {  	_ =	task.clear_ibuf [dreg:s7], $0x2FFFF;
	_ =	strace $0x9FFFFFFF  }
0xc3: {  	(tm) =	ssettm $0x7FFFFFFF  }
tec
execute0_lowered:
.L_overlay_start_1:
0x0: {  	(tag) =	ssettag $0x1  }
0x1: {  	s0 =	rddreg [dreg:$0x0]  }
0x2: {  	s1 =	rddreg [dreg:$0x1]  }
0x3: {  	s2 =	rddreg [dreg:$0x2];
	s10 =	stileid.u32  }
0x4: {  	s4 =	simm.s32 $0x0;
	s3 =	srdreg.scid;
	s6 =	sshll.u32 s10, $0x10  }
0x5: {  	s28 =	simm.s32 $0x2;
	[smem:$0x7FF] =	sst s4;
	s11 =	sadd.s32 s6, s2  }
0x6: {  	_ =	strace $0x80000047;
	s21 =	sadd.s32 $0x1000, s11;
	[dreg:$0x4] =	wrdreg s11  }
0x7: {  	s29 =	simm.s32 $0x4;
	s22 =	sadd.s32 $0x2000, s11;
	[dreg:$0x5] =	wrdreg s21  }
0x8: {  	s30 =	simm.s32 $0x3;
	s23 =	sadd.s32 $0x3000, s11;
	[dreg:$0x6] =	wrdreg s22  }
0x9: {  	s31 =	simm.s32 $0x5;
	s24 =	sadd.s32 $0x4000, s11;
	[dreg:$0x7] =	wrdreg s23  }
0xa: {  	s3 =	sand.u32 $0x1, s3;
	s25 =	sadd.s32 $0x5000, s11;
	[dreg:$0x8] =	wrdreg s24  }
0xb: {  	s13 =	smul.u32 $0x1E848, s10;
	s26 =	sadd.s32 $0x6000, s11;
	[dreg:$0x9] =	wrdreg s25  }
0xc: {  	s8 =	ssub.s32 $0x2, s3;
	s10 =	sadd.s32 $0x9000, s11;
	[dreg:$0xa] =	wrdreg s26  }
0xd: {  	s9 =	sshrl.u32 s8, $0x1;
	s12 =	sadd.s32 $0xA000, s11;
	[dreg:$0xd] =	wrdreg s10  }
0xe: {  	s20 =	ssub.s32 s8, s9;
	s8 =	sadd.s32 $0x7000, s11;
	[dreg:$0xe] =	wrdreg s12  }
0xf: {  	s14 =	sshrl.u32 s13, $0x3;
	s9 =	sadd.s32 $0x8000, s11;
	[dreg:$0xb] =	wrdreg s8  }
0x10: {  	s5 =	sadd.s32 $0x800, s0;
	s17 =	sadd.s32 s1, s14;
	[dreg:$0xc] =	wrdreg s9  }
0x11: {  	s7 =	sshll.u32 s3, $0x14;
	s21 =	sadd.s32 $0xB000, s11;
	[dreg:$0x11] =	wrdreg s17  }
0x12: {  	p0 =	seq.s32 s3, $0x0;
	s22 =	sadd.s32 $0xC000, s11;
	[dreg:$0x16] =	wrdreg s21  }
0x13: {  	s7 =	sor.u32 s6, s7;
	s23 =	sadd.s32 $0xD000, s11;
	[dreg:$0x17] =	wrdreg s22  }
0x14: {  	s18 =	sadd.s32 $0x1E8480, s13;
	s24 =	sadd.s32 $0xE000, s11;
	[dreg:$0x18] =	wrdreg s23  }
0x15: {  	s7 =	sshrl.u32 s7, $0x3;
	s25 =	sadd.s32 $0xF000, s11;
	[dreg:$0x19] =	wrdreg s24  }
0x16: {  	s15 =	sadd.s32 s5, s14;
	s16 =	sshrl.u32 s18, $0x3;
	[dreg:$0x1a] =	wrdreg s25  }
0x17: {  	s19 =	sadd.s32 $0x80, s14;
	s3 =	sadd.s32 s5, s16;
	[dreg:$0xf] =	wrdreg s15  }
0x18: {  	s0 =	sadd.s32 s7, s0;
	s7 =	sadd.s32 s5, s19;
	[dreg:$0x10] =	wrdreg s3  }
0x19: {  	s6 =	simm.s32 $0x0;
	s20 =	smax.u32 s20, $0x1;
	[dreg:$0x12] =	wrdreg s7  }
0x1a: {  	s26 =	sadd.s32 $0x3D110, s15;
	s15 =	simm.s32 $0x80;
	[dreg:$0x15] =	wrdreg s20  }
0x1b: {  	s24 =	simm.s32 $0x11F00;
	s3 =	sadd.s32 s1, s19;
	[dreg:$0x1b] =	wrdreg s26  }
0x1c: {  	s25 =	simm.s32 $0x12780;
	s0 =	sadd.s32 $0x7AA00, s0;
	[dreg:$0x13] =	wrdreg s3  }
0x1d: {  	v0 =	vimm.f32 $0.0e+00;
	v1 =	vlaneseq.u32;
	s7 =	simm.s32 $0x1;
	s26 =	simm.s32 $0x11F80;
	[dreg:$0x14] =	wrdreg s0  }
.LBB2_1:
0x1e: {  	[dreg:$0x1c] =	wrdreg s6;
	s0 =	simm.s32 $0x12840  }
0x1f: {  	[tilespmem:s0+$0xFFFFFFC0] =	vst v0  }
0x20: {  	[tilespmem:s0+$0x30] =	vst v0  }
0x21: {  	[tilespmem:s0+$0x20] =	vst v0  }
0x22: {  	[tilespmem:s0+$0x10] =	vst v0  }
0x23: {  	[tilespmem:s0+$0x0] =	vst v0  }
0x24: {  	[tilespmem:s0+$0xFFFFFFF0] =	vst v0  }
0x25: {  	s3 =	simm.s32 $0x0;
	[tilespmem:s0+$0xFFFFFFE0] =	vst v0  }
.LBB2_2:
0x26: {  	s3 =	sadd.s32 $0x8, s3;
	[tilespmem:s0+$0xFFFFFFD0] =	vst v0;
	s0 =	sadd.s32 $0x80, s0  }
0x27: {  	[tilespmem:s0+$0xFFFFFFC0] =	vst v0;
	p1 =	slt.u32 s3, $0xF8  }
0x28: {  	[tilespmem:s0+$0x30] =	vst v0  }
.Ltmp0:
0x29: {  	[tilespmem:s0+$0x20] =	vst v0;
	(pc) =	sbr.rel @p1 .LBB2_2-.Ltmp0, $4  }
0x2a: {  	[tilespmem:s0+$0x10] =	vst v0  }
0x2b: {  	[tilespmem:s0+$0x0] =	vst v0  }
0x2c: {  	[tilespmem:s0+$0xFFFFFFF0] =	vst v0  }
0x2d: {  	[tilespmem:s0+$0xFFFFFFE0] =	vst v0  }
0x2e: {  	[tilespmem:s0+$0xFFFFFFD0] =	vst v0;
	s3 =	simm.s32 $0x12800  }
0x2f: {  	[spmem:s11] =	stream.linear.scatter [tilespmem:s3], [sflag:$0x1], $0x1000, $0x38;
	[tilespmem:$0x13800] =	vst v63  }
0x30: {  	s0 =	rddreg [dreg:$0x5]  }
0x31: {  	[spmem:s0] =	stream.linear.scatter [tilespmem:s3], [sflag:$0x1], $0x1000, $0x38;
	[tilespmem:$0x13800] =	vst v63  }
0x32: {  	s19 =	rddreg [dreg:$0x6]  }
0x33: {  	[spmem:s19] =	stream.linear.scatter [tilespmem:s3], [sflag:$0x1], $0x1000, $0x38;
	[tilespmem:$0x13800] =	vst v63  }
0x34: {  	s20 =	rddreg [dreg:$0x7]  }
0x35: {  	[spmem:s20] =	stream.linear.scatter [tilespmem:s3], [sflag:$0x1], $0x1000, $0x38;
	[tilespmem:$0x13800] =	vst v63  }
0x36: {  	s21 =	rddreg [dreg:$0x8]  }
0x37: {  	[spmem:s21] =	stream.linear.scatter [tilespmem:s3], [sflag:$0x1], $0x1000, $0x38;
	[tilespmem:$0x13800] =	vst v63  }
0x38: {  	s22 =	rddreg [dreg:$0x9]  }
0x39: {  	[spmem:s22] =	stream.linear.scatter [tilespmem:s3], [sflag:$0x1], $0x1000, $0x38;
	[tilespmem:$0x13800] =	vst v63  }
0x3a: {  	s23 =	rddreg [dreg:$0xa]  }
0x3b: {  	[spmem:s23] =	stream.linear.scatter [tilespmem:s3], [sflag:$0x1], $0x1000, $0x38;
	[tilespmem:$0x13800] =	vst v63  }
0x3c: {  	s6 =	rddreg [dreg:$0xb]  }
0x3d: {  	[spmem:s6] =	stream.linear.scatter [tilespmem:s3], [sflag:$0x1], $0x1000, $0x38;
	[tilespmem:$0x13800] =	vst v63  }
0x3e: {  	s8 =	rddreg [dreg:$0xc]  }
0x3f: {  	[spmem:s8] =	stream.linear.scatter [tilespmem:s3], [sflag:$0x1], $0x1000, $0x38;
	[tilespmem:$0x13800] =	vst v63  }
0x40: {  	s9 =	rddreg [dreg:$0xd]  }
0x41: {  	[spmem:s9] =	stream.linear.scatter [tilespmem:s3], [sflag:$0x1], $0x1000, $0x38;
	[tilespmem:$0x13800] =	vst v63  }
0x42: {  	s10 =	rddreg [dreg:$0xe]  }
0x43: {  	[spmem:s10] =	stream.linear.scatter [tilespmem:s3], [sflag:$0x1], $0x1000, $0x38;
	[tilespmem:$0x13800] =	vst v63  }
0x44: {  	s11 =	rddreg [dreg:$0x16]  }
0x45: {  	[spmem:s11] =	stream.linear.scatter [tilespmem:s3], [sflag:$0x1], $0x1000, $0x38;
	[tilespmem:$0x13800] =	vst v63  }
0x46: {  	s12 =	rddreg [dreg:$0x17]  }
0x47: {  	[spmem:s12] =	stream.linear.scatter [tilespmem:s3], [sflag:$0x1], $0x1000, $0x38;
	[tilespmem:$0x13800] =	vst v63  }
0x48: {  	s14 =	rddreg [dreg:$0x18]  }
0x49: {  	[spmem:s14] =	stream.linear.scatter [tilespmem:s3], [sflag:$0x1], $0x1000, $0x38;
	[tilespmem:$0x13800] =	vst v63  }
0x4a: {  	s16 =	rddreg [dreg:$0x19]  }
0x4b: {  	[spmem:s16] =	stream.linear.scatter [tilespmem:s3], [sflag:$0x1], $0x1000, $0x38;
	[tilespmem:$0x13800] =	vst v63  }
0x4c: {  	s17 =	rddreg [dreg:$0x1a];
	s19 =	simm.s32 $0x11840  }
0x4d: {  	[spmem:s17] =	stream.linear.scatter [tilespmem:s3], [sflag:$0x1], $0x1000, $0x38;
	[tilespmem:$0x13800] =	vst v63  }
0x4e: {  	[tilespmem:s19+$0xFFFFFFC0] =	vst v0  }
0x4f: {  	[tilespmem:s19+$0x30] =	vst v0  }
0x50: {  	[tilespmem:s19+$0x10] =	vst v0  }
0x51: {  	[tilespmem:s19+$0xFFFFFFE0] =	vst v0  }
0x52: {  	[tilespmem:s19+$0x20] =	vst v0  }
0x53: {  	[tilespmem:s19+$0xFFFFFFF0] =	vst v0  }
0x54: {  	s0 =	simm.s32 $0x70;
	[tilespmem:s19+$0x0] =	vst v0  }
0x55: {  	v2 =	vor.u32 s0, v1;
	s6 =	simm.s32 $0x12040;
	s8 =	simm.s32 $0x60;
	[tilespmem:s19+$0xFFFFFFD0] =	vst v0  }
0x56: {  	v3 =	vor.u32 s8, v1;
	s9 =	simm.s32 $0x50;
	[tilespmem:s6+$0x30] =	vst v2  }
0x57: {  	s20 =	simm.s32 $0x20;
	v4 =	vor.u32 s9, v1;
	[tilespmem:s6+$0x20] =	vst v3  }
0x58: {  	v5 =	vor.u32 s20, v1;
	s21 =	simm.s32 $0x40;
	[tilespmem:s6+$0x10] =	vst v4  }
0x59: {  	v6 =	vor.u32 s21, v1;
	s22 =	simm.s32 $0x30;
	[tilespmem:s6+$0xFFFFFFE0] =	vst v5  }
0x5a: {  	v7 =	vor.u32 s22, v1;
	s23 =	simm.s32 $0x10;
	[tilespmem:s6+$0x0] =	vst v6  }
0x5b: {  	v8 =	vor.u32 s23, v1;
	s8 =	simm.s32 $0x0;
	s9 =	simm.s32 $0x11C40;
	s10 =	simm.s32 $0x0;
	[tilespmem:s6+$0xFFFFFFF0] =	vst v7  }
0x5c: {  	v9 =	vor.u32 s8, v1;
	s11 =	simm.s32 $0x118C0;
	s12 =	simm.s32 $0x70;
	s3 =	simm.s32 $0x12440;
	[tilespmem:s6+$0xFFFFFFD0] =	vst v8  }
.LBB2_4:
0x5d: {  	s10 =	sadd.s32 $0x8, s10;
	[tilespmem:s6+$0xFFFFFFC0] =	vst v9;
	s12 =	sadd.s32 $0x80, s12;
	s6 =	sadd.s32 $0x80, s6  }
0x5e: {  	[tilespmem:s11+$0xFFFFFFC0] =	vst v0;
	p1 =	slt.u32 s10, $0x38  }
0x5f: {  	v9 =	vor.u32 s12, v1;
	[tilespmem:s11+$0x30] =	vst v0  }
0x60: {  	[tilespmem:s6+$0x30] =	vst v9  }
0x61: {  	[tilespmem:s11+$0x10] =	vst v0  }
0x62: {  	s14 =	sadd.s32 $0xFFFFFFF0, s12;
	[tilespmem:s11+$0xFFFFFFE0] =	vst v0  }
0x63: {  	s16 =	sadd.s32 $0xFFFFFFE0, s12;
	v9 =	vor.u32 s14, v1;
	[tilespmem:s11+$0x20] =	vst v0  }
0x64: {  	v10 =	vor.u32 s16, v1;
	s14 =	sadd.s32 $0xFFFFFFB0, s12;
	[tilespmem:s6+$0x20] =	vst v9  }
0x65: {  	v9 =	vor.u32 s14, v1;
	[tilespmem:s6+$0x10] =	vst v10  }
0x66: {  	[tilespmem:s6+$0xFFFFFFE0] =	vst v9  }
0x67: {  	s14 =	sadd.s32 $0xFFFFFFD0, s12;
	[tilespmem:s11+$0xFFFFFFF0] =	vst v0  }
.Ltmp1:
0x68: {  	s16 =	sadd.s32 $0xFFFFFFC0, s12;
	v9 =	vor.u32 s14, v1;
	[tilespmem:s11+$0x0] =	vst v0;
	(pc) =	sbr.rel @p1 .LBB2_4-.Ltmp1, $4  }
0x69: {  	v10 =	vor.u32 s16, v1;
	[tilespmem:s6+$0x0] =	vst v9  }
0x6a: {  	s14 =	sadd.s32 $0xFFFFFFA0, s12;
	[tilespmem:s6+$0xFFFFFFF0] =	vst v10  }
0x6b: {  	s16 =	sadd.s32 $0xFFFFFF90, s12;
	v10 =	vor.u32 s14, v1;
	[tilespmem:s11+$0xFFFFFFD0] =	vst v0  }
0x6c: {  	v9 =	vor.u32 s16, v1;
	s11 =	sadd.s32 $0x80, s11;
	[tilespmem:s6+$0xFFFFFFD0] =	vst v10  }
0x6d: {  	[tilespmem:s6+$0xFFFFFFC0] =	vst v9  }
0x6e: {  	[tilespmem:s9+$0xFFFFFFC0] =	vst v0  }
0x6f: {  	[tilespmem:s9+$0x30] =	vst v0  }
0x70: {  	[tilespmem:s9+$0x10] =	vst v0  }
0x71: {  	[tilespmem:s9+$0xFFFFFFE0] =	vst v0  }
0x72: {  	[tilespmem:s9+$0x20] =	vst v0  }
0x73: {  	[tilespmem:s9+$0xFFFFFFF0] =	vst v0  }
0x74: {  	[tilespmem:s9+$0x0] =	vst v0  }
0x75: {  	[tilespmem:s9+$0xFFFFFFD0] =	vst v0  }
0x76: {  	[tilespmem:s3+$0x30] =	vst v2  }
0x77: {  	[tilespmem:s3+$0x20] =	vst v3  }
0x78: {  	[tilespmem:s3+$0x10] =	vst v4  }
0x79: {  	[tilespmem:s3+$0xFFFFFFE0] =	vst v5  }
0x7a: {  	[tilespmem:s3+$0x0] =	vst v6  }
0x7b: {  	[tilespmem:s3+$0xFFFFFFF0] =	vst v7  }
0x7c: {  	s6 =	simm.s32 $0x0;
	v2 =	vor.u32 s8, v1;
	[tilespmem:s3+$0xFFFFFFD0] =	vst v8;
	s8 =	simm.s32 $0x11CC0  }
.LBB2_6:
0x7d: {  	s6 =	sadd.s32 $0x8, s6;
	[tilespmem:s3+$0xFFFFFFC0] =	vst v2;
	s0 =	sadd.s32 $0x80, s0;
	s3 =	sadd.s32 $0x80, s3  }
0x7e: {  	[tilespmem:s8+$0xFFFFFFC0] =	vst v0;
	p1 =	slt.u32 s6, $0x38  }
0x7f: {  	v2 =	vor.u32 s0, v1;
	[tilespmem:s8+$0x30] =	vst v0  }
0x80: {  	[tilespmem:s3+$0x30] =	vst v2  }
0x81: {  	[tilespmem:s8+$0x10] =	vst v0  }
0x82: {  	s9 =	sadd.s32 $0xFFFFFFF0, s0;
	[tilespmem:s8+$0xFFFFFFE0] =	vst v0  }
0x83: {  	s10 =	sadd.s32 $0xFFFFFFE0, s0;
	v2 =	vor.u32 s9, v1;
	[tilespmem:s8+$0x20] =	vst v0  }
0x84: {  	v3 =	vor.u32 s10, v1;
	s9 =	sadd.s32 $0xFFFFFFB0, s0;
	[tilespmem:s3+$0x20] =	vst v2  }
0x85: {  	v2 =	vor.u32 s9, v1;
	[tilespmem:s3+$0x10] =	vst v3  }
0x86: {  	[tilespmem:s3+$0xFFFFFFE0] =	vst v2  }
0x87: {  	s9 =	sadd.s32 $0xFFFFFFD0, s0;
	[tilespmem:s8+$0xFFFFFFF0] =	vst v0  }
.Ltmp2:
0x88: {  	s10 =	sadd.s32 $0xFFFFFFC0, s0;
	v2 =	vor.u32 s9, v1;
	[tilespmem:s8+$0x0] =	vst v0;
	(pc) =	sbr.rel @p1 .LBB2_6-.Ltmp2, $4  }
0x89: {  	v3 =	vor.u32 s10, v1;
	[tilespmem:s3+$0x0] =	vst v2  }
0x8a: {  	s9 =	sadd.s32 $0xFFFFFFA0, s0;
	[tilespmem:s3+$0xFFFFFFF0] =	vst v3  }
0x8b: {  	s10 =	sadd.s32 $0xFFFFFF90, s0;
	v3 =	vor.u32 s9, v1;
	[tilespmem:s8+$0xFFFFFFD0] =	vst v0  }
0x8c: {  	v2 =	vor.u32 s10, v1;
	s8 =	sadd.s32 $0x80, s8;
	[tilespmem:s3+$0xFFFFFFD0] =	vst v3  }
0x8d: {  	[tilespmem:s3+$0xFFFFFFC0] =	vst v2  }
0x8e: {  	_ =	swait.ge [sflag:s7], $0x1000  }
0x8f: {  	[sflag:s7] =	ssyncset.done $0x0  }
0x90: {  	[sflag:s7] =	ssyncadd.s32 $0xFFFFF000  }
0x91: {  	_ =	swait.ge [sflag:s7], $0x1000  }
0x92: {  	[sflag:s7] =	ssyncset.done $0x0  }
0x93: {  	[sflag:s7] =	ssyncadd.s32 $0xFFFFF000  }
0x94: {  	_ =	swait.ge [sflag:s7], $0x1000  }
0x95: {  	[sflag:s7] =	ssyncset.done $0x0  }
0x96: {  	[sflag:s7] =	ssyncadd.s32 $0xFFFFF000  }
0x97: {  	_ =	swait.ge [sflag:s7], $0x1000  }
0x98: {  	[sflag:s7] =	ssyncset.done $0x0  }
0x99: {  	[sflag:s7] =	ssyncadd.s32 $0xFFFFF000  }
0x9a: {  	_ =	swait.ge [sflag:s7], $0x1000  }
0x9b: {  	[sflag:s7] =	ssyncset.done $0x0  }
0x9c: {  	[sflag:s7] =	ssyncadd.s32 $0xFFFFF000  }
0x9d: {  	_ =	swait.ge [sflag:s7], $0x1000  }
0x9e: {  	[sflag:s7] =	ssyncset.done $0x0  }
0x9f: {  	[sflag:s7] =	ssyncadd.s32 $0xFFFFF000  }
0xa0: {  	_ =	swait.ge [sflag:s7], $0x1000  }
0xa1: {  	[sflag:s7] =	ssyncset.done $0x0  }
0xa2: {  	[sflag:s7] =	ssyncadd.s32 $0xFFFFF000  }
0xa3: {  	_ =	swait.ge [sflag:s7], $0x1000  }
0xa4: {  	[sflag:s7] =	ssyncset.done $0x0  }
0xa5: {  	[sflag:s7] =	ssyncadd.s32 $0xFFFFF000  }
0xa6: {  	_ =	swait.ge [sflag:s7], $0x1000  }
0xa7: {  	[sflag:s7] =	ssyncset.done $0x0  }
0xa8: {  	[sflag:s7] =	ssyncadd.s32 $0xFFFFF000  }
0xa9: {  	_ =	swait.ge [sflag:s7], $0x1000  }
0xaa: {  	[sflag:s7] =	ssyncset.done $0x0  }
0xab: {  	[sflag:s7] =	ssyncadd.s32 $0xFFFFF000  }
0xac: {  	_ =	swait.ge [sflag:s7], $0x1000  }
0xad: {  	[sflag:s7] =	ssyncset.done $0x0  }
0xae: {  	[sflag:s7] =	ssyncadd.s32 $0xFFFFF000  }
0xaf: {  	_ =	swait.ge [sflag:s7], $0x1000  }
0xb0: {  	[sflag:s7] =	ssyncset.done $0x0  }
0xb1: {  	[sflag:s7] =	ssyncadd.s32 $0xFFFFF000  }
0xb2: {  	_ =	swait.ge [sflag:s7], $0x1000  }
0xb3: {  	[sflag:s7] =	ssyncset.done $0x0  }
0xb4: {  	[sflag:s7] =	ssyncadd.s32 $0xFFFFF000  }
0xb5: {  	_ =	swait.ge [sflag:s7], $0x1000  }
0xb6: {  	[sflag:s7] =	ssyncset.done $0x0  }
0xb7: {  	[sflag:s7] =	ssyncadd.s32 $0xFFFFF000  }
0xb8: {  	_ =	swait.ge [sflag:s7], $0x1000  }
0xb9: {  	[sflag:s7] =	ssyncset.done $0x0  }
0xba: {  	[sflag:s7] =	ssyncadd.s32 $0xFFFFF000  }
0xbb: {  	_ =	swait.ge [sflag:s7], $0x1000  }
0xbc: {  	[sflag:s7] =	ssyncset.done $0x0  }
0xbd: {  	[sflag:s7] =	ssyncadd.s32 $0xFFFFF000  }
0xbe: {  	[bflag:$0x0] =	sbarrier.arrive $0xFFFF  }
0xbf: {  	s0 =	simm.s32 $0x0;
	s6 =	simm.s32 $0x10000;
	s8 =	rddreg [dreg:$0xf]  }
0xc0: {  	[tilespmem:s6], [sflag:$0x2] =	stream.linear.gather [hbm4b:s8+s0], $0x400, $0x38;
	[tilespmem:$0x13800] =	vst v63  }
0xc1: {  	s10 =	simm.s32 $0x10400;
	s9 =	rddreg [dreg:$0x10]  }
0xc2: {  	[tilespmem:s10], [sflag:$0x2] =	stream.linear.gather [hbm4b:s9+s0], $0x400, $0x38;
	[tilespmem:$0x13800] =	vst v63  }
0xc3: {  	s12 =	simm.s32 $0x11000;
	s11 =	rddreg [dreg:$0x11]  }
0xc4: {  	[tilespmem:s12], [sflag:$0x2] =	stream.linear.gather [hbm4b:s11+s0], $0x400, $0x38;
	[tilespmem:$0x13800] =	vst v63  }
0xc5: {  	s16 =	simm.s32 $0x10800;
	s14 =	rddreg [dreg:$0x12]  }
0xc6: {  	[tilespmem:s16], [sflag:$0x3] =	stream.linear.gather [hbm4b:s14+s0], $0x400, $0x38;
	[tilespmem:$0x13800] =	vst v63  }
0xc7: {  	s19 =	simm.s32 $0x10C00;
	s17 =	rddreg [dreg:$0x1b]  }
0xc8: {  	[tilespmem:s19], [sflag:$0x3] =	stream.linear.gather [hbm4b:s17+s0], $0x400, $0x38;
	[tilespmem:$0x13800] =	vst v63  }
0xc9: {  	s21 =	simm.s32 $0x11400;
	s20 =	rddreg [dreg:$0x13]  }
0xca: {  	[tilespmem:s21], [sflag:$0x3] =	stream.linear.gather [hbm4b:s20+s0], $0x400, $0x38;
	[tilespmem:$0x13800] =	vst v63  }
0xcb: {  	s22 =	simm.s32 $0x12000;
	s23 =	simm.s32 $0x11800  }
0xcc: {  	[spmem:s2] =	stream.indirect.scatter.add.f32 [tilespmem:s23], [sflag:$0x4], $0x1, s22, s15, $0xb8;
	[tilespmem:$0x13800] =	vst v63  }
0xcd: {  	s6 =	simm.s32 $0x12080;
	s8 =	simm.s32 $0x11880  }
0xce: {  	[spmem:s2] =	stream.indirect.scatter.add.f32 [tilespmem:s8], [sflag:$0x4], $0x1, s6, s15, $0xb8;
	[tilespmem:$0x13800] =	vst v63  }
0xcf: {  	s9 =	simm.s32 $0x12100;
	s10 =	simm.s32 $0x11900  }
0xd0: {  	[spmem:s2] =	stream.indirect.scatter.add.f32 [tilespmem:s10], [sflag:$0x4], $0x1, s9, s15, $0xb8;
	[tilespmem:$0x13800] =	vst v63  }
0xd1: {  	s11 =	simm.s32 $0x12180;
	s12 =	simm.s32 $0x11980  }
0xd2: {  	[spmem:s2] =	stream.indirect.scatter.add.f32 [tilespmem:s12], [sflag:$0x4], $0x1, s11, s15, $0xb8;
	[tilespmem:$0x13800] =	vst v63  }
0xd3: {  	s14 =	simm.s32 $0x12200;
	s16 =	simm.s32 $0x11A00  }
0xd4: {  	[spmem:s2] =	stream.indirect.scatter.add.f32 [tilespmem:s16], [sflag:$0x4], $0x1, s14, s15, $0xb8;
	[tilespmem:$0x13800] =	vst v63  }
0xd5: {  	s17 =	simm.s32 $0x12280;
	s19 =	simm.s32 $0x11A80  }
0xd6: {  	[spmem:s2] =	stream.indirect.scatter.add.f32 [tilespmem:s19], [sflag:$0x4], $0x1, s17, s15, $0xb8;
	[tilespmem:$0x13800] =	vst v63  }
0xd7: {  	s20 =	simm.s32 $0x12300;
	s21 =	simm.s32 $0x11B00  }
0xd8: {  	[spmem:s2] =	stream.indirect.scatter.add.f32 [tilespmem:s21], [sflag:$0x4], $0x1, s20, s15, $0xb8;
	[tilespmem:$0x13800] =	vst v63  }
0xd9: {  	s22 =	simm.s32 $0x12380;
	s23 =	simm.s32 $0x11B80  }
0xda: {  	[spmem:s2] =	stream.indirect.scatter.add.f32 [tilespmem:s23], [sflag:$0x4], $0x1, s22, s15, $0xb8;
	[tilespmem:$0x13800] =	vst v63  }
0xdb: {  	s8 =	simm.s32 $0x12400;
	s9 =	simm.s32 $0x11C00  }
0xdc: {  	[spmem:s2] =	stream.indirect.scatter.add.f32 [tilespmem:s9], [sflag:$0x5], $0x1, s8, s15, $0xb8;
	[tilespmem:$0x13800] =	vst v63  }
0xdd: {  	s10 =	simm.s32 $0x12480;
	s11 =	simm.s32 $0x11C80  }
0xde: {  	[spmem:s2] =	stream.indirect.scatter.add.f32 [tilespmem:s11], [sflag:$0x5], $0x1, s10, s15, $0xb8;
	[tilespmem:$0x13800] =	vst v63  }
0xdf: {  	s12 =	simm.s32 $0x12500;
	s14 =	simm.s32 $0x11D00  }
0xe0: {  	[spmem:s2] =	stream.indirect.scatter.add.f32 [tilespmem:s14], [sflag:$0x5], $0x1, s12, s15, $0xb8;
	[tilespmem:$0x13800] =	vst v63  }
0xe1: {  	s16 =	simm.s32 $0x12580;
	s17 =	simm.s32 $0x11D80  }
0xe2: {  	[spmem:s2] =	stream.indirect.scatter.add.f32 [tilespmem:s17], [sflag:$0x5], $0x1, s16, s15, $0xb8;
	[tilespmem:$0x13800] =	vst v63  }
0xe3: {  	s19 =	simm.s32 $0x12600;
	s20 =	simm.s32 $0x11E00  }
0xe4: {  	[spmem:s2] =	stream.indirect.scatter.add.f32 [tilespmem:s20], [sflag:$0x5], $0x1, s19, s15, $0xb8;
	[tilespmem:$0x13800] =	vst v63  }
0xe5: {  	s21 =	simm.s32 $0x12680;
	s22 =	simm.s32 $0x11E80  }
0xe6: {  	[spmem:s2] =	stream.indirect.scatter.add.f32 [tilespmem:s22], [sflag:$0x5], $0x1, s21, s15, $0xb8;
	[tilespmem:$0x13800] =	vst v63  }
0xe7: {  	s23 =	simm.s32 $0x12700  }
0xe8: {  	[spmem:s2] =	stream.indirect.scatter.add.f32 [tilespmem:s24], [sflag:$0x5], $0x1, s23, s15, $0xb8;
	[tilespmem:$0x13800] =	vst v63  }
0xe9: {  	_ = 	snop  }
0xea: {  	[spmem:s2] =	stream.indirect.scatter.add.f32 [tilespmem:s26], [sflag:$0x5], $0x1, s25, s15, $0xb8;
	[tilespmem:$0x13800] =	vst v63  }
.LBB2_8:
0xeb: {  	_ =	swait.ge [sflag:s28], $0x400  }
0xec: {  	[sflag:s28] =	ssyncset.done $0x0  }
0xed: {  	[sflag:s28] =	ssyncadd.s32 $0xFFFFFC00  }
0xee: {  	_ =	swait.ge [sflag:s28], $0x400  }
0xef: {  	[sflag:s28] =	ssyncset.done $0x0  }
0xf0: {  	[sflag:s28] =	ssyncadd.s32 $0xFFFFFC00  }
0xf1: {  	_ =	swait.ge [sflag:s28], $0x400  }
0xf2: {  	[sflag:s28] =	ssyncset.done $0x0  }
0xf3: {  	[sflag:s28] =	ssyncadd.s32 $0xFFFFFC00  }
0xf4: {  	_ =	swait.ge [sflag:s29], $0x80  }
0xf5: {  	[sflag:s29] =	ssyncset.done $0x0  }
0xf6: {  	[sflag:s29] =	ssyncadd.s32 $0xFFFFFF80  }
0xf7: {  	_ =	swait.ge [sflag:s29], $0x80  }
0xf8: {  	[sflag:s29] =	ssyncset.done $0x0  }
0xf9: {  	[sflag:s29] =	ssyncadd.s32 $0xFFFFFF80  }
0xfa: {  	_ =	swait.ge [sflag:s29], $0x80  }
0xfb: {  	[sflag:s29] =	ssyncset.done $0x0  }
0xfc: {  	[sflag:s29] =	ssyncadd.s32 $0xFFFFFF80  }
0xfd: {  	_ =	swait.ge [sflag:s29], $0x80  }
0xfe: {  	[sflag:s29] =	ssyncset.done $0x0  }
0xff: {  	[sflag:s29] =	ssyncadd.s32 $0xFFFFFF80  }
0x100: {  	_ =	swait.ge [sflag:s29], $0x80  }
0x101: {  	[sflag:s29] =	ssyncset.done $0x0  }
0x102: {  	[sflag:s29] =	ssyncadd.s32 $0xFFFFFF80  }
0x103: {  	_ =	swait.ge [sflag:s29], $0x80  }
0x104: {  	[sflag:s29] =	ssyncset.done $0x0  }
0x105: {  	[sflag:s29] =	ssyncadd.s32 $0xFFFFFF80  }
0x106: {  	_ =	swait.ge [sflag:s29], $0x80  }
0x107: {  	[sflag:s29] =	ssyncset.done $0x0  }
0x108: {  	[sflag:s29] =	ssyncadd.s32 $0xFFFFFF80  }
0x109: {  	_ =	swait.ge [sflag:s29], $0x80  }
0x10a: {  	[sflag:s29] =	ssyncset.done $0x0  }
0x10b: {  	s8 =	simm.s32 $0x10400;
	[sflag:s29] =	ssyncadd.s32 $0xFFFFFF80  }
0x10c: {  	v2 =	vld [tilespmem:s8+$0xFFFFFC70]  }
0x10d: {  	v3 =	vld [tilespmem:s8+$0x70]  }
0x10e: {  	v4 =	vld [tilespmem:s8+$0xFFFFFC00]  }
0x10f: {  	v5 =	vld [tilespmem:s8+$0x0]  }
0x110: {  	v8 =	vld [tilespmem:s8+$0xFFFFFC20]  }
0x111: {  	s19 =	sshll.u32 s0, $0xB;
	s10 =	simm.s32 $0x20;
	v10 =	vld [tilespmem:s8+$0x20]  }
0x112: {  	s11 =	simm.s32 $0x30;
	s12 =	simm.s32 $0x40;
	s22 =	simm.s32 $0x50;
	v21 =	vor.u32 s10, v1;
	v16 =	vld [tilespmem:s8+$0x40]  }
0x113: {  	s23 =	simm.s32 $0x60;
	s3 =	smax.u32 s19, $0x1E448;
	v22 =	vor.u32 s11, v1;
	v23 =	vor.u32 s12, v1;
	v24 =	vor.u32 s22, v1;
	v6 =	vld [tilespmem:s8+$0xFFFFFC10]  }
0x114: {  	s6 =	simm.s32 $0x11040;
	v25 =	vor.u32 s23, v1;
	s3 =	sadd.s32 $0xFFFE1BB8, s3;
	v7 =	vld [tilespmem:s8+$0x10];
	v9 =	vadd.f32 $5.000000000e-01, v2;
	v3 =	vadd.f32 $5.000000000e-01, v3  }
0x115: {  	v11 =	vld [tilespmem:s6+$0x30];
	v2 =	vmov s3;
	v4 =	vadd.f32 $5.000000000e-01, v4;
	v5 =	vadd.f32 $5.000000000e-01, v5  }
0x116: {  	v17 =	vld [tilespmem:s8+$0x50];
	v8 =	vadd.f32 $5.000000000e-01, v8;
	v10 =	vadd.f32 $5.000000000e-01, v10;
	v9 =	vtrunc.f32 v9  }
0x117: {  	v16 =	vadd.f32 $5.000000000e-01, v16;
	v3 =	vtrunc.f32 v3;
	v4 =	vtrunc.f32 v4  }
0x118: {  	v6 =	vadd.f32 $5.000000000e-01, v6;
	v5 =	vtrunc.f32 v5;
	v8 =	vtrunc.f32 v8  }
0x119: {  	v7 =	vadd.f32 $5.000000000e-01, v7;
	v10 =	vtrunc.f32 v10;
	v16 =	vtrunc.f32 v16  }
0x11a: {  	v11 =	vpsel !p0, $0x3F800000, v11;
	v9 =	vcvt.f32.s32 v9;
	v3 =	vcvt.f32.s32 v3  }
0x11b: {  	s3 =	simm.s32 $0x70;
	v17 =	vadd.f32 $5.000000000e-01, v17;
	v19 =	vcvt.f32.s32 v4;
	v5 =	vcvt.f32.s32 v5  }
0x11c: {  	v14 =	vld [tilespmem:s8+$0xFFFFFC40];
	v15 =	vor.u32 s3, v1;
	v8 =	vcvt.f32.s32 v8;
	v10 =	vcvt.f32.s32 v10  }
0x11d: {  	v12 =	vld [tilespmem:s8+$0xFFFFFC30];
	vm0 =	vlt.s32 v9, $0x400;
	vm1 =	vlt.s32 v3, $0x400;
	v3 =	vshll.u32 v3, $0xA  }
0x11e: {  	v13 =	vld [tilespmem:s8+$0x30];
	vm4 =	vlt.s32 v8, $0x400;
	vm5 =	vlt.s32 v10, $0x400;
	v26 =	vshll.u32 v5, $0xA  }
0x11f: {  	vm0 =	vmand vm0, vm1;
	vm1 =	vge.u32 v15, v2;
	v3 =	vadd.s32 v9, v3  }
0x120: {  	v10 =	vshll.u32 v10, $0xA;
	vm0 =	vmand vm1, vm0;
	v18 =	vand.u32 $0xFFFFF, v3  }
0x121: {  	v15 =	vld [tilespmem:s8+$0xFFFFFC50];
	v3 =	vtrunc.f32 v6;
	v6 =	vtrunc.f32 v7;
	v7 =	vadd.f32 $5.000000000e-01, v14  }
0x122: {  	v14 =	vld [tilespmem:s8+$0x60];
	vm1 =	vlt.s32 v5, $0x400;
	v9 =	vnsel vm0, $0x0, v11;
	v11 =	vadd.f32 $5.000000000e-01, v12  }
0x123: {  	v12 =	vadd.f32 $5.000000000e-01, v13;
	v13 =	vld [tilespmem:s8+$0xFFFFFC60];
	vm0 =	vlt.s32 v19, $0x400;
	v6 =	vcvt.f32.s32 v6  }
0x124: {  	v7 =	vtrunc.f32 v7;
	vm0 =	vmand vm0, vm1;
	v11 =	vtrunc.f32 v11  }
0x125: {  	v12 =	vtrunc.f32 v12;
	vm3 =	vlt.s32 v6, $0x400;
	v7 =	vcvt.f32.s32 v7  }
0x126: {  	v6 =	vshll.u32 v6, $0xA;
	v15 =	vadd.f32 $5.000000000e-01, v15;
	v11 =	vcvt.f32.s32 v11  }
0x127: {  	v12 =	vcvt.f32.s32 v12;
	v14 =	vadd.f32 $5.000000000e-01, v14;
	vm8 =	vlt.s32 v7, $0x400  }
0x128: {  	v4 =	vtrunc.f32 v15;
	v13 =	vadd.f32 $5.000000000e-01, v13;
	v15 =	vtrunc.f32 v17  }
0x129: {  	v17 =	vcvt.f32.s32 v3;
	vm6 =	vlt.s32 v11, $0x400;
	vm7 =	vlt.s32 v12, $0x400  }
0x12a: {  	v27 =	vshll.u32 v12, $0xA;
	v12 =	vadd.s32 v8, v10;
	v3 =	vtrunc.f32 v13  }
0x12b: {  	v11 =	vadd.s32 v11, v27;
	v13 =	vtrunc.f32 v14;
	v14 =	vcvt.f32.s32 v16  }
0x12c: {  	s21 =	simm.s32 $0x10;
	vm2 =	vlt.s32 v17, $0x400;
	v16 =	vcvt.f32.s32 v4;
	v4 =	vcvt.f32.s32 v15  }
0x12d: {  	s9 =	simm.s32 $0x0;
	v15 =	vor.u32 s21, v1;
	v20 =	vcvt.f32.s32 v3;
	v3 =	vcvt.f32.s32 v13  }
0x12e: {  	v13 =	vor.u32 s9, v1;
	vm1 =	vmand vm2, vm3;
	vm2 =	vmand vm4, vm5  }
0x12f: {  	vm3 =	vmand vm6, vm7;
	vm5 =	vge.u32 v15, v2;
	vm9 =	vlt.s32 v14, $0x400  }
0x130: {  	v63 =	vld [tilespmem:s6+$0xFFFFFFD0];
	vm10 =	vlt.s32 v16, $0x400;
	vm11 =	vlt.s32 v4, $0x400;
	v28 =	vshll.u32 v14, $0xA  }
0x131: {  	v5 =	vld [tilespmem:s6+$0x0];
	v29 =	vshll.u32 v4, $0xA;
	vm4 =	vge.u32 v13, v2;
	v14 =	vadd.s32 v19, v26  }
0x132: {  	v15 =	vld [tilespmem:s6+$0xFFFFFFC0];
	v13 =	vadd.s32 v17, v6;
	vm12 =	vlt.s32 v20, $0x400;
	vm13 =	vlt.s32 v3, $0x400  }
0x133: {  	v4 =	vld [tilespmem:s6+$0xFFFFFFF0];
	vm7 =	vmand vm8, vm9;
	vm8 =	vmand vm10, vm11;
	v30 =	vshll.u32 v3, $0xA  }
0x134: {  	v6 =	vld [tilespmem:s6+$0x10];
	vm10 =	vge.u32 v21, v2;
	vm11 =	vge.u32 v22, v2;
	vm6 =	vmand vm4, vm0  }
0x135: {  	vm0 =	vge.u32 v24, v2;
	v3 =	vld [tilespmem:s6+$0xFFFFFFE0];
	vm4 =	vmand vm5, vm1;
	v10 =	vadd.s32 v7, v28  }
0x136: {  	v8 =	vadd.s32 v16, v29;
	v7 =	vld [tilespmem:s6+$0x20];
	vm9 =	vmand vm12, vm13;
	vm12 =	vge.u32 v23, v2  }
0x137: {  	s8 =	simm.s32 $0x11840;
	vm13 =	vge.u32 v25, v2;
	vm5 =	vmand vm10, vm2;
	vm3 =	vmand vm11, vm3  }
0x138: {  	[tilespmem:s8+$0x30] =	vst v9;
	s9 =	simm.s32 $0x12040;
	vm1 =	vmand vm0, vm8;
	v9 =	vadd.s32 v20, v30;
	vm2 =	vmand vm12, vm7  }
0x139: {  	s11 =	simm.s32 $0x0;
	s12 =	simm.s32 $0x10480;
	s10 =	simm.s32 $0x12040;
	[tilespmem:s9+$0x30] =	vst v18;
	vm0 =	vmand vm13, vm9;
	v16 =	vpsel !p0, $0x3F800000, v15;
	v15 =	vpsel !p0, $0x3F800000, v63  }
.LBB2_9:
0x13a: {  	v17 =	vld [tilespmem:s12+$0xFFFFFC70];
	v3 =	vpsel !p0, $0x3F800000, v3;
	v4 =	vpsel !p0, $0x3F800000, v4;
	v5 =	vpsel !p0, $0x3F800000, v5  }
0x13b: {  	v16 =	vnsel vm6, $0x0, v16;
	v6 =	vpsel !p0, $0x3F800000, v6;
	v7 =	vpsel !p0, $0x3F800000, v7;
	v18 =	vld [tilespmem:s12+$0x70]  }
0x13c: {  	s11 =	sadd.s32 $0x8, s11;
	v15 =	vnsel vm4, $0x0, v15;
	v3 =	vnsel vm5, $0x0, v3;
	v4 =	vnsel vm3, $0x0, v4;
	v19 =	vld [tilespmem:s12+$0xFFFFFC00];
	[tilespmem:s8+$0xFFFFFFC0] =	vst v16  }
0x13d: {  	p1 =	slt.u32 s11, $0x38;
	v5 =	vnsel vm2, $0x0, v5;
	v6 =	vnsel vm1, $0x0, v6;
	v7 =	vnsel vm0, $0x0, v7;
	v16 =	vld [tilespmem:s12+$0x0];
	[tilespmem:s8+$0xFFFFFFD0] =	vst v15  }
0x13e: {  	v14 =	vand.u32 $0xFFFFF, v14;
	v13 =	vand.u32 $0xFFFFF, v13;
	v12 =	vand.u32 $0xFFFFF, v12;
	v15 =	vld [tilespmem:s12+$0xFFFFFC10];
	[tilespmem:s8+$0xFFFFFFE0] =	vst v3  }
0x13f: {  	v11 =	vand.u32 $0xFFFFF, v11;
	v10 =	vand.u32 $0xFFFFF, v10;
	v8 =	vand.u32 $0xFFFFF, v8;
	v3 =	vld [tilespmem:s12+$0x10];
	[tilespmem:s9+$0xFFFFFFC0] =	vst v14  }
0x140: {  	v9 =	vand.u32 $0xFFFFF, v9;
	v17 =	vadd.f32 $5.000000000e-01, v17;
	v14 =	vld [tilespmem:s12+$0xFFFFFC20];
	v18 =	vadd.f32 $5.000000000e-01, v18;
	[tilespmem:s9+$0xFFFFFFD0] =	vst v13  }
0x141: {  	s6 =	sadd.s32 $0x80, s6;
	v13 =	vadd.f32 $5.000000000e-01, v19;
	v19 =	vld [tilespmem:s12+$0x20];
	[tilespmem:s9+$0xFFFFFFE0] =	vst v12  }
0x142: {  	v17 =	vtrunc.f32 v17;
	v12 =	vadd.f32 $5.000000000e-01, v16;
	v16 =	vld [tilespmem:s6+$0x30];
	v18 =	vtrunc.f32 v18;
	[tilespmem:s8+$0xFFFFFFF0] =	vst v4  }
0x143: {  	v17 =	vcvt.f32.s32 v17;
	v4 =	vadd.f32 $5.000000000e-01, v15;
	v15 =	vld [tilespmem:s12+$0xFFFFFC30];
	v18 =	vcvt.f32.s32 v18;
	[tilespmem:s9+$0xFFFFFFF0] =	vst v11  }
0x144: {  	s3 =	sadd.s32 $0x80, s3;
	v11 =	vtrunc.f32 v13;
	v12 =	vtrunc.f32 v12;
	v3 =	vadd.f32 $5.000000000e-01, v3;
	v13 =	vld [tilespmem:s12+$0x30];
	[tilespmem:s8+$0x0] =	vst v5  }
0x145: {  	s17 =	sadd.s32 $0xFFFFFFA0, s3;
	s14 =	sadd.s32 $0xFFFFFFB0, s3;
	s16 =	sadd.s32 $0xFFFFFFC0, s3;
	v20 =	vor.u32 s3, v1;
	vm0 =	vlt.s32 v17, $0x400;
	v5 =	vld [tilespmem:s12+$0xFFFFFC40];
	vm1 =	vlt.s32 v18, $0x400;
	[tilespmem:s9+$0x0] =	vst v10  }
0x146: {  	s22 =	sadd.s32 $0xFFFFFFD0, s3;
	s20 =	sadd.s32 $0xFFFFFFE0, s3;
	s21 =	sadd.s32 $0xFFFFFFF0, s3;
	v10 =	vadd.f32 $5.000000000e-01, v14;
	v14 =	vld [tilespmem:s12+$0x40];
	vm0 =	vmand vm0, vm1;
	vm1 =	vge.u32 v20, v2;
	[tilespmem:s8+$0x10] =	vst v6  }
0x147: {  	s23 =	sadd.s32 $0xFFFFFF90, s3;
	v18 =	vshll.u32 v18, $0xA;
	v6 =	vld [tilespmem:s12+$0xFFFFFC50];
	vm0 =	vmand vm1, vm0;
	v16 =	vpsel !p0, $0x3F800000, v16;
	[tilespmem:s9+$0x10] =	vst v8  }
0x148: {  	v17 =	vadd.s32 v17, v18;
	v8 =	vadd.f32 $5.000000000e-01, v19;
	v19 =	vld [tilespmem:s12+$0x50];
	v16 =	vnsel vm0, $0x0, v16;
	[tilespmem:s8+$0x20] =	vst v7;
	s8 =	sadd.s32 $0x80, s8  }
0x149: {  	v17 =	vand.u32 $0xFFFFF, v17;
	s9 =	sadd.s32 $0x80, s9;
	v7 =	vadd.f32 $5.000000000e-01, v15;
	v13 =	vadd.f32 $5.000000000e-01, v13;
	v15 =	vld [tilespmem:s12+$0xFFFFFC60];
	[tilespmem:s8+$0x30] =	vst v16  }
0x14a: {  	v18 =	vtrunc.f32 v3;
	v16 =	vtrunc.f32 v4;
	v4 =	vadd.f32 $5.000000000e-01, v5;
	v20 =	vld [tilespmem:s12+$0x60];
	[tilespmem:s9+$0x30] =	vst v17  }
0x14b: {  	v10 =	vtrunc.f32 v10;
	v8 =	vtrunc.f32 v8;
	v17 =	vld [tilespmem:s6+$0xFFFFFFC0];
	v5 =	vadd.f32 $5.000000000e-01, v14;
	[tilespmem:s10+$0x20] =	vst v9;
	s10 =	smov.u32 s9  }
0x14c: {  	v14 =	vtrunc.f32 v7;
	v13 =	vtrunc.f32 v13;
	v9 =	vld [tilespmem:s6+$0xFFFFFFD0];
	v6 =	vadd.f32 $5.000000000e-01, v6  }
0x14d: {  	v21 =	vtrunc.f32 v4;
	v3 =	vld [tilespmem:s6+$0xFFFFFFE0];
	v22 =	vtrunc.f32 v5;
	v7 =	vadd.f32 $5.000000000e-01, v19  }
0x14e: {  	v11 =	vcvt.f32.s32 v11;
	v4 =	vld [tilespmem:s6+$0xFFFFFFF0];
	v19 =	vtrunc.f32 v6;
	v15 =	vadd.f32 $5.000000000e-01, v15  }
0x14f: {  	v12 =	vcvt.f32.s32 v12;
	v5 =	vld [tilespmem:s6+$0x0];
	v23 =	vtrunc.f32 v7;
	v20 =	vadd.f32 $5.000000000e-01, v20  }
0x150: {  	vm0 =	vlt.s32 v11, $0x400;
	v16 =	vcvt.f32.s32 v16;
	v6 =	vld [tilespmem:s6+$0x10];
	v15 =	vtrunc.f32 v15  }
0x151: {  	vm1 =	vlt.s32 v12, $0x400;
	v18 =	vcvt.f32.s32 v18;
	v7 =	vld [tilespmem:s6+$0x20];
	v20 =	vtrunc.f32 v20  }
0x152: {  	v10 =	vcvt.f32.s32 v10;
	v8 =	vcvt.f32.s32 v8;
	vm2 =	vlt.s32 v16, $0x400  }
0x153: {  	vm3 =	vlt.s32 v18, $0x400;
	v24 =	vcvt.f32.s32 v14;
	v13 =	vcvt.f32.s32 v13  }
0x154: {  	vm4 =	vlt.s32 v10, $0x400;
	v21 =	vcvt.f32.s32 v21;
	v14 =	vcvt.f32.s32 v22  }
0x155: {  	vm5 =	vlt.s32 v8, $0x400;
	v19 =	vcvt.f32.s32 v19;
	v22 =	vcvt.f32.s32 v23  }
0x156: {  	vm6 =	vlt.s32 v24, $0x400;
	v23 =	vcvt.f32.s32 v15;
	v15 =	vcvt.f32.s32 v20  }
0x157: {  	vm7 =	vlt.s32 v13, $0x400;
	vm8 =	vlt.s32 v21, $0x400;
	vm9 =	vlt.s32 v14, $0x400  }
0x158: {  	vm10 =	vlt.s32 v19, $0x400;
	vm11 =	vlt.s32 v22, $0x400;
	vm12 =	vlt.s32 v23, $0x400  }
0x159: {  	v25 =	vor.u32 s17, v1;
	v20 =	vor.u32 s23, v1;
	vm13 =	vlt.s32 v15, $0x400  }
0x15a: {  	v26 =	vor.u32 s14, v1;
	v27 =	vor.u32 s16, v1;
	v28 =	vor.u32 s22, v1  }
0x15b: {  	v29 =	vor.u32 s20, v1;
	v30 =	vor.u32 s21, v1;
	vm0 =	vmand vm0, vm1  }
0x15c: {  	vm1 =	vmand vm2, vm3;
	vm2 =	vmand vm4, vm5;
	vm3 =	vmand vm6, vm7  }
0x15d: {  	vm7 =	vmand vm8, vm9;
	vm8 =	vmand vm10, vm11;
	vm9 =	vmand vm12, vm13  }
0x15e: {  	v12 =	vshll.u32 v12, $0xA;
	v18 =	vshll.u32 v18, $0xA;
	v8 =	vshll.u32 v8, $0xA  }
0x15f: {  	v31 =	vshll.u32 v13, $0xA;
	v32 =	vshll.u32 v14, $0xA;
	v22 =	vshll.u32 v22, $0xA  }
0x160: {  	vm5 =	vge.u32 v25, v2;
	vm4 =	vge.u32 v20, v2;
	v20 =	vshll.u32 v15, $0xA  }
0x161: {  	vm10 =	vge.u32 v26, v2;
	vm11 =	vge.u32 v27, v2;
	vm12 =	vge.u32 v28, v2  }
0x162: {  	vm6 =	vmand vm4, vm0;
	vm0 =	vge.u32 v29, v2;
	vm13 =	vge.u32 v30, v2  }
.Ltmp3:
0x163: {  	vm4 =	vmand vm5, vm1;
	vm5 =	vmand vm10, vm2;
	vm3 =	vmand vm11, vm3;
	(pc) =	sbr.rel @p1 .LBB2_9-.Ltmp3, $4  }
0x164: {  	vm1 =	vmand vm0, vm8;
	vm2 =	vmand vm12, vm7;
	vm0 =	vmand vm13, vm9  }
0x165: {  	v13 =	vadd.s32 v16, v18;
	v14 =	vadd.s32 v11, v12;
	v12 =	vadd.s32 v10, v8  }
0x166: {  	v11 =	vadd.s32 v24, v31;
	v10 =	vadd.s32 v21, v32;
	v8 =	vadd.s32 v19, v22  }
0x167: {  	s12 =	sadd.s32 $0x80, s12;
	v16 =	vpsel !p0, $0x3F800000, v17;
	v15 =	vpsel !p0, $0x3F800000, v9;
	v9 =	vadd.s32 v23, v20  }
0x168: {  	v2 =	vnsel vm6, $0x0, v16  }
0x169: {  	v3 =	vpsel !p0, $0x3F800000, v3;
	[tilespmem:s8+$0xFFFFFFC0] =	vst v2;
	v2 =	vnsel vm4, $0x0, v15  }
0x16a: {  	v3 =	vnsel vm5, $0x0, v3;
	[tilespmem:s8+$0xFFFFFFD0] =	vst v2  }
0x16b: {  	v2 =	vand.u32 $0xFFFFF, v14;
	[tilespmem:s8+$0xFFFFFFE0] =	vst v3  }
0x16c: {  	v3 =	vand.u32 $0xFFFFF, v13;
	[tilespmem:s9+$0xFFFFFFC0] =	vst v2  }
0x16d: {  	v2 =	vpsel !p0, $0x3F800000, v4;
	v4 =	vand.u32 $0xFFFFF, v12;
	[tilespmem:s9+$0xFFFFFFD0] =	vst v3  }
0x16e: {  	v2 =	vnsel vm3, $0x0, v2;
	[tilespmem:s9+$0xFFFFFFE0] =	vst v4  }
0x16f: {  	v3 =	vpsel !p0, $0x3F800000, v5;
	v4 =	vand.u32 $0xFFFFF, v11;
	[tilespmem:s8+$0xFFFFFFF0] =	vst v2  }
0x170: {  	v2 =	vnsel vm2, $0x0, v3;
	[tilespmem:s9+$0xFFFFFFF0] =	vst v4  }
0x171: {  	v3 =	vpsel !p0, $0x3F800000, v6;
	v4 =	vand.u32 $0xFFFFF, v10;
	[tilespmem:s8+$0x0] =	vst v2  }
0x172: {  	v2 =	vnsel vm1, $0x0, v3;
	[tilespmem:s9+$0x0] =	vst v4  }
0x173: {  	v3 =	vpsel !p0, $0x3F800000, v7;
	v4 =	vand.u32 $0xFFFFF, v8;
	[tilespmem:s8+$0x10] =	vst v2  }
0x174: {  	v2 =	vnsel vm0, $0x0, v3;
	[tilespmem:s9+$0x10] =	vst v4  }
0x175: {  	v3 =	vand.u32 $0xFFFFF, v9;
	[tilespmem:s8+$0x20] =	vst v2  }
0x176: {  	s3 =	simm.s32 $0x12000;
	s6 =	simm.s32 $0x11800;
	[tilespmem:s10+$0x20] =	vst v3  }
0x177: {  	[spmem:s2] =	stream.indirect.scatter.add.f32 [tilespmem:s6], [sflag:$0x4], $0x1, s3, s15, $0xb8;
	[tilespmem:$0x13800] =	vst v63  }
0x178: {  	s16 =	simm.s32 $0x12080;
	s17 =	simm.s32 $0x11880  }
0x179: {  	[spmem:s2] =	stream.indirect.scatter.add.f32 [tilespmem:s17], [sflag:$0x4], $0x1, s16, s15, $0xb8;
	[tilespmem:$0x13800] =	vst v63  }
0x17a: {  	s20 =	simm.s32 $0x12100;
	s21 =	simm.s32 $0x11900  }
0x17b: {  	[spmem:s2] =	stream.indirect.scatter.add.f32 [tilespmem:s21], [sflag:$0x4], $0x1, s20, s15, $0xb8;
	[tilespmem:$0x13800] =	vst v63  }
0x17c: {  	s22 =	simm.s32 $0x12180;
	s23 =	simm.s32 $0x11980;
	s11 =	simm.s32 $0x11A80  }
0x17d: {  	[spmem:s2] =	stream.indirect.scatter.add.f32 [tilespmem:s23], [sflag:$0x4], $0x1, s22, s15, $0xb8;
	[tilespmem:$0x13800] =	vst v63  }
0x17e: {  	s8 =	simm.s32 $0x12200;
	s9 =	simm.s32 $0x11A00;
	s20 =	smin.u32 s19, $0x1DC48  }
0x17f: {  	[spmem:s2] =	stream.indirect.scatter.add.f32 [tilespmem:s9], [sflag:$0x4], $0x1, s8, s15, $0xb8;
	[tilespmem:$0x13800] =	vst v63  }
0x180: {  	s12 =	simm.s32 $0x12300;
	s10 =	simm.s32 $0x12280;
	s3 =	sadd.s32 $0x800, s20  }
0x181: {  	[spmem:s2] =	stream.indirect.scatter.add.f32 [tilespmem:s11], [sflag:$0x4], $0x1, s10, s15, $0xb8;
	[tilespmem:$0x13800] =	vst v63  }
0x182: {  	s14 =	simm.s32 $0x11B00;
	s16 =	simm.s32 $0x12380;
	s21 =	sadd.s32 s13, s3  }
0x183: {  	[spmem:s2] =	stream.indirect.scatter.add.f32 [tilespmem:s14], [sflag:$0x4], $0x1, s12, s15, $0xb8;
	[tilespmem:$0x13800] =	vst v63  }
0x184: {  	s17 =	simm.s32 $0x11B80;
	s3 =	sadd.s32 s18, s3;
	s6 =	sshrl.u32 s21, $0x3  }
0x185: {  	[spmem:s2] =	stream.indirect.scatter.add.f32 [tilespmem:s17], [sflag:$0x4], $0x1, s16, s15, $0xb8;
	[tilespmem:$0x13800] =	vst v63  }
0x186: {  	s23 =	simm.s32 $0x10000;
	s3 =	sshrl.u32 s3, $0x3;
	s22 =	sadd.s32 s5, s6  }
0x187: {  	[tilespmem:s23], [sflag:$0x2] =	stream.linear.gather [hbm4b:s22+s4], $0x400, $0x38;
	[tilespmem:$0x13800] =	vst v63  }
0x188: {  	s3 =	sadd.s32 s5, s3;
	s10 =	simm.s32 $0x10400  }
0x189: {  	[tilespmem:s10], [sflag:$0x2] =	stream.linear.gather [hbm4b:s3+s4], $0x400, $0x38;
	[tilespmem:$0x13800] =	vst v63  }
0x18a: {  	s11 =	sadd.s32 s1, s6;
	s12 =	simm.s32 $0x11000  }
0x18b: {  	[tilespmem:s12], [sflag:$0x2] =	stream.linear.gather [hbm4b:s11+s4], $0x400, $0x38;
	[tilespmem:$0x13800] =	vst v63  }
0x18c: {  	_ =	swait.ge [sflag:s30], $0x400  }
0x18d: {  	[sflag:s30] =	ssyncset.done $0x0  }
0x18e: {  	[sflag:s30] =	ssyncadd.s32 $0xFFFFFC00  }
0x18f: {  	_ =	swait.ge [sflag:s30], $0x400  }
0x190: {  	[sflag:s30] =	ssyncset.done $0x0  }
0x191: {  	[sflag:s30] =	ssyncadd.s32 $0xFFFFFC00  }
0x192: {  	_ =	swait.ge [sflag:s30], $0x400  }
0x193: {  	[sflag:s30] =	ssyncset.done $0x0  }
0x194: {  	[sflag:s30] =	ssyncadd.s32 $0xFFFFFC00  }
0x195: {  	_ =	swait.ge [sflag:s31], $0x80  }
0x196: {  	[sflag:s31] =	ssyncset.done $0x0  }
0x197: {  	[sflag:s31] =	ssyncadd.s32 $0xFFFFFF80  }
0x198: {  	_ =	swait.ge [sflag:s31], $0x80  }
0x199: {  	[sflag:s31] =	ssyncset.done $0x0  }
0x19a: {  	[sflag:s31] =	ssyncadd.s32 $0xFFFFFF80  }
0x19b: {  	_ =	swait.ge [sflag:s31], $0x80  }
0x19c: {  	[sflag:s31] =	ssyncset.done $0x0  }
0x19d: {  	[sflag:s31] =	ssyncadd.s32 $0xFFFFFF80  }
0x19e: {  	_ =	swait.ge [sflag:s31], $0x80  }
0x19f: {  	[sflag:s31] =	ssyncset.done $0x0  }
0x1a0: {  	[sflag:s31] =	ssyncadd.s32 $0xFFFFFF80  }
0x1a1: {  	_ =	swait.ge [sflag:s31], $0x80  }
0x1a2: {  	[sflag:s31] =	ssyncset.done $0x0  }
0x1a3: {  	[sflag:s31] =	ssyncadd.s32 $0xFFFFFF80  }
0x1a4: {  	_ =	swait.ge [sflag:s31], $0x80  }
0x1a5: {  	[sflag:s31] =	ssyncset.done $0x0  }
0x1a6: {  	[sflag:s31] =	ssyncadd.s32 $0xFFFFFF80  }
0x1a7: {  	_ =	swait.ge [sflag:s31], $0x80  }
0x1a8: {  	[sflag:s31] =	ssyncset.done $0x0  }
0x1a9: {  	[sflag:s31] =	ssyncadd.s32 $0xFFFFFF80  }
0x1aa: {  	_ =	swait.ge [sflag:s31], $0x80  }
0x1ab: {  	[sflag:s31] =	ssyncset.done $0x0  }
0x1ac: {  	s14 =	simm.s32 $0x10C00;
	[sflag:s31] =	ssyncadd.s32 $0xFFFFFF80  }
0x1ad: {  	v2 =	vld [tilespmem:s14+$0xFFFFFC70]  }
0x1ae: {  	v3 =	vld [tilespmem:s14+$0x70]  }
0x1af: {  	v4 =	vld [tilespmem:s14+$0xFFFFFC00]  }
0x1b0: {  	v5 =	vld [tilespmem:s14+$0x0]  }
0x1b1: {  	v8 =	vld [tilespmem:s14+$0xFFFFFC20]  }
0x1b2: {  	s21 =	simm.s32 $0x20;
	s16 =	sor.u32 $0x400, s19;
	v10 =	vld [tilespmem:s14+$0x20]  }
0x1b3: {  	v21 =	vor.u32 s21, v1;
	s22 =	simm.s32 $0x50;
	s23 =	simm.s32 $0x60;
	s11 =	simm.s32 $0x30;
	v16 =	vld [tilespmem:s14+$0x40]  }
0x1b4: {  	v24 =	vor.u32 s22, v1;
	v25 =	vor.u32 s23, v1;
	s3 =	smax.u32 s16, $0x1E448;
	s12 =	simm.s32 $0x40;
	v22 =	vor.u32 s11, v1;
	v6 =	vld [tilespmem:s14+$0xFFFFFC10]  }
0x1b5: {  	s6 =	simm.s32 $0x11440;
	s3 =	sadd.s32 $0xFFFE1BB8, s3;
	v23 =	vor.u32 s12, v1;
	v7 =	vld [tilespmem:s14+$0x10];
	v9 =	vadd.f32 $5.000000000e-01, v2;
	v3 =	vadd.f32 $5.000000000e-01, v3  }
0x1b6: {  	v11 =	vld [tilespmem:s6+$0x30];
	v2 =	vmov s3;
	v4 =	vadd.f32 $5.000000000e-01, v4;
	v5 =	vadd.f32 $5.000000000e-01, v5  }
0x1b7: {  	v17 =	vld [tilespmem:s14+$0x50];
	v8 =	vadd.f32 $5.000000000e-01, v8;
	v10 =	vadd.f32 $5.000000000e-01, v10;
	v9 =	vtrunc.f32 v9  }
0x1b8: {  	v16 =	vadd.f32 $5.000000000e-01, v16;
	v3 =	vtrunc.f32 v3;
	v4 =	vtrunc.f32 v4  }
0x1b9: {  	v6 =	vadd.f32 $5.000000000e-01, v6;
	v5 =	vtrunc.f32 v5;
	v8 =	vtrunc.f32 v8  }
0x1ba: {  	v7 =	vadd.f32 $5.000000000e-01, v7;
	v10 =	vtrunc.f32 v10;
	v16 =	vtrunc.f32 v16  }
0x1bb: {  	v11 =	vpsel !p0, $0x3F800000, v11;
	v9 =	vcvt.f32.s32 v9;
	v3 =	vcvt.f32.s32 v3  }
0x1bc: {  	s3 =	simm.s32 $0x70;
	v17 =	vadd.f32 $5.000000000e-01, v17;
	v19 =	vcvt.f32.s32 v4;
	v5 =	vcvt.f32.s32 v5  }
0x1bd: {  	v14 =	vld [tilespmem:s14+$0xFFFFFC40];
	v15 =	vor.u32 s3, v1;
	v8 =	vcvt.f32.s32 v8;
	v10 =	vcvt.f32.s32 v10  }
0x1be: {  	v12 =	vld [tilespmem:s14+$0xFFFFFC30];
	vm0 =	vlt.s32 v9, $0x400;
	vm1 =	vlt.s32 v3, $0x400;
	v3 =	vshll.u32 v3, $0xA  }
0x1bf: {  	v13 =	vld [tilespmem:s14+$0x30];
	vm4 =	vlt.s32 v8, $0x400;
	vm5 =	vlt.s32 v10, $0x400;
	v26 =	vshll.u32 v5, $0xA  }
0x1c0: {  	vm0 =	vmand vm0, vm1;
	vm1 =	vge.u32 v15, v2;
	v3 =	vadd.s32 v9, v3  }
0x1c1: {  	v10 =	vshll.u32 v10, $0xA;
	vm0 =	vmand vm1, vm0;
	v18 =	vand.u32 $0xFFFFF, v3  }
0x1c2: {  	v15 =	vld [tilespmem:s14+$0xFFFFFC50];
	v3 =	vtrunc.f32 v6;
	v6 =	vtrunc.f32 v7;
	v7 =	vadd.f32 $5.000000000e-01, v14  }
0x1c3: {  	v14 =	vld [tilespmem:s14+$0x60];
	vm1 =	vlt.s32 v5, $0x400;
	v9 =	vnsel vm0, $0x0, v11;
	v11 =	vadd.f32 $5.000000000e-01, v12  }
0x1c4: {  	v12 =	vadd.f32 $5.000000000e-01, v13;
	v13 =	vld [tilespmem:s14+$0xFFFFFC60];
	vm0 =	vlt.s32 v19, $0x400;
	v6 =	vcvt.f32.s32 v6  }
0x1c5: {  	v7 =	vtrunc.f32 v7;
	vm0 =	vmand vm0, vm1;
	v11 =	vtrunc.f32 v11  }
0x1c6: {  	v12 =	vtrunc.f32 v12;
	vm3 =	vlt.s32 v6, $0x400;
	v7 =	vcvt.f32.s32 v7  }
0x1c7: {  	v6 =	vshll.u32 v6, $0xA;
	v15 =	vadd.f32 $5.000000000e-01, v15;
	v11 =	vcvt.f32.s32 v11  }
0x1c8: {  	v12 =	vcvt.f32.s32 v12;
	v14 =	vadd.f32 $5.000000000e-01, v14;
	vm8 =	vlt.s32 v7, $0x400  }
0x1c9: {  	v4 =	vtrunc.f32 v15;
	v13 =	vadd.f32 $5.000000000e-01, v13;
	v15 =	vtrunc.f32 v17  }
0x1ca: {  	v17 =	vcvt.f32.s32 v3;
	vm6 =	vlt.s32 v11, $0x400;
	vm7 =	vlt.s32 v12, $0x400  }
0x1cb: {  	v27 =	vshll.u32 v12, $0xA;
	v12 =	vadd.s32 v8, v10;
	v3 =	vtrunc.f32 v13  }
0x1cc: {  	v11 =	vadd.s32 v11, v27;
	v13 =	vtrunc.f32 v14;
	v14 =	vcvt.f32.s32 v16  }
0x1cd: {  	s17 =	simm.s32 $0x10;
	vm2 =	vlt.s32 v17, $0x400;
	v16 =	vcvt.f32.s32 v4;
	v4 =	vcvt.f32.s32 v15  }
0x1ce: {  	s20 =	simm.s32 $0x0;
	v15 =	vor.u32 s17, v1;
	v20 =	vcvt.f32.s32 v3;
	v3 =	vcvt.f32.s32 v13  }
0x1cf: {  	v13 =	vor.u32 s20, v1;
	vm1 =	vmand vm2, vm3;
	vm2 =	vmand vm4, vm5  }
0x1d0: {  	vm3 =	vmand vm6, vm7;
	vm5 =	vge.u32 v15, v2;
	vm9 =	vlt.s32 v14, $0x400  }
0x1d1: {  	v63 =	vld [tilespmem:s6+$0xFFFFFFD0];
	vm10 =	vlt.s32 v16, $0x400;
	vm11 =	vlt.s32 v4, $0x400;
	v28 =	vshll.u32 v14, $0xA  }
0x1d2: {  	v5 =	vld [tilespmem:s6+$0x0];
	v29 =	vshll.u32 v4, $0xA;
	vm4 =	vge.u32 v13, v2;
	v14 =	vadd.s32 v19, v26  }
0x1d3: {  	v15 =	vld [tilespmem:s6+$0xFFFFFFC0];
	v13 =	vadd.s32 v17, v6;
	vm12 =	vlt.s32 v20, $0x400;
	vm13 =	vlt.s32 v3, $0x400  }
0x1d4: {  	v4 =	vld [tilespmem:s6+$0xFFFFFFF0];
	vm7 =	vmand vm8, vm9;
	vm8 =	vmand vm10, vm11;
	v30 =	vshll.u32 v3, $0xA  }
0x1d5: {  	v6 =	vld [tilespmem:s6+$0x10];
	vm10 =	vge.u32 v21, v2;
	vm11 =	vge.u32 v22, v2;
	vm6 =	vmand vm4, vm0  }
0x1d6: {  	vm0 =	vge.u32 v24, v2;
	v3 =	vld [tilespmem:s6+$0xFFFFFFE0];
	vm4 =	vmand vm5, vm1;
	v10 =	vadd.s32 v7, v28  }
0x1d7: {  	v8 =	vadd.s32 v16, v29;
	v7 =	vld [tilespmem:s6+$0x20];
	vm9 =	vmand vm12, vm13;
	vm12 =	vge.u32 v23, v2  }
0x1d8: {  	s8 =	simm.s32 $0x11C40;
	vm13 =	vge.u32 v25, v2;
	vm5 =	vmand vm10, vm2;
	vm3 =	vmand vm11, vm3  }
0x1d9: {  	s9 =	simm.s32 $0x12440;
	[tilespmem:s8+$0x30] =	vst v9;
	vm1 =	vmand vm0, vm8;
	v9 =	vadd.s32 v20, v30;
	vm2 =	vmand vm12, vm7  }
0x1da: {  	s10 =	simm.s32 $0x12440;
	s11 =	simm.s32 $0x0;
	s12 =	simm.s32 $0x10C80;
	[tilespmem:s9+$0x30] =	vst v18;
	vm0 =	vmand vm13, vm9;
	v16 =	vpsel !p0, $0x3F800000, v15;
	v15 =	vpsel !p0, $0x3F800000, v63  }
.LBB2_11:
0x1db: {  	v17 =	vld [tilespmem:s12+$0xFFFFFC70];
	v3 =	vpsel !p0, $0x3F800000, v3;
	v4 =	vpsel !p0, $0x3F800000, v4;
	v5 =	vpsel !p0, $0x3F800000, v5  }
0x1dc: {  	v16 =	vnsel vm6, $0x0, v16;
	v6 =	vpsel !p0, $0x3F800000, v6;
	v7 =	vpsel !p0, $0x3F800000, v7;
	v18 =	vld [tilespmem:s12+$0x70]  }
0x1dd: {  	s11 =	sadd.s32 $0x8, s11;
	v15 =	vnsel vm4, $0x0, v15;
	v3 =	vnsel vm5, $0x0, v3;
	v4 =	vnsel vm3, $0x0, v4;
	v19 =	vld [tilespmem:s12+$0xFFFFFC00];
	[tilespmem:s8+$0xFFFFFFC0] =	vst v16  }
0x1de: {  	p1 =	slt.u32 s11, $0x38;
	v5 =	vnsel vm2, $0x0, v5;
	v6 =	vnsel vm1, $0x0, v6;
	v7 =	vnsel vm0, $0x0, v7;
	v16 =	vld [tilespmem:s12+$0x0];
	[tilespmem:s8+$0xFFFFFFD0] =	vst v15  }
0x1df: {  	v14 =	vand.u32 $0xFFFFF, v14;
	v13 =	vand.u32 $0xFFFFF, v13;
	v12 =	vand.u32 $0xFFFFF, v12;
	v15 =	vld [tilespmem:s12+$0xFFFFFC10];
	[tilespmem:s8+$0xFFFFFFE0] =	vst v3  }
0x1e0: {  	v11 =	vand.u32 $0xFFFFF, v11;
	v10 =	vand.u32 $0xFFFFF, v10;
	v8 =	vand.u32 $0xFFFFF, v8;
	v3 =	vld [tilespmem:s12+$0x10];
	[tilespmem:s9+$0xFFFFFFC0] =	vst v14  }
0x1e1: {  	v9 =	vand.u32 $0xFFFFF, v9;
	v17 =	vadd.f32 $5.000000000e-01, v17;
	v14 =	vld [tilespmem:s12+$0xFFFFFC20];
	v18 =	vadd.f32 $5.000000000e-01, v18;
	[tilespmem:s9+$0xFFFFFFD0] =	vst v13  }
0x1e2: {  	s6 =	sadd.s32 $0x80, s6;
	v13 =	vadd.f32 $5.000000000e-01, v19;
	v19 =	vld [tilespmem:s12+$0x20];
	[tilespmem:s9+$0xFFFFFFE0] =	vst v12  }
0x1e3: {  	v17 =	vtrunc.f32 v17;
	v12 =	vadd.f32 $5.000000000e-01, v16;
	v16 =	vld [tilespmem:s6+$0x30];
	v18 =	vtrunc.f32 v18;
	[tilespmem:s8+$0xFFFFFFF0] =	vst v4  }
0x1e4: {  	v17 =	vcvt.f32.s32 v17;
	v4 =	vadd.f32 $5.000000000e-01, v15;
	v15 =	vld [tilespmem:s12+$0xFFFFFC30];
	v18 =	vcvt.f32.s32 v18;
	[tilespmem:s9+$0xFFFFFFF0] =	vst v11  }
0x1e5: {  	s3 =	sadd.s32 $0x80, s3;
	v11 =	vtrunc.f32 v13;
	v12 =	vtrunc.f32 v12;
	v3 =	vadd.f32 $5.000000000e-01, v3;
	v13 =	vld [tilespmem:s12+$0x30];
	[tilespmem:s8+$0x0] =	vst v5  }
0x1e6: {  	s17 =	sadd.s32 $0xFFFFFFA0, s3;
	s14 =	sadd.s32 $0xFFFFFFB0, s3;
	s16 =	sadd.s32 $0xFFFFFFC0, s3;
	v20 =	vor.u32 s3, v1;
	vm0 =	vlt.s32 v17, $0x400;
	v5 =	vld [tilespmem:s12+$0xFFFFFC40];
	vm1 =	vlt.s32 v18, $0x400;
	[tilespmem:s9+$0x0] =	vst v10  }
0x1e7: {  	s22 =	sadd.s32 $0xFFFFFFD0, s3;
	s20 =	sadd.s32 $0xFFFFFFE0, s3;
	s21 =	sadd.s32 $0xFFFFFFF0, s3;
	v10 =	vadd.f32 $5.000000000e-01, v14;
	v14 =	vld [tilespmem:s12+$0x40];
	vm0 =	vmand vm0, vm1;
	vm1 =	vge.u32 v20, v2;
	[tilespmem:s8+$0x10] =	vst v6  }
0x1e8: {  	s23 =	sadd.s32 $0xFFFFFF90, s3;
	v18 =	vshll.u32 v18, $0xA;
	v6 =	vld [tilespmem:s12+$0xFFFFFC50];
	vm0 =	vmand vm1, vm0;
	v16 =	vpsel !p0, $0x3F800000, v16;
	[tilespmem:s9+$0x10] =	vst v8  }
0x1e9: {  	v17 =	vadd.s32 v17, v18;
	v8 =	vadd.f32 $5.000000000e-01, v19;
	v19 =	vld [tilespmem:s12+$0x50];
	v16 =	vnsel vm0, $0x0, v16;
	[tilespmem:s8+$0x20] =	vst v7;
	s8 =	sadd.s32 $0x80, s8  }
0x1ea: {  	v17 =	vand.u32 $0xFFFFF, v17;
	s9 =	sadd.s32 $0x80, s9;
	v7 =	vadd.f32 $5.000000000e-01, v15;
	v13 =	vadd.f32 $5.000000000e-01, v13;
	v15 =	vld [tilespmem:s12+$0xFFFFFC60];
	[tilespmem:s8+$0x30] =	vst v16  }
0x1eb: {  	v18 =	vtrunc.f32 v3;
	v16 =	vtrunc.f32 v4;
	v4 =	vadd.f32 $5.000000000e-01, v5;
	v20 =	vld [tilespmem:s12+$0x60];
	[tilespmem:s9+$0x30] =	vst v17  }
0x1ec: {  	v10 =	vtrunc.f32 v10;
	v8 =	vtrunc.f32 v8;
	v17 =	vld [tilespmem:s6+$0xFFFFFFC0];
	v5 =	vadd.f32 $5.000000000e-01, v14;
	[tilespmem:s10+$0x20] =	vst v9;
	s10 =	smov.u32 s9  }
0x1ed: {  	v14 =	vtrunc.f32 v7;
	v13 =	vtrunc.f32 v13;
	v9 =	vld [tilespmem:s6+$0xFFFFFFD0];
	v6 =	vadd.f32 $5.000000000e-01, v6  }
0x1ee: {  	v21 =	vtrunc.f32 v4;
	v3 =	vld [tilespmem:s6+$0xFFFFFFE0];
	v22 =	vtrunc.f32 v5;
	v7 =	vadd.f32 $5.000000000e-01, v19  }
0x1ef: {  	v11 =	vcvt.f32.s32 v11;
	v4 =	vld [tilespmem:s6+$0xFFFFFFF0];
	v19 =	vtrunc.f32 v6;
	v15 =	vadd.f32 $5.000000000e-01, v15  }
0x1f0: {  	v12 =	vcvt.f32.s32 v12;
	v5 =	vld [tilespmem:s6+$0x0];
	v23 =	vtrunc.f32 v7;
	v20 =	vadd.f32 $5.000000000e-01, v20  }
0x1f1: {  	vm0 =	vlt.s32 v11, $0x400;
	v16 =	vcvt.f32.s32 v16;
	v6 =	vld [tilespmem:s6+$0x10];
	v15 =	vtrunc.f32 v15  }
0x1f2: {  	vm1 =	vlt.s32 v12, $0x400;
	v18 =	vcvt.f32.s32 v18;
	v7 =	vld [tilespmem:s6+$0x20];
	v20 =	vtrunc.f32 v20  }
0x1f3: {  	v10 =	vcvt.f32.s32 v10;
	v8 =	vcvt.f32.s32 v8;
	vm2 =	vlt.s32 v16, $0x400  }
0x1f4: {  	vm3 =	vlt.s32 v18, $0x400;
	v24 =	vcvt.f32.s32 v14;
	v13 =	vcvt.f32.s32 v13  }
0x1f5: {  	vm4 =	vlt.s32 v10, $0x400;
	v21 =	vcvt.f32.s32 v21;
	v14 =	vcvt.f32.s32 v22  }
0x1f6: {  	vm5 =	vlt.s32 v8, $0x400;
	v19 =	vcvt.f32.s32 v19;
	v22 =	vcvt.f32.s32 v23  }
0x1f7: {  	vm6 =	vlt.s32 v24, $0x400;
	v23 =	vcvt.f32.s32 v15;
	v15 =	vcvt.f32.s32 v20  }
0x1f8: {  	vm7 =	vlt.s32 v13, $0x400;
	vm8 =	vlt.s32 v21, $0x400;
	vm9 =	vlt.s32 v14, $0x400  }
0x1f9: {  	vm10 =	vlt.s32 v19, $0x400;
	vm11 =	vlt.s32 v22, $0x400;
	vm12 =	vlt.s32 v23, $0x400  }
0x1fa: {  	v25 =	vor.u32 s17, v1;
	v20 =	vor.u32 s23, v1;
	vm13 =	vlt.s32 v15, $0x400  }
0x1fb: {  	v26 =	vor.u32 s14, v1;
	v27 =	vor.u32 s16, v1;
	v28 =	vor.u32 s22, v1  }
0x1fc: {  	v29 =	vor.u32 s20, v1;
	v30 =	vor.u32 s21, v1;
	vm0 =	vmand vm0, vm1  }
0x1fd: {  	vm1 =	vmand vm2, vm3;
	vm2 =	vmand vm4, vm5;
	vm3 =	vmand vm6, vm7  }
0x1fe: {  	vm7 =	vmand vm8, vm9;
	vm8 =	vmand vm10, vm11;
	vm9 =	vmand vm12, vm13  }
0x1ff: {  	v12 =	vshll.u32 v12, $0xA;
	v18 =	vshll.u32 v18, $0xA;
	v8 =	vshll.u32 v8, $0xA  }
0x200: {  	v31 =	vshll.u32 v13, $0xA;
	v32 =	vshll.u32 v14, $0xA;
	v22 =	vshll.u32 v22, $0xA  }
0x201: {  	vm5 =	vge.u32 v25, v2;
	vm4 =	vge.u32 v20, v2;
	v20 =	vshll.u32 v15, $0xA  }
0x202: {  	vm10 =	vge.u32 v26, v2;
	vm11 =	vge.u32 v27, v2;
	vm12 =	vge.u32 v28, v2  }
0x203: {  	vm6 =	vmand vm4, vm0;
	vm0 =	vge.u32 v29, v2;
	vm13 =	vge.u32 v30, v2  }
.Ltmp4:
0x204: {  	vm4 =	vmand vm5, vm1;
	vm5 =	vmand vm10, vm2;
	vm3 =	vmand vm11, vm3;
	(pc) =	sbr.rel @p1 .LBB2_11-.Ltmp4, $4  }
0x205: {  	vm1 =	vmand vm0, vm8;
	vm2 =	vmand vm12, vm7;
	vm0 =	vmand vm13, vm9  }
0x206: {  	v13 =	vadd.s32 v16, v18;
	v14 =	vadd.s32 v11, v12;
	v12 =	vadd.s32 v10, v8  }
0x207: {  	v11 =	vadd.s32 v24, v31;
	v10 =	vadd.s32 v21, v32;
	v8 =	vadd.s32 v19, v22  }
0x208: {  	s12 =	sadd.s32 $0x80, s12;
	v16 =	vpsel !p0, $0x3F800000, v17;
	v15 =	vpsel !p0, $0x3F800000, v9;
	v9 =	vadd.s32 v23, v20  }
0x209: {  	v2 =	vnsel vm6, $0x0, v16  }
0x20a: {  	v3 =	vpsel !p0, $0x3F800000, v3;
	[tilespmem:s8+$0xFFFFFFC0] =	vst v2;
	v2 =	vnsel vm4, $0x0, v15  }
0x20b: {  	v3 =	vnsel vm5, $0x0, v3;
	[tilespmem:s8+$0xFFFFFFD0] =	vst v2  }
0x20c: {  	v2 =	vand.u32 $0xFFFFF, v14;
	[tilespmem:s8+$0xFFFFFFE0] =	vst v3  }
0x20d: {  	v3 =	vand.u32 $0xFFFFF, v13;
	[tilespmem:s9+$0xFFFFFFC0] =	vst v2  }
0x20e: {  	v60 =	vand.u32 $0xFFFFF, v12;
	v2 =	vpsel !p0, $0x3F800000, v4;
	[tilespmem:s9+$0xFFFFFFD0] =	vst v3  }
0x20f: {  	[tilespmem:s9+$0xFFFFFFE0] =	vst v60;
	v2 =	vnsel vm3, $0x0, v2  }
0x210: {  	v61 =	vand.u32 $0xFFFFF, v11;
	v3 =	vpsel !p0, $0x3F800000, v5;
	[tilespmem:s8+$0xFFFFFFF0] =	vst v2  }
0x211: {  	v2 =	vnsel vm2, $0x0, v3;
	[tilespmem:s9+$0xFFFFFFF0] =	vst v61  }
0x212: {  	v62 =	vand.u32 $0xFFFFF, v10;
	v3 =	vpsel !p0, $0x3F800000, v6;
	[tilespmem:s8+$0x0] =	vst v2  }
0x213: {  	v2 =	vnsel vm1, $0x0, v3;
	[tilespmem:s9+$0x0] =	vst v62  }
0x214: {  	v63 =	vand.u32 $0xFFFFF, v8;
	v3 =	vpsel !p0, $0x3F800000, v7;
	[tilespmem:s8+$0x10] =	vst v2  }
0x215: {  	v2 =	vnsel vm0, $0x0, v3;
	[tilespmem:s9+$0x10] =	vst v63  }
0x216: {  	v3 =	vand.u32 $0xFFFFF, v9;
	[tilespmem:s8+$0x20] =	vst v2  }
0x217: {  	s3 =	simm.s32 $0x12400;
	s6 =	simm.s32 $0x11C00;
	[tilespmem:s10+$0x20] =	vst v3  }
0x218: {  	[spmem:s2] =	stream.indirect.scatter.add.f32 [tilespmem:s6], [sflag:$0x5], $0x1, s3, s15, $0xb8;
	[tilespmem:$0x13800] =	vst v63  }
0x219: {  	s20 =	simm.s32 $0x12480;
	s21 =	simm.s32 $0x11C80  }
0x21a: {  	[spmem:s2] =	stream.indirect.scatter.add.f32 [tilespmem:s21], [sflag:$0x5], $0x1, s20, s15, $0xb8;
	[tilespmem:$0x13800] =	vst v63  }
0x21b: {  	s22 =	simm.s32 $0x12500;
	s23 =	simm.s32 $0x11D00  }
0x21c: {  	[spmem:s2] =	stream.indirect.scatter.add.f32 [tilespmem:s23], [sflag:$0x5], $0x1, s22, s15, $0xb8;
	[tilespmem:$0x13800] =	vst v63  }
0x21d: {  	s8 =	simm.s32 $0x11D80;
	s6 =	simm.s32 $0x12580  }
0x21e: {  	[spmem:s2] =	stream.indirect.scatter.add.f32 [tilespmem:s8], [sflag:$0x5], $0x1, s6, s15, $0xb8;
	[tilespmem:$0x13800] =	vst v63  }
0x21f: {  	s16 =	smin.u32 s19, $0x1D848;
	s9 =	simm.s32 $0x12600;
	s10 =	simm.s32 $0x11E00  }
0x220: {  	[spmem:s2] =	stream.indirect.scatter.add.f32 [tilespmem:s10], [sflag:$0x5], $0x1, s9, s15, $0xb8;
	[tilespmem:$0x13800] =	vst v63  }
0x221: {  	s11 =	simm.s32 $0x12680;
	s12 =	simm.s32 $0x11E80;
	s3 =	sadd.s32 $0xC00, s16  }
0x222: {  	[spmem:s2] =	stream.indirect.scatter.add.f32 [tilespmem:s12], [sflag:$0x5], $0x1, s11, s15, $0xb8;
	[tilespmem:$0x13800] =	vst v63  }
0x223: {  	s14 =	simm.s32 $0x12700;
	s0 =	sadd.s32 $0x1, s0;
	s17 =	sadd.s32 s13, s3  }
0x224: {  	[spmem:s2] =	stream.indirect.scatter.add.f32 [tilespmem:s24], [sflag:$0x5], $0x1, s14, s15, $0xb8;
	[tilespmem:$0x13800] =	vst v63  }
0x225: {  	p1 =	sne.s32 s0, $0x3E;
	s6 =	sshrl.u32 s17, $0x3  }
0x226: {  	[spmem:s2] =	stream.indirect.scatter.add.f32 [tilespmem:s26], [sflag:$0x5], $0x1, s25, s15, $0xb8;
	[tilespmem:$0x13800] =	vst v63  }
0x227: {  	s3 =	sadd.s32 s18, s3;
	s20 =	simm.s32 $0x10800;
	s19 =	sadd.s32 s5, s6  }
0x228: {  	[tilespmem:s20], [sflag:$0x3] =	stream.linear.gather [hbm4b:s19+s4], $0x400, $0x38;
	[tilespmem:$0x13800] =	vst v63  }
.Ltmp5:
0x229: {  	s3 =	sshrl.u32 s3, $0x3;
	(pc) =	sbr.rel @p1 .LBB2_8-.Ltmp5, $4  }
0x22a: {  	s21 =	simm.s32 $0x10C00;
	s3 =	sadd.s32 s5, s3  }
0x22b: {  	[tilespmem:s21], [sflag:$0x3] =	stream.linear.gather [hbm4b:s3+s4], $0x400, $0x38;
	[tilespmem:$0x13800] =	vst v63  }
0x22c: {  	s23 =	simm.s32 $0x11400;
	s22 =	sadd.s32 s1, s6  }
0x22d: {  	[tilespmem:s23], [sflag:$0x3] =	stream.linear.gather [hbm4b:s22+s4], $0x400, $0x38;
	[tilespmem:$0x13800] =	vst v63  }
0x22e: {  	_ =	swait.ge [sflag:s29], $0x80  }
0x22f: {  	[sflag:s29] =	ssyncset.done $0x0  }
0x230: {  	[sflag:s29] =	ssyncadd.s32 $0xFFFFFF80  }
0x231: {  	_ =	swait.ge [sflag:s29], $0x80  }
0x232: {  	[sflag:s29] =	ssyncset.done $0x0  }
0x233: {  	[sflag:s29] =	ssyncadd.s32 $0xFFFFFF80  }
0x234: {  	_ =	swait.ge [sflag:s29], $0x80  }
0x235: {  	[sflag:s29] =	ssyncset.done $0x0  }
0x236: {  	[sflag:s29] =	ssyncadd.s32 $0xFFFFFF80  }
0x237: {  	_ =	swait.ge [sflag:s29], $0x80  }
0x238: {  	[sflag:s29] =	ssyncset.done $0x0  }
0x239: {  	[sflag:s29] =	ssyncadd.s32 $0xFFFFFF80  }
0x23a: {  	_ =	swait.ge [sflag:s29], $0x80  }
0x23b: {  	[sflag:s29] =	ssyncset.done $0x0  }
0x23c: {  	[sflag:s29] =	ssyncadd.s32 $0xFFFFFF80  }
0x23d: {  	_ =	swait.ge [sflag:s29], $0x80  }
0x23e: {  	[sflag:s29] =	ssyncset.done $0x0  }
0x23f: {  	[sflag:s29] =	ssyncadd.s32 $0xFFFFFF80  }
0x240: {  	_ =	swait.ge [sflag:s29], $0x80  }
0x241: {  	[sflag:s29] =	ssyncset.done $0x0  }
0x242: {  	[sflag:s29] =	ssyncadd.s32 $0xFFFFFF80  }
0x243: {  	_ =	swait.ge [sflag:s29], $0x80  }
0x244: {  	[sflag:s29] =	ssyncset.done $0x0  }
0x245: {  	[sflag:s29] =	ssyncadd.s32 $0xFFFFFF80  }
0x246: {  	_ =	swait.ge [sflag:s31], $0x80  }
0x247: {  	[sflag:s31] =	ssyncset.done $0x0  }
0x248: {  	[sflag:s31] =	ssyncadd.s32 $0xFFFFFF80  }
0x249: {  	_ =	swait.ge [sflag:s31], $0x80  }
0x24a: {  	[sflag:s31] =	ssyncset.done $0x0  }
0x24b: {  	[sflag:s31] =	ssyncadd.s32 $0xFFFFFF80  }
0x24c: {  	_ =	swait.ge [sflag:s31], $0x80  }
0x24d: {  	[sflag:s31] =	ssyncset.done $0x0  }
0x24e: {  	[sflag:s31] =	ssyncadd.s32 $0xFFFFFF80  }
0x24f: {  	_ =	swait.ge [sflag:s31], $0x80  }
0x250: {  	[sflag:s31] =	ssyncset.done $0x0  }
0x251: {  	[sflag:s31] =	ssyncadd.s32 $0xFFFFFF80  }
0x252: {  	_ =	swait.ge [sflag:s31], $0x80  }
0x253: {  	[sflag:s31] =	ssyncset.done $0x0  }
0x254: {  	[sflag:s31] =	ssyncadd.s32 $0xFFFFFF80  }
0x255: {  	_ =	swait.ge [sflag:s31], $0x80  }
0x256: {  	[sflag:s31] =	ssyncset.done $0x0  }
0x257: {  	[sflag:s31] =	ssyncadd.s32 $0xFFFFFF80  }
0x258: {  	_ =	swait.ge [sflag:s31], $0x80  }
0x259: {  	[sflag:s31] =	ssyncset.done $0x0  }
0x25a: {  	[sflag:s31] =	ssyncadd.s32 $0xFFFFFF80  }
0x25b: {  	_ =	swait.ge [sflag:s31], $0x80  }
0x25c: {  	[sflag:s31] =	ssyncset.done $0x0  }
0x25d: {  	[sflag:s31] =	ssyncadd.s32 $0xFFFFFF80  }
0x25e: {  	_ =	swait.ge [sflag:s28], $0x400  }
0x25f: {  	[sflag:s28] =	ssyncset.done $0x0  }
0x260: {  	[sflag:s28] =	ssyncadd.s32 $0xFFFFFC00  }
0x261: {  	_ =	swait.ge [sflag:s28], $0x400  }
0x262: {  	[sflag:s28] =	ssyncset.done $0x0  }
0x263: {  	[sflag:s28] =	ssyncadd.s32 $0xFFFFFC00  }
0x264: {  	_ =	swait.ge [sflag:s28], $0x400  }
0x265: {  	[sflag:s28] =	ssyncset.done $0x0  }
0x266: {  	[sflag:s28] =	ssyncadd.s32 $0xFFFFFC00  }
0x267: {  	_ =	swait.ge [sflag:s30], $0x400  }
0x268: {  	[sflag:s30] =	ssyncset.done $0x0  }
0x269: {  	[sflag:s30] =	ssyncadd.s32 $0xFFFFFC00  }
0x26a: {  	_ =	swait.ge [sflag:s30], $0x400  }
0x26b: {  	[sflag:s30] =	ssyncset.done $0x0  }
0x26c: {  	[sflag:s30] =	ssyncadd.s32 $0xFFFFFC00  }
0x26d: {  	_ =	swait.ge [sflag:s30], $0x400  }
0x26e: {  	[sflag:s30] =	ssyncset.done $0x0  }
0x26f: {  	[sflag:s30] =	ssyncadd.s32 $0xFFFFFC00  }
0x270: {  	s0 =	stileid.u32;
	[bflag:$0x0] =	sbarrier.arrive $0xFFFF  }
0x271: {  	s21 =	simm.s32 $0x6;
	s0 =	sshll.u32 s0, $0x6;
	s11 =	rddreg [dreg:$0x4]  }
0x272: {  	s0 =	sor.u32 $0x1C06, s0;
	s6 =	rddreg [dreg:$0x14];
	s3 =	sshrl.u32 s11, $0x3  }
0x273: {  	[hbm:s6], [sflag:s0] =	dma.local [spmem:s3], $0x2000  }
0x274: {  	_ =	swait.ge [sflag:s21], $0x2000  }
0x275: {  	s22 =	rddreg [dreg:$0x1c]  }
0x276: {  	s23 =	rddreg [dreg:$0x15];
	s6 =	sadd.s32 $0x1, s22  }
0x277: {  	p1 =	sne.s32 s6, s23  }
.Ltmp6:
0x278: {  	_ = 	snop;
	(pc) =	sbr.rel @p1 .LBB2_1-.Ltmp6, $3  }
0x279: {  	_ =	sdelay $0x1  }
0x27a: {  	[sflag:s21] =	ssyncset.done $0x0  }
0x27b: {  	[sflag:s21] =	ssyncadd.s32 $0xFFFFE000  }
0x27c: {  	_ =	sfence.sel $0x180000  }
0x27d: {  	[bflag:$0x0] =	sbarrier.arrive $0xFFFF  }
0x27e: {  	_ =	strace $0x90000047  }
0x27f: {  	s0 =	stileid.u32;
	[bflag:$0x2] =	sbarrier.arrive $0xFFFF  }
0x280: {  	p0 =	sne.s32 s0, $0x0;
	s0 =	rddreg [dreg:$0x3]  }
0x281: {  	s0 =	sadd.s32 @!p0 $0x100000, s0  }
0x282: {  	[sflag:s0] =	ssyncadd.tile.s32 @!p0 $0x1;
	_ =	shalt  }
.Lfunc_end2:
_tile_overlayer_lowered:
.L_overlay_start_2:
0x283: {  	(tag) =	ssettag $0x2  }
0x284: {  	s0 =	rddreg [dreg:$0x0];
	s2 =	stileid.u32  }
0x285: {  	s1 =	rddreg [dreg:$0x1];
	p0 =	sne.s32 s2, $0x0  }
0x286: {  	s3 =	rddreg [dreg:$0x2];
	[bflag:$0x3] =	sbarrier.arrive $0xFFFF;
	s2 =	simm.s32 @!p0 $0x1C06  }
0x287: {  	[timem:s3], [sflag:s2] =	dma.local @!p0 [hbm:s0], s1  }
0x288: {  	s0 =	simm.s32 @!p0 $0x6  }
0x289: {  	_ =	swait.ge @!p0 [sflag:s0], s1  }
0x28a: {  	s1 =	ssub.s32 @!p0 $0x0, s1;
	[sflag:s0] =	ssyncset.done @!p0 $0x0  }
0x28b: {  	[sflag:s0] =	ssyncadd.s32 @!p0 s1  }
0x28c: {  	[bflag:$0x3] =	sbarrier.arrive $0xFFFF  }
0x28d: {  	_ =	shalt  }

</sc_bundles>
